<compile_context>
chip_gen: v7x
topology: tpu7x:2x2x1
jax: 0.10.2.dev20260603
libtpu: 0.0.44.dev20260713+nightly
codegen_flags: <defaults>
</compile_context>

<pallas_src>
import jax
import jax.numpy as jnp
from jax import lax
from jax.experimental import pallas as pl
from jax.experimental.pallas import tpu as pltpu
from jax.experimental.pallas import tpu_sc as plsc

N = 10000
E = 320000
D = 128
H = 64
G = 128

NTILES = 32
ROWS_PER_TILE = 640
NPAD = NTILES * ROWS_PER_TILE // 2
CHUNK = 128
NCHUNK = 80
ZROWS = 64
EPAD = NTILES * NCHUNK * CHUNK

_f32 = jnp.float32


def _make_sc_body(w, nbuf, npass):
    def body(t_hbm, src_hbm, dst_hbm, out_hbm, idx_s, idx_d, rows, zbuf,
             acc, sem):
        c = lax.axis_index("c")
        s = lax.axis_index("s")
        wid = c * 16 + s

        def _zrow(i, carry):
            for k in range(w // 16):
                zbuf[i, pl.ds(k * 16, 16)] = jnp.zeros((16,), _f32)
            return carry

        lax.fori_loop(0, ZROWS, _zrow, 0)

        pltpu.sync_copy(src_hbm.at[wid], idx_s)
        pltpu.sync_copy(dst_hbm.at[wid], idx_d)

        sl = pl.ds(s * ROWS_PER_TILE, ROWS_PER_TILE)
        for p in range(npass):
            tp = t_hbm.at[p] if npass > 1 else t_hbm

            def _zcopy(i, carry):
                pltpu.sync_copy(
                    zbuf, acc.at[pl.ds(s * ROWS_PER_TILE + i * ZROWS,
                                       ZROWS)])
                return carry

            lax.fori_loop(0, ROWS_PER_TILE // ZROWS, _zcopy, 0)
            plsc.subcore_barrier()

            for b in range(nbuf):
                pltpu.async_copy(tp.at[idx_s.at[b]], rows.at[b], sem.at[b])

            def _grp(g, carry):
                j0 = g * nbuf
                for b in range(nbuf):
                    j = j0 + b
                    pltpu.make_async_copy(tp.at[idx_s.at[j]], rows.at[b],
                                          sem.at[b]).wait()
                    pltpu.sync_copy(rows.at[b], acc.at[idx_d.at[j]],
                                    add=True)

                    @pl.when(j + nbuf < NCHUNK)
                    def _():
                        pltpu.async_copy(tp.at[idx_s.at[j + nbuf]],
                                         rows.at[b], sem.at[b])
                return carry

            lax.fori_loop(0, NCHUNK // nbuf, _grp, 0)
            plsc.subcore_barrier()

            pltpu.sync_copy(acc.at[sl], out_hbm.at[2 * p + c].at[sl])

    return body


def _make_sc_segsum(w, nbuf, npass):
    body = _make_sc_body(w, nbuf, npass)

    def segsum(t, src_r, dst_r):
        mesh = plsc.VectorSubcoreMesh(core_axis_name="c",
                                      subcore_axis_name="s")
        kfn = pl.kernel(
            body,
            out_type=jax.ShapeDtypeStruct((2 * npass, NPAD, w), _f32),
            mesh=mesh,
            scratch_types=[
                pltpu.VMEM((NCHUNK, CHUNK), jnp.int32),
                pltpu.VMEM((NCHUNK, CHUNK), jnp.int32),
                pltpu.VMEM((nbuf, CHUNK, w), _f32),
                pltpu.VMEM((ZROWS, w), _f32),
                pltpu.VMEM_SHARED((NPAD, w), _f32),
                pltpu.SemaphoreType.DMA((nbuf,)),
            ],
            compiler_params=pltpu.CompilerParams(use_tc_tiling_on_sc=False),
        )
        return kfn(t, src_r, dst_r)

    return segsum


_sc_segsum_narrow = _make_sc_segsum(H, 4, 1)
_sc_segsum_dual = _make_sc_segsum(H, 4, 2)


def _bf(x):
    return x.astype(jnp.bfloat16)


def _group_mask(batch_row):
    g_iota = lax.broadcasted_iota(jnp.int32, (G, NPAD), 0)
    return (batch_row[None, :] == g_iota).astype(_f32)


def _masked_bn(z, nmask, g, b):
    mu = jnp.sum(z * nmask, axis=0, keepdims=True) * (1.0 / N)
    zc = z - mu
    var = jnp.sum(zc * zc * nmask, axis=0, keepdims=True) * (1.0 / N)
    v = var + 1e-5
    r0 = lax.rsqrt(v)
    r = r0 * (1.5 - 0.5 * v * r0 * r0)
    return g * zc * r + b


def _tc_pool0_body(x_ref, batch_ref, pool_ref):
    pool_ref[...] = jnp.dot(_group_mask(batch_ref[...]), x_ref[...],
                            preferred_element_type=_f32,
                            precision=lax.Precision.HIGHEST)


def _conv_tail(z, g1, be1, w2, b2, g2, be2, batch_ref, nmask):
    z = _masked_bn(z, nmask, g1[...], be1[...])
    r = jnp.maximum(z, 0.0) * nmask
    v = jnp.dot(_bf(r), _bf(w2[...]), preferred_element_type=_f32) + b2[...]
    v = _masked_bn(v, nmask, g2[...], be2[...])
    h = jnp.maximum(v, 0.0) * nmask
    pool = jnp.dot(_group_mask(batch_ref[...]), h,
                   preferred_element_type=_f32,
                   precision=lax.Precision.HIGHEST)
    return h, pool


def _tc_conv0_body(x_ref, parts_ref, w1, b1, g1, be1, w2, b2, g2, be2,
                   batch_ref, h_ref, pool_ref):
    nmask = (lax.broadcasted_iota(jnp.int32, (NPAD, 1), 0) < N).astype(_f32)
    agg = jnp.concatenate(
        [parts_ref[0] + parts_ref[1], parts_ref[2] + parts_ref[3]], axis=1)
    t = x_ref[...] + agg
    z = jnp.dot(_bf(t), _bf(w1[...]), preferred_element_type=_f32) + b1[...]
    h, pool = _conv_tail(z, g1, be1, w2, b2, g2, be2, batch_ref, nmask)
    h_ref[...] = h
    pool_ref[...] = pool


def _tc_conv_body(t_ref, parts_ref, w1, b1, g1, be1, w2, b2, g2, be2,
                  batch_ref, h_ref, pool_ref):
    nmask = (lax.broadcasted_iota(jnp.int32, (NPAD, 1), 0) < N).astype(_f32)
    t = t_ref[...] + parts_ref[0] + parts_ref[1]
    z = jnp.dot(_bf(t), _bf(w1[...]), preferred_element_type=_f32) + b1[...]
    h, pool = _conv_tail(z, g1, be1, w2, b2, g2, be2, batch_ref, nmask)
    h_ref[...] = h
    pool_ref[...] = pool


def _tc_head_body(p0, p1, p2, p3, lw0, lb0, lw1, lb1, y_ref):
    hcat = jnp.concatenate([p0[...], p1[...], p2[...], p3[...]], axis=1)
    y = jnp.dot(_bf(hcat), _bf(lw0[...]), preferred_element_type=_f32) \
        + lb0[...]
    y = jnp.maximum(y, 0.0)
    y_ref[...] = jnp.dot(_bf(y), _bf(lw1[...]), preferred_element_type=_f32) \
        + lb1[...]


def _tc_conv(body, t, parts, cp, batch_pad):
    return pl.pallas_call(
        body,
        out_shape=[jax.ShapeDtypeStruct((NPAD, H), _f32),
                   jax.ShapeDtypeStruct((G, H), _f32)],
    )(t, parts, cp["w1"], cp["b1"], cp["bng"], cp["bnb"], cp["w2"],
      cp["b2"], cp["og"], cp["ob"], batch_pad)


def kernel(x, edge_index, batch, params):
    x_pad = jnp.zeros((NPAD, D), _f32).at[:N].set(x)
    batch_pad = jnp.zeros((NPAD,), jnp.int32).at[:N].set(batch)
    pad_pt = NCHUNK * CHUNK - E // NTILES
    fake = jnp.broadcast_to(
        (N + jnp.arange(pad_pt, dtype=jnp.int32))[None], (NTILES, pad_pt))
    src_r = jnp.concatenate(
        [edge_index[0].reshape(NTILES, -1), fake], axis=1).reshape(
            NTILES, NCHUNK, CHUNK)
    dst_r = jnp.concatenate(
        [edge_index[1].reshape(NTILES, -1), fake], axis=1).reshape(
            NTILES, NCHUNK, CHUNK)

    row = lambda v: v.reshape(1, -1)

    def conv_params(i):
        cp = params["convs"][i]
        ob = params["obn"][i]
        return {"w1": cp["w1"], "b1": row(cp["b1"]), "bng": row(cp["bng"]),
                "bnb": row(cp["bnb"]), "w2": cp["w2"], "b2": row(cp["b2"]),
                "og": row(ob["g"]), "ob": row(ob["b"])}

    pool0 = pl.pallas_call(
        _tc_pool0_body,
        out_shape=jax.ShapeDtypeStruct((G, D), _f32),
    )(x_pad, batch_pad)

    x2 = jnp.stack([x_pad[:, :H], x_pad[:, H:]])
    parts0 = _sc_segsum_dual(x2, src_r, dst_r)
    h1, pool1 = _tc_conv(_tc_conv0_body, x_pad, parts0, conv_params(0),
                         batch_pad)

    cp12 = jax.tree.map(lambda a, b: jnp.stack([a, b]),
                        conv_params(1), conv_params(2))

    def _step(h, cp):
        parts = _sc_segsum_narrow(h, src_r, dst_r)
        hn, pool = _tc_conv(_tc_conv_body, h, parts, cp, batch_pad)
        return hn, pool

    _, pools = lax.scan(_step, h1, cp12)

    lins = params["lins"]
    y = pl.pallas_call(
        _tc_head_body,
        out_shape=jax.ShapeDtypeStruct((G, 1), _f32),
    )(pool0, pool1, pools[0], pools[1],
      lins[0]["w"], row(lins[0]["b"]), lins[1]["w"], row(lins[1]["b"]))
    return y.reshape(-1)

# --- scband reference (transcript-rebuilt; emitter-appended) ---
"""Pipeline reference for scband-ginconcat-83811991814531 (READ-ONLY COPY).

The authoritative reference and input builder live on the scoring server;
editing this copy changes nothing except your own understanding.
"""

import jax, jax.numpy as jnp
import numpy as np

N = 10000
E = 320000
D = 128
H = 64
G = 128
N_CONVS = 3


def _linear_params(key, fan_in, fan_out):
    kw, kb = jax.random.split(key)
    w = jax.random.normal(kw, (fan_in, fan_out), dtype=jnp.float32) / np.sqrt(fan_in)
    b = jnp.zeros((fan_out,), dtype=jnp.float32)
    return w, b


def setup_inputs(seed: int = 0):
    key = jax.random.key(seed)
    keys = jax.random.split(key, 16)
    x = jax.random.normal(keys[0], (N, D), dtype=jnp.float32)
    edge_index = jax.random.randint(keys[1], (2, E), 0, N, dtype=jnp.int32)
    batch = jnp.sort(jax.random.randint(keys[2], (N,), 0, G, dtype=jnp.int32))
    convs = []
    for i in range(N_CONVS):
        fi = D if i == 0 else H
        w1, b1 = _linear_params(keys[3 + 2 * i], fi, H)
        w2, b2 = _linear_params(keys[4 + 2 * i], H, H)
        convs.append({"w1": w1, "b1": b1, "bng": jnp.ones((H,), jnp.float32), "bnb": jnp.zeros((H,), jnp.float32), "w2": w2, "b2": b2})
    obn = [{"g": jnp.ones((H,), jnp.float32), "b": jnp.zeros((H,), jnp.float32)} for _ in range(N_CONVS)]
    lin_dim = H * N_CONVS + D
    lw0, lb0 = _linear_params(keys[10], lin_dim, H)
    lw1, lb1 = _linear_params(keys[11], H, 1)
    params = {"convs": convs, "obn": obn, "lins": [{"w": lw0, "b": lb0}, {"w": lw1, "b": lb1}]}
    return {"x": x, "edge_index": edge_index, "batch": batch, "params": params}


def _batchnorm(z, g, b):
    mu = jnp.mean(z, axis=0)
    var = jnp.var(z, axis=0)
    return g * (z - mu) * jax.lax.rsqrt(var + 1e-5) + b


def _forward(x, params, edge_index, batch):
    src = edge_index[0]
    dst = edge_index[1]
    h = x
    # readout == 'concat': global_add_pool of input features first
    h_out = [jax.ops.segment_sum(h, batch, num_segments=G)]
    for i in range(N_CONVS):
        p = params["convs"][i]
        # GINConv (eps=0): mlp((1+eps)*x + sum_{j in N(i)} x_j), aggregate at dst
        agg = jax.ops.segment_sum(h[src], dst, num_segments=N)
        z = h + agg
        # inner MLP (n_mlp_linear=2): lin1 -> BN -> relu -> lin2
        z = z @ p["w1"] + p["b1"]
        z = _batchnorm(z, p["bng"], p["bnb"])
        z = jax.nn.relu(z)
        z = z @ p["w2"] + p["b2"]
        # outer BN + relu
        ob = params["obn"][i]
        z = _batchnorm(z, ob["g"], ob["b"])
        h = jax.nn.relu(z)
        h_out.append(jax.ops.segment_sum(h, batch, num_segments=G))
    hcat = jnp.concatenate(h_out, axis=1)  # [G, 3*H + D]
    # apply_layer_dropout_relu (eval mode -> dropout is identity): lin0 -> relu -> lin1
    y = hcat @ params["lins"][0]["w"] + params["lins"][0]["b"]
    y = jax.nn.relu(y)
    y = y @ params["lins"][1]["w"] + params["lins"][1]["b"]
    return y.reshape(-1)


def reference(x, edge_index, batch, params):
    return _forward(x, params, edge_index, batch)

if __name__ == "__main__":
    import jax
    _d = setup_inputs()
    print(jax.jit(kernel)(*tuple(_d.values())))

</pallas_src>

<mosaic_0001>
#map = affine_map<(d0, d1) -> (0, 0)>
#map1 = affine_map<(d0, d1) -> (0, 0, 0)>
module attributes {stable_mosaic.version = 14 : i64} {
  func.func @body(%arg0: i32, %arg1: i32, %arg2: memref<10240x64xf32, #tpu.memory_space<hbm>>, %arg3: memref<32x80x128xi32, #tpu.memory_space<hbm>>, %arg4: memref<32x80x128xi32, #tpu.memory_space<hbm>>, %arg5: memref<2x10240x64xf32, #tpu.memory_space<hbm>>, %arg6: memref<80x128xi32, #tpu.memory_space<vmem>>, %arg7: memref<80x128xi32, #tpu.memory_space<vmem>>, %arg8: memref<4x128x64xf32, #tpu.memory_space<vmem>>, %arg9: memref<64x64xf32, #tpu.memory_space<vmem>>, %arg10: memref<10240x64xf32, #tpu.memory_space<vmem_shared>>, %arg11: memref<4x!tpu.dma_semaphore, #tpu.memory_space<semaphore_mem>>) attributes {dimension_semantics = [#tpu.dimension_semantics<core_parallel>, #tpu.dimension_semantics<subcore_parallel>], iteration_bounds = array<i64: 2, 16>, scalar_prefetch = 0 : i64, scratch_operands = 6 : i64, tpu.core_type = #tpu.core_type<sc_vector_subcore>, window_params = [{transform_indices = #map}, {transform_indices = #map1}, {transform_indices = #map1}, {transform_indices = #map1}]} {
    %mul3A = arith.constant 16 : i32
    %mul3A_0 = arith.muli %arg0, %mul3A : i32
    %add3A = arith.addi %mul3A_0, %arg1 : i32
    %scan3A = arith.constant 0 : i32
    %scan3A_1 = arith.constant 0 : i32
    %scan3A_2 = arith.constant 64 : i32
    %scan3A_3 = arith.addi %scan3A_1, %scan3A_2 : i32
    %scan3A_4 = arith.constant 1 : i32
    scf.for %scan3A_82 = %scan3A_1 to %scan3A_3 step %scan3A_4  : i32 {
      %broadcast_in_dim3A = arith.constant 0.000000e+00 : f32
      %broadcast_in_dim3A_83 = vector.broadcast %broadcast_in_dim3A : f32 to vector<16xf32>
      %swap3A = arith.index_cast %scan3A_82 : i32 to index
      %swap3A_84 = arith.constant 0 : index
      %swap3A_85 = tpu.vector_load %arg9[%swap3A, %swap3A_84] {strides = array<i32>} : memref<64x64xf32, #tpu.memory_space<vmem>>, vector<1x16xf32>,
      %swap3A_86 = vector.shape_cast %swap3A_85 : vector<1x16xf32> to vector<16xf32>
      %swap3A_87 = vector.shape_cast %broadcast_in_dim3A_83 : vector<16xf32> to vector<1x16xf32>
      tpu.vector_store %arg9[%swap3A, %swap3A_84], %swap3A_87 {strides = array<i32>} : memref<64x64xf32, #tpu.memory_space<vmem>>, vector<1x16xf32>,
      %broadcast_in_dim3A_88 = arith.constant 0.000000e+00 : f32
      %broadcast_in_dim3A_89 = vector.broadcast %broadcast_in_dim3A_88 : f32 to vector<16xf32>
      %swap3A_90 = arith.index_cast %scan3A_82 : i32 to index
      %swap3A_91 = arith.constant 16 : index
      %swap3A_92 = tpu.vector_load %arg9[%swap3A_90, %swap3A_91] {strides = array<i32>} : memref<64x64xf32, #tpu.memory_space<vmem>>, vector<1x16xf32>,
      %swap3A_93 = vector.shape_cast %swap3A_92 : vector<1x16xf32> to vector<16xf32>
      %swap3A_94 = vector.shape_cast %broadcast_in_dim3A_89 : vector<16xf32> to vector<1x16xf32>
      tpu.vector_store %arg9[%swap3A_90, %swap3A_91], %swap3A_94 {strides = array<i32>} : memref<64x64xf32, #tpu.memory_space<vmem>>, vector<1x16xf32>,
      %broadcast_in_dim3A_95 = arith.constant 0.000000e+00 : f32
      %broadcast_in_dim3A_96 = vector.broadcast %broadcast_in_dim3A_95 : f32 to vector<16xf32>
      %swap3A_97 = arith.index_cast %scan3A_82 : i32 to index
      %swap3A_98 = arith.constant 32 : index
      %swap3A_99 = tpu.vector_load %arg9[%swap3A_97, %swap3A_98] {strides = array<i32>} : memref<64x64xf32, #tpu.memory_space<vmem>>, vector<1x16xf32>,
      %swap3A_100 = vector.shape_cast %swap3A_99 : vector<1x16xf32> to vector<16xf32>
      %swap3A_101 = vector.shape_cast %broadcast_in_dim3A_96 : vector<16xf32> to vector<1x16xf32>
      tpu.vector_store %arg9[%swap3A_97, %swap3A_98], %swap3A_101 {strides = array<i32>} : memref<64x64xf32, #tpu.memory_space<vmem>>, vector<1x16xf32>,
      %broadcast_in_dim3A_102 = arith.constant 0.000000e+00 : f32
      %broadcast_in_dim3A_103 = vector.broadcast %broadcast_in_dim3A_102 : f32 to vector<16xf32>
      %swap3A_104 = arith.index_cast %scan3A_82 : i32 to index
      %swap3A_105 = arith.constant 48 : index
      %swap3A_106 = tpu.vector_load %arg9[%swap3A_104, %swap3A_105] {strides = array<i32>} : memref<64x64xf32, #tpu.memory_space<vmem>>, vector<1x16xf32>,
      %swap3A_107 = vector.shape_cast %swap3A_106 : vector<1x16xf32> to vector<16xf32>
      %swap3A_108 = vector.shape_cast %broadcast_in_dim3A_103 : vector<16xf32> to vector<1x16xf32>
      tpu.vector_store %arg9[%swap3A_104, %swap3A_105], %swap3A_108 {strides = array<i32>} : memref<64x64xf32, #tpu.memory_space<vmem>>, vector<1x16xf32>,
    }
    %scan3A_5 = arith.constant 64 : i32
    "tpu.region"() ({
      %run_scoped3A = tpu.sem_alloc : memref<!tpu.dma_semaphore, #tpu.memory_space<semaphore_mem>>
      %dma_start3A_82 = arith.constant 0 : i32
      %dma_start3A_83 = arith.constant 0 : i32
      %dma_start3A_84 = tpu.memref_slice %arg3[%add3A, %dma_start3A_82, %dma_start3A_83] : memref<32x80x128xi32, #tpu.memory_space<hbm>> -> memref<1x80x128xi32, #tpu.memory_space<hbm>>
      %dma_start3A_85 = tpu.memref_squeeze %dma_start3A_84 : memref<1x80x128xi32, #tpu.memory_space<hbm>> -> memref<80x128xi32, #tpu.memory_space<hbm>>
      %dma_start3A_86 = arith.constant 0 : i32
      %dma_start3A_87 = arith.constant 0 : i32
      %dma_start3A_88 = tpu.memref_slice %arg3[%add3A, %dma_start3A_86, %dma_start3A_87] : memref<32x80x128xi32, #tpu.memory_space<hbm>> -> memref<1x80x128xi32, #tpu.memory_space<hbm>>
      %dma_start3A_89 = tpu.memref_squeeze %dma_start3A_88 : memref<1x80x128xi32, #tpu.memory_space<hbm>> -> memref<80x128xi32, #tpu.memory_space<hbm>>
      tpu.enqueue_dma source(%dma_start3A_89 : memref<80x128xi32, #tpu.memory_space<hbm>>) target(%arg6 : memref<80x128xi32, #tpu.memory_space<vmem>>) target_semaphore(%run_scoped3A : memref<!tpu.dma_semaphore, #tpu.memory_space<semaphore_mem>>)
      %dma_wait3A = arith.constant 0 : i32
      %dma_wait3A_90 = arith.constant 0 : i32
      %dma_wait3A_91 = tpu.memref_slice %arg3[%add3A, %dma_wait3A, %dma_wait3A_90] : memref<32x80x128xi32, #tpu.memory_space<hbm>> -> memref<1x80x128xi32, #tpu.memory_space<hbm>>
      %dma_wait3A_92 = tpu.memref_squeeze %dma_wait3A_91 : memref<1x80x128xi32, #tpu.memory_space<hbm>> -> memref<80x128xi32, #tpu.memory_space<hbm>>
      %dma_wait3A_93 = arith.constant 0 : i32
      %dma_wait3A_94 = arith.constant 0 : i32
      %dma_wait3A_95 = tpu.memref_slice %arg3[%add3A, %dma_wait3A_93, %dma_wait3A_94] : memref<32x80x128xi32, #tpu.memory_space<hbm>> -> memref<1x80x128xi32, #tpu.memory_space<hbm>>
      %dma_wait3A_96 = tpu.memref_squeeze %dma_wait3A_95 : memref<1x80x128xi32, #tpu.memory_space<hbm>> -> memref<80x128xi32, #tpu.memory_space<hbm>>
      tpu.wait_dma2 semaphore(%run_scoped3A : memref<!tpu.dma_semaphore, #tpu.memory_space<semaphore_mem>>) src(%dma_wait3A_96 : memref<80x128xi32, #tpu.memory_space<hbm>>) dst(%arg6 : memref<80x128xi32, #tpu.memory_space<vmem>>)
      tpu.yield
    }) : () -> ()
    "tpu.region"() ({
      %run_scoped3A = tpu.sem_alloc : memref<!tpu.dma_semaphore, #tpu.memory_space<semaphore_mem>>
      %dma_start3A_82 = arith.constant 0 : i32
      %dma_start3A_83 = arith.constant 0 : i32
      %dma_start3A_84 = tpu.memref_slice %arg4[%add3A, %dma_start3A_82, %dma_start3A_83] : memref<32x80x128xi32, #tpu.memory_space<hbm>> -> memref<1x80x128xi32, #tpu.memory_space<hbm>>
      %dma_start3A_85 = tpu.memref_squeeze %dma_start3A_84 : memref<1x80x128xi32, #tpu.memory_space<hbm>> -> memref<80x128xi32, #tpu.memory_space<hbm>>
      %dma_start3A_86 = arith.constant 0 : i32
      %dma_start3A_87 = arith.constant 0 : i32
      %dma_start3A_88 = tpu.memref_slice %arg4[%add3A, %dma_start3A_86, %dma_start3A_87] : memref<32x80x128xi32, #tpu.memory_space<hbm>> -> memref<1x80x128xi32, #tpu.memory_space<hbm>>
      %dma_start3A_89 = tpu.memref_squeeze %dma_start3A_88 : memref<1x80x128xi32, #tpu.memory_space<hbm>> -> memref<80x128xi32, #tpu.memory_space<hbm>>
      tpu.enqueue_dma source(%dma_start3A_89 : memref<80x128xi32, #tpu.memory_space<hbm>>) target(%arg7 : memref<80x128xi32, #tpu.memory_space<vmem>>) target_semaphore(%run_scoped3A : memref<!tpu.dma_semaphore, #tpu.memory_space<semaphore_mem>>)
      %dma_wait3A = arith.constant 0 : i32
      %dma_wait3A_90 = arith.constant 0 : i32
      %dma_wait3A_91 = tpu.memref_slice %arg4[%add3A, %dma_wait3A, %dma_wait3A_90] : memref<32x80x128xi32, #tpu.memory_space<hbm>> -> memref<1x80x128xi32, #tpu.memory_space<hbm>>
      %dma_wait3A_92 = tpu.memref_squeeze %dma_wait3A_91 : memref<1x80x128xi32, #tpu.memory_space<hbm>> -> memref<80x128xi32, #tpu.memory_space<hbm>>
      %dma_wait3A_93 = arith.constant 0 : i32
      %dma_wait3A_94 = arith.constant 0 : i32
      %dma_wait3A_95 = tpu.memref_slice %arg4[%add3A, %dma_wait3A_93, %dma_wait3A_94] : memref<32x80x128xi32, #tpu.memory_space<hbm>> -> memref<1x80x128xi32, #tpu.memory_space<hbm>>
      %dma_wait3A_96 = tpu.memref_squeeze %dma_wait3A_95 : memref<1x80x128xi32, #tpu.memory_space<hbm>> -> memref<80x128xi32, #tpu.memory_space<hbm>>
      tpu.wait_dma2 semaphore(%run_scoped3A : memref<!tpu.dma_semaphore, #tpu.memory_space<semaphore_mem>>) src(%dma_wait3A_96 : memref<80x128xi32, #tpu.memory_space<hbm>>) dst(%arg7 : memref<80x128xi32, #tpu.memory_space<vmem>>)
      tpu.yield
    }) : () -> ()
    %mul3A_6 = arith.constant 640 : i32
    %mul3A_7 = arith.muli %arg1, %mul3A_6 : i32
    %scan3A_8 = arith.constant 0 : i32
    %scan3A_9 = arith.constant 0 : i32
    %scan3A_10 = arith.constant 10 : i32
    %scan3A_11 = arith.addi %scan3A_9, %scan3A_10 : i32
    %scan3A_12 = arith.constant 1 : i32
    scf.for %scan3A_82 = %scan3A_9 to %scan3A_11 step %scan3A_12  : i32 {
      %mul3A_83 = arith.constant 640 : i32
      %mul3A_84 = arith.muli %arg1, %mul3A_83 : i32
      %mul3A_85 = arith.constant 64 : i32
      %mul3A_86 = arith.muli %scan3A_82, %mul3A_85 : i32
      %add3A_87 = arith.addi %mul3A_84, %mul3A_86 : i32
      "tpu.region"() ({
        %run_scoped3A = tpu.sem_alloc : memref<!tpu.dma_semaphore, #tpu.memory_space<semaphore_mem>>
        %dma_start3A_88 = arith.constant 0 : i32
        %dma_start3A_89 = tpu.memref_slice %arg10[%add3A_87, %dma_start3A_88] : memref<10240x64xf32, #tpu.memory_space<vmem_shared>> -> memref<64x64xf32, #tpu.memory_space<vmem_shared>>
        %dma_start3A_90 = arith.constant 0 : i32
        %dma_start3A_91 = tpu.memref_slice %arg10[%add3A_87, %dma_start3A_90] : memref<10240x64xf32, #tpu.memory_space<vmem_shared>> -> memref<64x64xf32, #tpu.memory_space<vmem_shared>>
        tpu.enqueue_dma source(%arg9 : memref<64x64xf32, #tpu.memory_space<vmem>>) target(%dma_start3A_91 : memref<64x64xf32, #tpu.memory_space<vmem_shared>>) target_semaphore(%run_scoped3A : memref<!tpu.dma_semaphore, #tpu.memory_space<semaphore_mem>>)
        %dma_wait3A = arith.constant 0 : i32
        %dma_wait3A_92 = tpu.memref_slice %arg10[%add3A_87, %dma_wait3A] : memref<10240x64xf32, #tpu.memory_space<vmem_shared>> -> memref<64x64xf32, #tpu.memory_space<vmem_shared>>
        %dma_wait3A_93 = arith.constant 0 : i32
        %dma_wait3A_94 = tpu.memref_slice %arg10[%add3A_87, %dma_wait3A_93] : memref<10240x64xf32, #tpu.memory_space<vmem_shared>> -> memref<64x64xf32, #tpu.memory_space<vmem_shared>>
        tpu.wait_dma2 semaphore(%run_scoped3A : memref<!tpu.dma_semaphore, #tpu.memory_space<semaphore_mem>>) src(%arg9 : memref<64x64xf32, #tpu.memory_space<vmem>>) dst(%dma_wait3A_94 : memref<64x64xf32, #tpu.memory_space<vmem_shared>>)
        tpu.yield
      }) : () -> ()
    }
    %scan3A_13 = arith.constant 10 : i32
    %barrier3A = arith.constant 0 : index
    tpu.barrier barrier_id(%barrier3A)
    %dma_start3A = arith.constant 0 : i32
    %dma_start3A_14 = arith.constant 0 : i32
    %dma_start3A_15 = arith.constant 0 : i32
    %dma_start3A_16 = arith.constant 0 : i32
    %dma_start3A_17 = arith.constant 0 : i32
    %dma_start3A_18 = tpu.memref_slice %arg8[%dma_start3A_14, %dma_start3A_16, %dma_start3A_17] : memref<4x128x64xf32, #tpu.memory_space<vmem>> -> memref<1x128x64xf32, #tpu.memory_space<vmem>>
    %dma_start3A_19 = tpu.memref_squeeze %dma_start3A_18 : memref<1x128x64xf32, #tpu.memory_space<vmem>> -> memref<128x64xf32, #tpu.memory_space<vmem>>
    %dma_start3A_20 = arith.constant 0 : i32
    %dma_start3A_21 = tpu.memref_slice %arg6[%dma_start3A, %dma_start3A_20] : memref<80x128xi32, #tpu.memory_space<vmem>> -> memref<1x128xi32, #tpu.memory_space<vmem>>
    %dma_start3A_22 = tpu.memref_squeeze %dma_start3A_21 : memref<1x128xi32, #tpu.memory_space<vmem>> -> memref<128xi32, #tpu.memory_space<vmem>>
    %dma_start3A_23 = arith.constant 0 : i32
    %dma_start3A_24 = arith.constant 0 : i32
    %dma_start3A_25 = tpu.memref_slice %arg2[%dma_start3A_23, %dma_start3A_24] : memref<10240x64xf32, #tpu.memory_space<hbm>> -> memref<10240x64xf32, #tpu.memory_space<hbm>>
    %dma_start3A_26 = tpu.memref_slice %arg11[%dma_start3A_15] : memref<4x!tpu.dma_semaphore, #tpu.memory_space<semaphore_mem>> -> memref<1x!tpu.dma_semaphore, #tpu.memory_space<semaphore_mem>>
    %dma_start3A_27 = tpu.memref_squeeze %dma_start3A_26 : memref<1x!tpu.dma_semaphore, #tpu.memory_space<semaphore_mem>> -> memref<!tpu.dma_semaphore, #tpu.memory_space<semaphore_mem>>
    tpu.enqueue_indirect_dma source(%dma_start3A_25 : memref<10240x64xf32, #tpu.memory_space<hbm>>) target(%dma_start3A_19 : memref<128x64xf32, #tpu.memory_space<vmem>>) offsets(%dma_start3A_22 : memref<128xi32, #tpu.memory_space<vmem>>) semaphore(%dma_start3A_27 : memref<!tpu.dma_semaphore, #tpu.memory_space<semaphore_mem>>)
    %dma_start3A_28 = arith.constant 1 : i32
    %dma_start3A_29 = arith.constant 1 : i32
    %dma_start3A_30 = arith.constant 1 : i32
    %dma_start3A_31 = arith.constant 0 : i32
    %dma_start3A_32 = arith.constant 0 : i32
    %dma_start3A_33 = tpu.memref_slice %arg8[%dma_start3A_29, %dma_start3A_31, %dma_start3A_32] : memref<4x128x64xf32, #tpu.memory_space<vmem>> -> memref<1x128x64xf32, #tpu.memory_space<vmem>>
    %dma_start3A_34 = tpu.memref_squeeze %dma_start3A_33 : memref<1x128x64xf32, #tpu.memory_space<vmem>> -> memref<128x64xf32, #tpu.memory_space<vmem>>
    %dma_start3A_35 = arith.constant 0 : i32
    %dma_start3A_36 = tpu.memref_slice %arg6[%dma_start3A_28, %dma_start3A_35] : memref<80x128xi32, #tpu.memory_space<vmem>> -> memref<1x128xi32, #tpu.memory_space<vmem>>
    %dma_start3A_37 = tpu.memref_squeeze %dma_start3A_36 : memref<1x128xi32, #tpu.memory_space<vmem>> -> memref<128xi32, #tpu.memory_space<vmem>>
    %dma_start3A_38 = arith.constant 0 : i32
    %dma_start3A_39 = arith.constant 0 : i32
    %dma_start3A_40 = tpu.memref_slice %arg2[%dma_start3A_38, %dma_start3A_39] : memref<10240x64xf32, #tpu.memory_space<hbm>> -> memref<10240x64xf32, #tpu.memory_space<hbm>>
    %dma_start3A_41 = tpu.memref_slice %arg11[%dma_start3A_30] : memref<4x!tpu.dma_semaphore, #tpu.memory_space<semaphore_mem>> -> memref<1x!tpu.dma_semaphore, #tpu.memory_space<semaphore_mem>>
    %dma_start3A_42 = tpu.memref_squeeze %dma_start3A_41 : memref<1x!tpu.dma_semaphore, #tpu.memory_space<semaphore_mem>> -> memref<!tpu.dma_semaphore, #tpu.memory_space<semaphore_mem>>
    tpu.enqueue_indirect_dma source(%dma_start3A_40 : memref<10240x64xf32, #tpu.memory_space<hbm>>) target(%dma_start3A_34 : memref<128x64xf32, #tpu.memory_space<vmem>>) offsets(%dma_start3A_37 : memref<128xi32, #tpu.memory_space<vmem>>) semaphore(%dma_start3A_42 : memref<!tpu.dma_semaphore, #tpu.memory_space<semaphore_mem>>)
    %dma_start3A_43 = arith.constant 2 : i32
    %dma_start3A_44 = arith.constant 2 : i32
    %dma_start3A_45 = arith.constant 2 : i32
    %dma_start3A_46 = arith.constant 0 : i32
    %dma_start3A_47 = arith.constant 0 : i32
    %dma_start3A_48 = tpu.memref_slice %arg8[%dma_start3A_44, %dma_start3A_46, %dma_start3A_47] : memref<4x128x64xf32, #tpu.memory_space<vmem>> -> memref<1x128x64xf32, #tpu.memory_space<vmem>>
    %dma_start3A_49 = tpu.memref_squeeze %dma_start3A_48 : memref<1x128x64xf32, #tpu.memory_space<vmem>> -> memref<128x64xf32, #tpu.memory_space<vmem>>
    %dma_start3A_50 = arith.constant 0 : i32
    %dma_start3A_51 = tpu.memref_slice %arg6[%dma_start3A_43, %dma_start3A_50] : memref<80x128xi32, #tpu.memory_space<vmem>> -> memref<1x128xi32, #tpu.memory_space<vmem>>
    %dma_start3A_52 = tpu.memref_squeeze %dma_start3A_51 : memref<1x128xi32, #tpu.memory_space<vmem>> -> memref<128xi32, #tpu.memory_space<vmem>>
    %dma_start3A_53 = arith.constant 0 : i32
    %dma_start3A_54 = arith.constant 0 : i32
    %dma_start3A_55 = tpu.memref_slice %arg2[%dma_start3A_53, %dma_start3A_54] : memref<10240x64xf32, #tpu.memory_space<hbm>> -> memref<10240x64xf32, #tpu.memory_space<hbm>>
    %dma_start3A_56 = tpu.memref_slice %arg11[%dma_start3A_45] : memref<4x!tpu.dma_semaphore, #tpu.memory_space<semaphore_mem>> -> memref<1x!tpu.dma_semaphore, #tpu.memory_space<semaphore_mem>>
    %dma_start3A_57 = tpu.memref_squeeze %dma_start3A_56 : memref<1x!tpu.dma_semaphore, #tpu.memory_space<semaphore_mem>> -> memref<!tpu.dma_semaphore, #tpu.memory_space<semaphore_mem>>
    tpu.enqueue_indirect_dma source(%dma_start3A_55 : memref<10240x64xf32, #tpu.memory_space<hbm>>) target(%dma_start3A_49 : memref<128x64xf32, #tpu.memory_space<vmem>>) offsets(%dma_start3A_52 : memref<128xi32, #tpu.memory_space<vmem>>) semaphore(%dma_start3A_57 : memref<!tpu.dma_semaphore, #tpu.memory_space<semaphore_mem>>)
    %dma_start3A_58 = arith.constant 3 : i32
    %dma_start3A_59 = arith.constant 3 : i32
    %dma_start3A_60 = arith.constant 3 : i32
    %dma_start3A_61 = arith.constant 0 : i32
    %dma_start3A_62 = arith.constant 0 : i32
    %dma_start3A_63 = tpu.memref_slice %arg8[%dma_start3A_59, %dma_start3A_61, %dma_start3A_62] : memref<4x128x64xf32, #tpu.memory_space<vmem>> -> memref<1x128x64xf32, #tpu.memory_space<vmem>>
    %dma_start3A_64 = tpu.memref_squeeze %dma_start3A_63 : memref<1x128x64xf32, #tpu.memory_space<vmem>> -> memref<128x64xf32, #tpu.memory_space<vmem>>
    %dma_start3A_65 = arith.constant 0 : i32
    %dma_start3A_66 = tpu.memref_slice %arg6[%dma_start3A_58, %dma_start3A_65] : memref<80x128xi32, #tpu.memory_space<vmem>> -> memref<1x128xi32, #tpu.memory_space<vmem>>
    %dma_start3A_67 = tpu.memref_squeeze %dma_start3A_66 : memref<1x128xi32, #tpu.memory_space<vmem>> -> memref<128xi32, #tpu.memory_space<vmem>>
    %dma_start3A_68 = arith.constant 0 : i32
    %dma_start3A_69 = arith.constant 0 : i32
    %dma_start3A_70 = tpu.memref_slice %arg2[%dma_start3A_68, %dma_start3A_69] : memref<10240x64xf32, #tpu.memory_space<hbm>> -> memref<10240x64xf32, #tpu.memory_space<hbm>>
    %dma_start3A_71 = tpu.memref_slice %arg11[%dma_start3A_60] : memref<4x!tpu.dma_semaphore, #tpu.memory_space<semaphore_mem>> -> memref<1x!tpu.dma_semaphore, #tpu.memory_space<semaphore_mem>>
    %dma_start3A_72 = tpu.memref_squeeze %dma_start3A_71 : memref<1x!tpu.dma_semaphore, #tpu.memory_space<semaphore_mem>> -> memref<!tpu.dma_semaphore, #tpu.memory_space<semaphore_mem>>
    tpu.enqueue_indirect_dma source(%dma_start3A_70 : memref<10240x64xf32, #tpu.memory_space<hbm>>) target(%dma_start3A_64 : memref<128x64xf32, #tpu.memory_space<vmem>>) offsets(%dma_start3A_67 : memref<128xi32, #tpu.memory_space<vmem>>) semaphore(%dma_start3A_72 : memref<!tpu.dma_semaphore, #tpu.memory_space<semaphore_mem>>)
    %scan3A_73 = arith.constant 0 : i32
    %scan3A_74 = arith.constant 0 : i32
    %scan3A_75 = arith.constant 20 : i32
    %scan3A_76 = arith.addi %scan3A_74, %scan3A_75 : i32
    %scan3A_77 = arith.constant 1 : i32
    scf.for %scan3A_82 = %scan3A_74 to %scan3A_76 step %scan3A_77  : i32 {
      %mul3A_83 = arith.constant 4 : i32
      %mul3A_84 = arith.muli %scan3A_82, %mul3A_83 : i32
      %add3A_85 = arith.constant 0 : i32
      %add3A_86 = arith.addi %mul3A_84, %add3A_85 : i32
      %dma_wait3A = arith.constant 0 : i32
      %dma_wait3A_87 = arith.constant 0 : i32
      %dma_wait3A_88 = arith.constant 0 : i32
      %dma_wait3A_89 = arith.constant 0 : i32
      %dma_wait3A_90 = tpu.memref_slice %arg8[%dma_wait3A, %dma_wait3A_88, %dma_wait3A_89] : memref<4x128x64xf32, #tpu.memory_space<vmem>> -> memref<1x128x64xf32, #tpu.memory_space<vmem>>
      %dma_wait3A_91 = tpu.memref_squeeze %dma_wait3A_90 : memref<1x128x64xf32, #tpu.memory_space<vmem>> -> memref<128x64xf32, #tpu.memory_space<vmem>>
      %dma_wait3A_92 = arith.constant 0 : i32
      %dma_wait3A_93 = tpu.memref_slice %arg6[%add3A_86, %dma_wait3A_92] : memref<80x128xi32, #tpu.memory_space<vmem>> -> memref<1x128xi32, #tpu.memory_space<vmem>>
      %dma_wait3A_94 = tpu.memref_squeeze %dma_wait3A_93 : memref<1x128xi32, #tpu.memory_space<vmem>> -> memref<128xi32, #tpu.memory_space<vmem>>
      %dma_wait3A_95 = arith.constant 0 : i32
      %dma_wait3A_96 = arith.constant 0 : i32
      %dma_wait3A_97 = tpu.memref_slice %arg2[%dma_wait3A_95, %dma_wait3A_96] : memref<10240x64xf32, #tpu.memory_space<hbm>> -> memref<10240x64xf32, #tpu.memory_space<hbm>>
      %dma_wait3A_98 = tpu.memref_slice %arg11[%dma_wait3A_87] : memref<4x!tpu.dma_semaphore, #tpu.memory_space<semaphore_mem>> -> memref<1x!tpu.dma_semaphore, #tpu.memory_space<semaphore_mem>>
      %dma_wait3A_99 = tpu.memref_squeeze %dma_wait3A_98 : memref<1x!tpu.dma_semaphore, #tpu.memory_space<semaphore_mem>> -> memref<!tpu.dma_semaphore, #tpu.memory_space<semaphore_mem>>
      tpu.wait_indirect_dma semaphore(%dma_wait3A_99 : memref<!tpu.dma_semaphore, #tpu.memory_space<semaphore_mem>>) src(%dma_wait3A_97 : memref<10240x64xf32, #tpu.memory_space<hbm>>) dst(%dma_wait3A_91 : memref<128x64xf32, #tpu.memory_space<vmem>>)
      %run_scoped3A = arith.constant 0 : i32
      "tpu.region"() ({
        %run_scoped3A_176 = tpu.sem_alloc : memref<!tpu.dma_semaphore, #tpu.memory_space<semaphore_mem>>
        %dma_start3A_177 = arith.constant 0 : i32
        %dma_start3A_178 = arith.constant 0 : i32
        %dma_start3A_179 = tpu.memref_slice %arg8[%run_scoped3A, %dma_start3A_177, %dma_start3A_178] : memref<4x128x64xf32, #tpu.memory_space<vmem>> -> memref<1x128x64xf32, #tpu.memory_space<vmem>>
        %dma_start3A_180 = tpu.memref_squeeze %dma_start3A_179 : memref<1x128x64xf32, #tpu.memory_space<vmem>> -> memref<128x64xf32, #tpu.memory_space<vmem>>
        %dma_start3A_181 = arith.constant 0 : i32
        %dma_start3A_182 = tpu.memref_slice %arg7[%add3A_86, %dma_start3A_181] : memref<80x128xi32, #tpu.memory_space<vmem>> -> memref<1x128xi32, #tpu.memory_space<vmem>>
        %dma_start3A_183 = tpu.memref_squeeze %dma_start3A_182 : memref<1x128xi32, #tpu.memory_space<vmem>> -> memref<128xi32, #tpu.memory_space<vmem>>
        %dma_start3A_184 = arith.constant 0 : i32
        %dma_start3A_185 = arith.constant 0 : i32
        %dma_start3A_186 = tpu.memref_slice %arg10[%dma_start3A_184, %dma_start3A_185] : memref<10240x64xf32, #tpu.memory_space<vmem_shared>> -> memref<10240x64xf32, #tpu.memory_space<vmem_shared>>
        tpu.enqueue_indirect_dma source(%dma_start3A_180 : memref<128x64xf32, #tpu.memory_space<vmem>>) target(%dma_start3A_186 : memref<10240x64xf32, #tpu.memory_space<vmem_shared>>) offsets(%dma_start3A_183 : memref<128xi32, #tpu.memory_space<vmem>>) semaphore(%run_scoped3A_176 : memref<!tpu.dma_semaphore, #tpu.memory_space<semaphore_mem>>) {add = true}
        %dma_wait3A_187 = arith.constant 0 : i32
        %dma_wait3A_188 = arith.constant 0 : i32
        %dma_wait3A_189 = tpu.memref_slice %arg8[%run_scoped3A, %dma_wait3A_187, %dma_wait3A_188] : memref<4x128x64xf32, #tpu.memory_space<vmem>> -> memref<1x128x64xf32, #tpu.memory_space<vmem>>
        %dma_wait3A_190 = tpu.memref_squeeze %dma_wait3A_189 : memref<1x128x64xf32, #tpu.memory_space<vmem>> -> memref<128x64xf32, #tpu.memory_space<vmem>>
        %dma_wait3A_191 = arith.constant 0 : i32
        %dma_wait3A_192 = tpu.memref_slice %arg7[%add3A_86, %dma_wait3A_191] : memref<80x128xi32, #tpu.memory_space<vmem>> -> memref<1x128xi32, #tpu.memory_space<vmem>>
        %dma_wait3A_193 = tpu.memref_squeeze %dma_wait3A_192 : memref<1x128xi32, #tpu.memory_space<vmem>> -> memref<128xi32, #tpu.memory_space<vmem>>
        %dma_wait3A_194 = arith.constant 0 : i32
        %dma_wait3A_195 = arith.constant 0 : i32
        %dma_wait3A_196 = tpu.memref_slice %arg10[%dma_wait3A_194, %dma_wait3A_195] : memref<10240x64xf32, #tpu.memory_space<vmem_shared>> -> memref<10240x64xf32, #tpu.memory_space<vmem_shared>>
        tpu.wait_indirect_dma semaphore(%run_scoped3A_176 : memref<!tpu.dma_semaphore, #tpu.memory_space<semaphore_mem>>) src(%dma_wait3A_190 : memref<128x64xf32, #tpu.memory_space<vmem>>) dst(%dma_wait3A_196 : memref<10240x64xf32, #tpu.memory_space<vmem_shared>>)
        tpu.yield
      }) : () -> ()
      %add3A_100 = arith.constant 4 : i32
      %add3A_101 = arith.addi %add3A_86, %add3A_100 : i32
      %lt3A = arith.constant 80 : i32
      %lt3A_102 = arith.cmpi slt, %add3A_101, %lt3A : i32
      %convert_element_type3A = arith.extui %lt3A_102 : i1 to i32
      %cond3A = arith.constant 0 : i32
      %cond3A_103 = arith.cmpi ne, %convert_element_type3A, %cond3A : i32
      scf.if %cond3A_103 {
        %add3A_176 = arith.constant 4 : i32
        %add3A_177 = arith.addi %add3A_86, %add3A_176 : i32
        %dma_start3A_178 = arith.constant 0 : i32
        %dma_start3A_179 = arith.constant 0 : i32
        %dma_start3A_180 = arith.constant 0 : i32
        %dma_start3A_181 = arith.constant 0 : i32
        %dma_start3A_182 = tpu.memref_slice %arg8[%dma_start3A_178, %dma_start3A_180, %dma_start3A_181] : memref<4x128x64xf32, #tpu.memory_space<vmem>> -> memref<1x128x64xf32, #tpu.memory_space<vmem>>
        %dma_start3A_183 = tpu.memref_squeeze %dma_start3A_182 : memref<1x128x64xf32, #tpu.memory_space<vmem>> -> memref<128x64xf32, #tpu.memory_space<vmem>>
        %dma_start3A_184 = arith.constant 0 : i32
        %dma_start3A_185 = tpu.memref_slice %arg6[%add3A_177, %dma_start3A_184] : memref<80x128xi32, #tpu.memory_space<vmem>> -> memref<1x128xi32, #tpu.memory_space<vmem>>
        %dma_start3A_186 = tpu.memref_squeeze %dma_start3A_185 : memref<1x128xi32, #tpu.memory_space<vmem>> -> memref<128xi32, #tpu.memory_space<vmem>>
        %dma_start3A_187 = arith.constant 0 : i32
        %dma_start3A_188 = arith.constant 0 : i32
        %dma_start3A_189 = tpu.memref_slice %arg2[%dma_start3A_187, %dma_start3A_188] : memref<10240x64xf32, #tpu.memory_space<hbm>> -> memref<10240x64xf32, #tpu.memory_space<hbm>>
        %dma_start3A_190 = tpu.memref_slice %arg11[%dma_start3A_179] : memref<4x!tpu.dma_semaphore, #tpu.memory_space<semaphore_mem>> -> memref<1x!tpu.dma_semaphore, #tpu.memory_space<semaphore_mem>>
        %dma_start3A_191 = tpu.memref_squeeze %dma_start3A_190 : memref<1x!tpu.dma_semaphore, #tpu.memory_space<semaphore_mem>> -> memref<!tpu.dma_semaphore, #tpu.memory_space<semaphore_mem>>
        tpu.enqueue_indirect_dma source(%dma_start3A_189 : memref<10240x64xf32, #tpu.memory_space<hbm>>) target(%dma_start3A_183 : memref<128x64xf32, #tpu.memory_space<vmem>>) offsets(%dma_start3A_186 : memref<128xi32, #tpu.memory_space<vmem>>) semaphore(%dma_start3A_191 : memref<!tpu.dma_semaphore, #tpu.memory_space<semaphore_mem>>)
      } else {
      }
      %add3A_104 = arith.constant 1 : i32
      %add3A_105 = arith.addi %mul3A_84, %add3A_104 : i32
      %dma_wait3A_106 = arith.constant 1 : i32
      %dma_wait3A_107 = arith.constant 1 : i32
      %dma_wait3A_108 = arith.constant 0 : i32
      %dma_wait3A_109 = arith.constant 0 : i32
      %dma_wait3A_110 = tpu.memref_slice %arg8[%dma_wait3A_106, %dma_wait3A_108, %dma_wait3A_109] : memref<4x128x64xf32, #tpu.memory_space<vmem>> -> memref<1x128x64xf32, #tpu.memory_space<vmem>>
      %dma_wait3A_111 = tpu.memref_squeeze %dma_wait3A_110 : memref<1x128x64xf32, #tpu.memory_space<vmem>> -> memref<128x64xf32, #tpu.memory_space<vmem>>
      %dma_wait3A_112 = arith.constant 0 : i32
      %dma_wait3A_113 = tpu.memref_slice %arg6[%add3A_105, %dma_wait3A_112] : memref<80x128xi32, #tpu.memory_space<vmem>> -> memref<1x128xi32, #tpu.memory_space<vmem>>
      %dma_wait3A_114 = tpu.memref_squeeze %dma_wait3A_113 : memref<1x128xi32, #tpu.memory_space<vmem>> -> memref<128xi32, #tpu.memory_space<vmem>>
      %dma_wait3A_115 = arith.constant 0 : i32
      %dma_wait3A_116 = arith.constant 0 : i32
      %dma_wait3A_117 = tpu.memref_slice %arg2[%dma_wait3A_115, %dma_wait3A_116] : memref<10240x64xf32, #tpu.memory_space<hbm>> -> memref<10240x64xf32, #tpu.memory_space<hbm>>
      %dma_wait3A_118 = tpu.memref_slice %arg11[%dma_wait3A_107] : memref<4x!tpu.dma_semaphore, #tpu.memory_space<semaphore_mem>> -> memref<1x!tpu.dma_semaphore, #tpu.memory_space<semaphore_mem>>
      %dma_wait3A_119 = tpu.memref_squeeze %dma_wait3A_118 : memref<1x!tpu.dma_semaphore, #tpu.memory_space<semaphore_mem>> -> memref<!tpu.dma_semaphore, #tpu.memory_space<semaphore_mem>>
      tpu.wait_indirect_dma semaphore(%dma_wait3A_119 : memref<!tpu.dma_semaphore, #tpu.memory_space<semaphore_mem>>) src(%dma_wait3A_117 : memref<10240x64xf32, #tpu.memory_space<hbm>>) dst(%dma_wait3A_111 : memref<128x64xf32, #tpu.memory_space<vmem>>)
      %run_scoped3A_120 = arith.constant 1 : i32
      "tpu.region"() ({
        %run_scoped3A_176 = tpu.sem_alloc : memref<!tpu.dma_semaphore, #tpu.memory_space<semaphore_mem>>
        %dma_start3A_177 = arith.constant 0 : i32
        %dma_start3A_178 = arith.constant 0 : i32
        %dma_start3A_179 = tpu.memref_slice %arg8[%run_scoped3A_120, %dma_start3A_177, %dma_start3A_178] : memref<4x128x64xf32, #tpu.memory_space<vmem>> -> memref<1x128x64xf32, #tpu.memory_space<vmem>>
        %dma_start3A_180 = tpu.memref_squeeze %dma_start3A_179 : memref<1x128x64xf32, #tpu.memory_space<vmem>> -> memref<128x64xf32, #tpu.memory_space<vmem>>
        %dma_start3A_181 = arith.constant 0 : i32
        %dma_start3A_182 = tpu.memref_slice %arg7[%add3A_105, %dma_start3A_181] : memref<80x128xi32, #tpu.memory_space<vmem>> -> memref<1x128xi32, #tpu.memory_space<vmem>>
        %dma_start3A_183 = tpu.memref_squeeze %dma_start3A_182 : memref<1x128xi32, #tpu.memory_space<vmem>> -> memref<128xi32, #tpu.memory_space<vmem>>
        %dma_start3A_184 = arith.constant 0 : i32
        %dma_start3A_185 = arith.constant 0 : i32
        %dma_start3A_186 = tpu.memref_slice %arg10[%dma_start3A_184, %dma_start3A_185] : memref<10240x64xf32, #tpu.memory_space<vmem_shared>> -> memref<10240x64xf32, #tpu.memory_space<vmem_shared>>
        tpu.enqueue_indirect_dma source(%dma_start3A_180 : memref<128x64xf32, #tpu.memory_space<vmem>>) target(%dma_start3A_186 : memref<10240x64xf32, #tpu.memory_space<vmem_shared>>) offsets(%dma_start3A_183 : memref<128xi32, #tpu.memory_space<vmem>>) semaphore(%run_scoped3A_176 : memref<!tpu.dma_semaphore, #tpu.memory_space<semaphore_mem>>) {add = true}
        %dma_wait3A_187 = arith.constant 0 : i32
        %dma_wait3A_188 = arith.constant 0 : i32
        %dma_wait3A_189 = tpu.memref_slice %arg8[%run_scoped3A_120, %dma_wait3A_187, %dma_wait3A_188] : memref<4x128x64xf32, #tpu.memory_space<vmem>> -> memref<1x128x64xf32, #tpu.memory_space<vmem>>
        %dma_wait3A_190 = tpu.memref_squeeze %dma_wait3A_189 : memref<1x128x64xf32, #tpu.memory_space<vmem>> -> memref<128x64xf32, #tpu.memory_space<vmem>>
        %dma_wait3A_191 = arith.constant 0 : i32
        %dma_wait3A_192 = tpu.memref_slice %arg7[%add3A_105, %dma_wait3A_191] : memref<80x128xi32, #tpu.memory_space<vmem>> -> memref<1x128xi32, #tpu.memory_space<vmem>>
        %dma_wait3A_193 = tpu.memref_squeeze %dma_wait3A_192 : memref<1x128xi32, #tpu.memory_space<vmem>> -> memref<128xi32, #tpu.memory_space<vmem>>
        %dma_wait3A_194 = arith.constant 0 : i32
        %dma_wait3A_195 = arith.constant 0 : i32
        %dma_wait3A_196 = tpu.memref_slice %arg10[%dma_wait3A_194, %dma_wait3A_195] : memref<10240x64xf32, #tpu.memory_space<vmem_shared>> -> memref<10240x64xf32, #tpu.memory_space<vmem_shared>>
        tpu.wait_indirect_dma semaphore(%run_scoped3A_176 : memref<!tpu.dma_semaphore, #tpu.memory_space<semaphore_mem>>) src(%dma_wait3A_190 : memref<128x64xf32, #tpu.memory_space<vmem>>) dst(%dma_wait3A_196 : memref<10240x64xf32, #tpu.memory_space<vmem_shared>>)
        tpu.yield
      }) : () -> ()
      %add3A_121 = arith.constant 4 : i32
      %add3A_122 = arith.addi %add3A_105, %add3A_121 : i32
      %lt3A_123 = arith.constant 80 : i32
      %lt3A_124 = arith.cmpi slt, %add3A_122, %lt3A_123 : i32
      %convert_element_type3A_125 = arith.extui %lt3A_124 : i1 to i32
      %cond3A_126 = arith.constant 0 : i32
      %cond3A_127 = arith.cmpi ne, %convert_element_type3A_125, %cond3A_126 : i32
      scf.if %cond3A_127 {
        %add3A_176 = arith.constant 4 : i32
        %add3A_177 = arith.addi %add3A_105, %add3A_176 : i32
        %dma_start3A_178 = arith.constant 1 : i32
        %dma_start3A_179 = arith.constant 1 : i32
        %dma_start3A_180 = arith.constant 0 : i32
        %dma_start3A_181 = arith.constant 0 : i32
        %dma_start3A_182 = tpu.memref_slice %arg8[%dma_start3A_178, %dma_start3A_180, %dma_start3A_181] : memref<4x128x64xf32, #tpu.memory_space<vmem>> -> memref<1x128x64xf32, #tpu.memory_space<vmem>>
        %dma_start3A_183 = tpu.memref_squeeze %dma_start3A_182 : memref<1x128x64xf32, #tpu.memory_space<vmem>> -> memref<128x64xf32, #tpu.memory_space<vmem>>
        %dma_start3A_184 = arith.constant 0 : i32
        %dma_start3A_185 = tpu.memref_slice %arg6[%add3A_177, %dma_start3A_184] : memref<80x128xi32, #tpu.memory_space<vmem>> -> memref<1x128xi32, #tpu.memory_space<vmem>>
        %dma_start3A_186 = tpu.memref_squeeze %dma_start3A_185 : memref<1x128xi32, #tpu.memory_space<vmem>> -> memref<128xi32, #tpu.memory_space<vmem>>
        %dma_start3A_187 = arith.constant 0 : i32
        %dma_start3A_188 = arith.constant 0 : i32
        %dma_start3A_189 = tpu.memref_slice %arg2[%dma_start3A_187, %dma_start3A_188] : memref<10240x64xf32, #tpu.memory_space<hbm>> -> memref<10240x64xf32, #tpu.memory_space<hbm>>
        %dma_start3A_190 = tpu.memref_slice %arg11[%dma_start3A_179] : memref<4x!tpu.dma_semaphore, #tpu.memory_space<semaphore_mem>> -> memref<1x!tpu.dma_semaphore, #tpu.memory_space<semaphore_mem>>
        %dma_start3A_191 = tpu.memref_squeeze %dma_start3A_190 : memref<1x!tpu.dma_semaphore, #tpu.memory_space<semaphore_mem>> -> memref<!tpu.dma_semaphore, #tpu.memory_space<semaphore_mem>>
        tpu.enqueue_indirect_dma source(%dma_start3A_189 : memref<10240x64xf32, #tpu.memory_space<hbm>>) target(%dma_start3A_183 : memref<128x64xf32, #tpu.memory_space<vmem>>) offsets(%dma_start3A_186 : memref<128xi32, #tpu.memory_space<vmem>>) semaphore(%dma_start3A_191 : memref<!tpu.dma_semaphore, #tpu.memory_space<semaphore_mem>>)
      } else {
      }
      %add3A_128 = arith.constant 2 : i32
      %add3A_129 = arith.addi %mul3A_84, %add3A_128 : i32
      %dma_wait3A_130 = arith.constant 2 : i32
      %dma_wait3A_131 = arith.constant 2 : i32
      %dma_wait3A_132 = arith.constant 0 : i32
      %dma_wait3A_133 = arith.constant 0 : i32
      %dma_wait3A_134 = tpu.memref_slice %arg8[%dma_wait3A_130, %dma_wait3A_132, %dma_wait3A_133] : memref<4x128x64xf32, #tpu.memory_space<vmem>> -> memref<1x128x64xf32, #tpu.memory_space<vmem>>
      %dma_wait3A_135 = tpu.memref_squeeze %dma_wait3A_134 : memref<1x128x64xf32, #tpu.memory_space<vmem>> -> memref<128x64xf32, #tpu.memory_space<vmem>>
      %dma_wait3A_136 = arith.constant 0 : i32
      %dma_wait3A_137 = tpu.memref_slice %arg6[%add3A_129, %dma_wait3A_136] : memref<80x128xi32, #tpu.memory_space<vmem>> -> memref<1x128xi32, #tpu.memory_space<vmem>>
      %dma_wait3A_138 = tpu.memref_squeeze %dma_wait3A_137 : memref<1x128xi32, #tpu.memory_space<vmem>> -> memref<128xi32, #tpu.memory_space<vmem>>
      %dma_wait3A_139 = arith.constant 0 : i32
      %dma_wait3A_140 = arith.constant 0 : i32
      %dma_wait3A_141 = tpu.memref_slice %arg2[%dma_wait3A_139, %dma_wait3A_140] : memref<10240x64xf32, #tpu.memory_space<hbm>> -> memref<10240x64xf32, #tpu.memory_space<hbm>>
      %dma_wait3A_142 = tpu.memref_slice %arg11[%dma_wait3A_131] : memref<4x!tpu.dma_semaphore, #tpu.memory_space<semaphore_mem>> -> memref<1x!tpu.dma_semaphore, #tpu.memory_space<semaphore_mem>>
      %dma_wait3A_143 = tpu.memref_squeeze %dma_wait3A_142 : memref<1x!tpu.dma_semaphore, #tpu.memory_space<semaphore_mem>> -> memref<!tpu.dma_semaphore, #tpu.memory_space<semaphore_mem>>
      tpu.wait_indirect_dma semaphore(%dma_wait3A_143 : memref<!tpu.dma_semaphore, #tpu.memory_space<semaphore_mem>>) src(%dma_wait3A_141 : memref<10240x64xf32, #tpu.memory_space<hbm>>) dst(%dma_wait3A_135 : memref<128x64xf32, #tpu.memory_space<vmem>>)
      %run_scoped3A_144 = arith.constant 2 : i32
      "tpu.region"() ({
        %run_scoped3A_176 = tpu.sem_alloc : memref<!tpu.dma_semaphore, #tpu.memory_space<semaphore_mem>>
        %dma_start3A_177 = arith.constant 0 : i32
        %dma_start3A_178 = arith.constant 0 : i32
        %dma_start3A_179 = tpu.memref_slice %arg8[%run_scoped3A_144, %dma_start3A_177, %dma_start3A_178] : memref<4x128x64xf32, #tpu.memory_space<vmem>> -> memref<1x128x64xf32, #tpu.memory_space<vmem>>
        %dma_start3A_180 = tpu.memref_squeeze %dma_start3A_179 : memref<1x128x64xf32, #tpu.memory_space<vmem>> -> memref<128x64xf32, #tpu.memory_space<vmem>>
        %dma_start3A_181 = arith.constant 0 : i32
        %dma_start3A_182 = tpu.memref_slice %arg7[%add3A_129, %dma_start3A_181] : memref<80x128xi32, #tpu.memory_space<vmem>> -> memref<1x128xi32, #tpu.memory_space<vmem>>
        %dma_start3A_183 = tpu.memref_squeeze %dma_start3A_182 : memref<1x128xi32, #tpu.memory_space<vmem>> -> memref<128xi32, #tpu.memory_space<vmem>>
        %dma_start3A_184 = arith.constant 0 : i32
        %dma_start3A_185 = arith.constant 0 : i32
        %dma_start3A_186 = tpu.memref_slice %arg10[%dma_start3A_184, %dma_start3A_185] : memref<10240x64xf32, #tpu.memory_space<vmem_shared>> -> memref<10240x64xf32, #tpu.memory_space<vmem_shared>>
        tpu.enqueue_indirect_dma source(%dma_start3A_180 : memref<128x64xf32, #tpu.memory_space<vmem>>) target(%dma_start3A_186 : memref<10240x64xf32, #tpu.memory_space<vmem_shared>>) offsets(%dma_start3A_183 : memref<128xi32, #tpu.memory_space<vmem>>) semaphore(%run_scoped3A_176 : memref<!tpu.dma_semaphore, #tpu.memory_space<semaphore_mem>>) {add = true}
        %dma_wait3A_187 = arith.constant 0 : i32
        %dma_wait3A_188 = arith.constant 0 : i32
        %dma_wait3A_189 = tpu.memref_slice %arg8[%run_scoped3A_144, %dma_wait3A_187, %dma_wait3A_188] : memref<4x128x64xf32, #tpu.memory_space<vmem>> -> memref<1x128x64xf32, #tpu.memory_space<vmem>>
        %dma_wait3A_190 = tpu.memref_squeeze %dma_wait3A_189 : memref<1x128x64xf32, #tpu.memory_space<vmem>> -> memref<128x64xf32, #tpu.memory_space<vmem>>
        %dma_wait3A_191 = arith.constant 0 : i32
        %dma_wait3A_192 = tpu.memref_slice %arg7[%add3A_129, %dma_wait3A_191] : memref<80x128xi32, #tpu.memory_space<vmem>> -> memref<1x128xi32, #tpu.memory_space<vmem>>
        %dma_wait3A_193 = tpu.memref_squeeze %dma_wait3A_192 : memref<1x128xi32, #tpu.memory_space<vmem>> -> memref<128xi32, #tpu.memory_space<vmem>>
        %dma_wait3A_194 = arith.constant 0 : i32
        %dma_wait3A_195 = arith.constant 0 : i32
        %dma_wait3A_196 = tpu.memref_slice %arg10[%dma_wait3A_194, %dma_wait3A_195] : memref<10240x64xf32, #tpu.memory_space<vmem_shared>> -> memref<10240x64xf32, #tpu.memory_space<vmem_shared>>
        tpu.wait_indirect_dma semaphore(%run_scoped3A_176 : memref<!tpu.dma_semaphore, #tpu.memory_space<semaphore_mem>>) src(%dma_wait3A_190 : memref<128x64xf32, #tpu.memory_space<vmem>>) dst(%dma_wait3A_196 : memref<10240x64xf32, #tpu.memory_space<vmem_shared>>)
        tpu.yield
      }) : () -> ()
      %add3A_145 = arith.constant 4 : i32
      %add3A_146 = arith.addi %add3A_129, %add3A_145 : i32
      %lt3A_147 = arith.constant 80 : i32
      %lt3A_148 = arith.cmpi slt, %add3A_146, %lt3A_147 : i32
      %convert_element_type3A_149 = arith.extui %lt3A_148 : i1 to i32
      %cond3A_150 = arith.constant 0 : i32
      %cond3A_151 = arith.cmpi ne, %convert_element_type3A_149, %cond3A_150 : i32
      scf.if %cond3A_151 {
        %add3A_176 = arith.constant 4 : i32
        %add3A_177 = arith.addi %add3A_129, %add3A_176 : i32
        %dma_start3A_178 = arith.constant 2 : i32
        %dma_start3A_179 = arith.constant 2 : i32
        %dma_start3A_180 = arith.constant 0 : i32
        %dma_start3A_181 = arith.constant 0 : i32
        %dma_start3A_182 = tpu.memref_slice %arg8[%dma_start3A_178, %dma_start3A_180, %dma_start3A_181] : memref<4x128x64xf32, #tpu.memory_space<vmem>> -> memref<1x128x64xf32, #tpu.memory_space<vmem>>
        %dma_start3A_183 = tpu.memref_squeeze %dma_start3A_182 : memref<1x128x64xf32, #tpu.memory_space<vmem>> -> memref<128x64xf32, #tpu.memory_space<vmem>>
        %dma_start3A_184 = arith.constant 0 : i32
        %dma_start3A_185 = tpu.memref_slice %arg6[%add3A_177, %dma_start3A_184] : memref<80x128xi32, #tpu.memory_space<vmem>> -> memref<1x128xi32, #tpu.memory_space<vmem>>
        %dma_start3A_186 = tpu.memref_squeeze %dma_start3A_185 : memref<1x128xi32, #tpu.memory_space<vmem>> -> memref<128xi32, #tpu.memory_space<vmem>>
        %dma_start3A_187 = arith.constant 0 : i32
        %dma_start3A_188 = arith.constant 0 : i32
        %dma_start3A_189 = tpu.memref_slice %arg2[%dma_start3A_187, %dma_start3A_188] : memref<10240x64xf32, #tpu.memory_space<hbm>> -> memref<10240x64xf32, #tpu.memory_space<hbm>>
        %dma_start3A_190 = tpu.memref_slice %arg11[%dma_start3A_179] : memref<4x!tpu.dma_semaphore, #tpu.memory_space<semaphore_mem>> -> memref<1x!tpu.dma_semaphore, #tpu.memory_space<semaphore_mem>>
        %dma_start3A_191 = tpu.memref_squeeze %dma_start3A_190 : memref<1x!tpu.dma_semaphore, #tpu.memory_space<semaphore_mem>> -> memref<!tpu.dma_semaphore, #tpu.memory_space<semaphore_mem>>
        tpu.enqueue_indirect_dma source(%dma_start3A_189 : memref<10240x64xf32, #tpu.memory_space<hbm>>) target(%dma_start3A_183 : memref<128x64xf32, #tpu.memory_space<vmem>>) offsets(%dma_start3A_186 : memref<128xi32, #tpu.memory_space<vmem>>) semaphore(%dma_start3A_191 : memref<!tpu.dma_semaphore, #tpu.memory_space<semaphore_mem>>)
      } else {
      }
      %add3A_152 = arith.constant 3 : i32
      %add3A_153 = arith.addi %mul3A_84, %add3A_152 : i32
      %dma_wait3A_154 = arith.constant 3 : i32
      %dma_wait3A_155 = arith.constant 3 : i32
      %dma_wait3A_156 = arith.constant 0 : i32
      %dma_wait3A_157 = arith.constant 0 : i32
      %dma_wait3A_158 = tpu.memref_slice %arg8[%dma_wait3A_154, %dma_wait3A_156, %dma_wait3A_157] : memref<4x128x64xf32, #tpu.memory_space<vmem>> -> memref<1x128x64xf32, #tpu.memory_space<vmem>>
      %dma_wait3A_159 = tpu.memref_squeeze %dma_wait3A_158 : memref<1x128x64xf32, #tpu.memory_space<vmem>> -> memref<128x64xf32, #tpu.memory_space<vmem>>
      %dma_wait3A_160 = arith.constant 0 : i32
      %dma_wait3A_161 = tpu.memref_slice %arg6[%add3A_153, %dma_wait3A_160] : memref<80x128xi32, #tpu.memory_space<vmem>> -> memref<1x128xi32, #tpu.memory_space<vmem>>
      %dma_wait3A_162 = tpu.memref_squeeze %dma_wait3A_161 : memref<1x128xi32, #tpu.memory_space<vmem>> -> memref<128xi32, #tpu.memory_space<vmem>>
      %dma_wait3A_163 = arith.constant 0 : i32
      %dma_wait3A_164 = arith.constant 0 : i32
      %dma_wait3A_165 = tpu.memref_slice %arg2[%dma_wait3A_163, %dma_wait3A_164] : memref<10240x64xf32, #tpu.memory_space<hbm>> -> memref<10240x64xf32, #tpu.memory_space<hbm>>
      %dma_wait3A_166 = tpu.memref_slice %arg11[%dma_wait3A_155] : memref<4x!tpu.dma_semaphore, #tpu.memory_space<semaphore_mem>> -> memref<1x!tpu.dma_semaphore, #tpu.memory_space<semaphore_mem>>
      %dma_wait3A_167 = tpu.memref_squeeze %dma_wait3A_166 : memref<1x!tpu.dma_semaphore, #tpu.memory_space<semaphore_mem>> -> memref<!tpu.dma_semaphore, #tpu.memory_space<semaphore_mem>>
      tpu.wait_indirect_dma semaphore(%dma_wait3A_167 : memref<!tpu.dma_semaphore, #tpu.memory_space<semaphore_mem>>) src(%dma_wait3A_165 : memref<10240x64xf32, #tpu.memory_space<hbm>>) dst(%dma_wait3A_159 : memref<128x64xf32, #tpu.memory_space<vmem>>)
      %run_scoped3A_168 = arith.constant 3 : i32
      "tpu.region"() ({
        %run_scoped3A_176 = tpu.sem_alloc : memref<!tpu.dma_semaphore, #tpu.memory_space<semaphore_mem>>
        %dma_start3A_177 = arith.constant 0 : i32
        %dma_start3A_178 = arith.constant 0 : i32
        %dma_start3A_179 = tpu.memref_slice %arg8[%run_scoped3A_168, %dma_start3A_177, %dma_start3A_178] : memref<4x128x64xf32, #tpu.memory_space<vmem>> -> memref<1x128x64xf32, #tpu.memory_space<vmem>>
        %dma_start3A_180 = tpu.memref_squeeze %dma_start3A_179 : memref<1x128x64xf32, #tpu.memory_space<vmem>> -> memref<128x64xf32, #tpu.memory_space<vmem>>
        %dma_start3A_181 = arith.constant 0 : i32
        %dma_start3A_182 = tpu.memref_slice %arg7[%add3A_153, %dma_start3A_181] : memref<80x128xi32, #tpu.memory_space<vmem>> -> memref<1x128xi32, #tpu.memory_space<vmem>>
        %dma_start3A_183 = tpu.memref_squeeze %dma_start3A_182 : memref<1x128xi32, #tpu.memory_space<vmem>> -> memref<128xi32, #tpu.memory_space<vmem>>
        %dma_start3A_184 = arith.constant 0 : i32
        %dma_start3A_185 = arith.constant 0 : i32
        %dma_start3A_186 = tpu.memref_slice %arg10[%dma_start3A_184, %dma_start3A_185] : memref<10240x64xf32, #tpu.memory_space<vmem_shared>> -> memref<10240x64xf32, #tpu.memory_space<vmem_shared>>
        tpu.enqueue_indirect_dma source(%dma_start3A_180 : memref<128x64xf32, #tpu.memory_space<vmem>>) target(%dma_start3A_186 : memref<10240x64xf32, #tpu.memory_space<vmem_shared>>) offsets(%dma_start3A_183 : memref<128xi32, #tpu.memory_space<vmem>>) semaphore(%run_scoped3A_176 : memref<!tpu.dma_semaphore, #tpu.memory_space<semaphore_mem>>) {add = true}
        %dma_wait3A_187 = arith.constant 0 : i32
        %dma_wait3A_188 = arith.constant 0 : i32
        %dma_wait3A_189 = tpu.memref_slice %arg8[%run_scoped3A_168, %dma_wait3A_187, %dma_wait3A_188] : memref<4x128x64xf32, #tpu.memory_space<vmem>> -> memref<1x128x64xf32, #tpu.memory_space<vmem>>
        %dma_wait3A_190 = tpu.memref_squeeze %dma_wait3A_189 : memref<1x128x64xf32, #tpu.memory_space<vmem>> -> memref<128x64xf32, #tpu.memory_space<vmem>>
        %dma_wait3A_191 = arith.constant 0 : i32
        %dma_wait3A_192 = tpu.memref_slice %arg7[%add3A_153, %dma_wait3A_191] : memref<80x128xi32, #tpu.memory_space<vmem>> -> memref<1x128xi32, #tpu.memory_space<vmem>>
        %dma_wait3A_193 = tpu.memref_squeeze %dma_wait3A_192 : memref<1x128xi32, #tpu.memory_space<vmem>> -> memref<128xi32, #tpu.memory_space<vmem>>
        %dma_wait3A_194 = arith.constant 0 : i32
        %dma_wait3A_195 = arith.constant 0 : i32
        %dma_wait3A_196 = tpu.memref_slice %arg10[%dma_wait3A_194, %dma_wait3A_195] : memref<10240x64xf32, #tpu.memory_space<vmem_shared>> -> memref<10240x64xf32, #tpu.memory_space<vmem_shared>>
        tpu.wait_indirect_dma semaphore(%run_scoped3A_176 : memref<!tpu.dma_semaphore, #tpu.memory_space<semaphore_mem>>) src(%dma_wait3A_190 : memref<128x64xf32, #tpu.memory_space<vmem>>) dst(%dma_wait3A_196 : memref<10240x64xf32, #tpu.memory_space<vmem_shared>>)
        tpu.yield
      }) : () -> ()
      %add3A_169 = arith.constant 4 : i32
      %add3A_170 = arith.addi %add3A_153, %add3A_169 : i32
      %lt3A_171 = arith.constant 80 : i32
      %lt3A_172 = arith.cmpi slt, %add3A_170, %lt3A_171 : i32
      %convert_element_type3A_173 = arith.extui %lt3A_172 : i1 to i32
      %cond3A_174 = arith.constant 0 : i32
      %cond3A_175 = arith.cmpi ne, %convert_element_type3A_173, %cond3A_174 : i32
      scf.if %cond3A_175 {
        %add3A_176 = arith.constant 4 : i32
        %add3A_177 = arith.addi %add3A_153, %add3A_176 : i32
        %dma_start3A_178 = arith.constant 3 : i32
        %dma_start3A_179 = arith.constant 3 : i32
        %dma_start3A_180 = arith.constant 0 : i32
        %dma_start3A_181 = arith.constant 0 : i32
        %dma_start3A_182 = tpu.memref_slice %arg8[%dma_start3A_178, %dma_start3A_180, %dma_start3A_181] : memref<4x128x64xf32, #tpu.memory_space<vmem>> -> memref<1x128x64xf32, #tpu.memory_space<vmem>>
        %dma_start3A_183 = tpu.memref_squeeze %dma_start3A_182 : memref<1x128x64xf32, #tpu.memory_space<vmem>> -> memref<128x64xf32, #tpu.memory_space<vmem>>
        %dma_start3A_184 = arith.constant 0 : i32
        %dma_start3A_185 = tpu.memref_slice %arg6[%add3A_177, %dma_start3A_184] : memref<80x128xi32, #tpu.memory_space<vmem>> -> memref<1x128xi32, #tpu.memory_space<vmem>>
        %dma_start3A_186 = tpu.memref_squeeze %dma_start3A_185 : memref<1x128xi32, #tpu.memory_space<vmem>> -> memref<128xi32, #tpu.memory_space<vmem>>
        %dma_start3A_187 = arith.constant 0 : i32
        %dma_start3A_188 = arith.constant 0 : i32
        %dma_start3A_189 = tpu.memref_slice %arg2[%dma_start3A_187, %dma_start3A_188] : memref<10240x64xf32, #tpu.memory_space<hbm>> -> memref<10240x64xf32, #tpu.memory_space<hbm>>
        %dma_start3A_190 = tpu.memref_slice %arg11[%dma_start3A_179] : memref<4x!tpu.dma_semaphore, #tpu.memory_space<semaphore_mem>> -> memref<1x!tpu.dma_semaphore, #tpu.memory_space<semaphore_mem>>
        %dma_start3A_191 = tpu.memref_squeeze %dma_start3A_190 : memref<1x!tpu.dma_semaphore, #tpu.memory_space<semaphore_mem>> -> memref<!tpu.dma_semaphore, #tpu.memory_space<semaphore_mem>>
        tpu.enqueue_indirect_dma source(%dma_start3A_189 : memref<10240x64xf32, #tpu.memory_space<hbm>>) target(%dma_start3A_183 : memref<128x64xf32, #tpu.memory_space<vmem>>) offsets(%dma_start3A_186 : memref<128xi32, #tpu.memory_space<vmem>>) semaphore(%dma_start3A_191 : memref<!tpu.dma_semaphore, #tpu.memory_space<semaphore_mem>>)
      } else {
      }
    }
    %scan3A_78 = arith.constant 20 : i32
    %barrier3A_79 = arith.constant 0 : index
    tpu.barrier barrier_id(%barrier3A_79)
    %add3A_80 = arith.constant 0 : i32
    %add3A_81 = arith.addi %add3A_80, %arg0 : i32
    "tpu.region"() ({
      %run_scoped3A = tpu.sem_alloc : memref<!tpu.dma_semaphore, #tpu.memory_space<semaphore_mem>>
      %dma_start3A_82 = arith.constant 0 : i32
      %dma_start3A_83 = arith.constant 0 : i32
      %dma_start3A_84 = tpu.memref_slice %arg5[%add3A_81, %dma_start3A_82, %dma_start3A_83] : memref<2x10240x64xf32, #tpu.memory_space<hbm>> -> memref<1x10240x64xf32, #tpu.memory_space<hbm>>
      %dma_start3A_85 = tpu.memref_squeeze %dma_start3A_84 : memref<1x10240x64xf32, #tpu.memory_space<hbm>> -> memref<10240x64xf32, #tpu.memory_space<hbm>>
      %dma_start3A_86 = arith.constant 0 : i32
      %dma_start3A_87 = tpu.memref_slice %dma_start3A_85[%mul3A_7, %dma_start3A_86] : memref<10240x64xf32, #tpu.memory_space<hbm>> -> memref<640x64xf32, #tpu.memory_space<hbm>>
      %dma_start3A_88 = arith.constant 0 : i32
      %dma_start3A_89 = tpu.memref_slice %arg10[%mul3A_7, %dma_start3A_88] : memref<10240x64xf32, #tpu.memory_space<vmem_shared>> -> memref<640x64xf32, #tpu.memory_space<vmem_shared>>
      tpu.enqueue_dma source(%dma_start3A_89 : memref<640x64xf32, #tpu.memory_space<vmem_shared>>) target(%dma_start3A_87 : memref<640x64xf32, #tpu.memory_space<hbm>>) target_semaphore(%run_scoped3A : memref<!tpu.dma_semaphore, #tpu.memory_space<semaphore_mem>>)
      %dma_wait3A = arith.constant 0 : i32
      %dma_wait3A_90 = arith.constant 0 : i32
      %dma_wait3A_91 = tpu.memref_slice %arg5[%add3A_81, %dma_wait3A, %dma_wait3A_90] : memref<2x10240x64xf32, #tpu.memory_space<hbm>> -> memref<1x10240x64xf32, #tpu.memory_space<hbm>>
      %dma_wait3A_92 = tpu.memref_squeeze %dma_wait3A_91 : memref<1x10240x64xf32, #tpu.memory_space<hbm>> -> memref<10240x64xf32, #tpu.memory_space<hbm>>
      %dma_wait3A_93 = arith.constant 0 : i32
      %dma_wait3A_94 = tpu.memref_slice %dma_wait3A_92[%mul3A_7, %dma_wait3A_93] : memref<10240x64xf32, #tpu.memory_space<hbm>> -> memref<640x64xf32, #tpu.memory_space<hbm>>
      %dma_wait3A_95 = arith.constant 0 : i32
      %dma_wait3A_96 = tpu.memref_slice %arg10[%mul3A_7, %dma_wait3A_95] : memref<10240x64xf32, #tpu.memory_space<vmem_shared>> -> memref<640x64xf32, #tpu.memory_space<vmem_shared>>
      tpu.wait_dma2 semaphore(%run_scoped3A : memref<!tpu.dma_semaphore, #tpu.memory_space<semaphore_mem>>) src(%dma_wait3A_96 : memref<640x64xf32, #tpu.memory_space<vmem_shared>>) dst(%dma_wait3A_94 : memref<640x64xf32, #tpu.memory_space<hbm>>)
      tpu.yield
    }) : () -> ()
    return
  }
}

#map = affine_map<(d0, d1) -> (0, 0, 0)>
module attributes {stable_mosaic.version = 14 : i64} {
  func.func @body(%arg0: i32, %arg1: i32, %arg2: memref<2x10240x64xf32, #tpu.memory_space<hbm>>, %arg3: memref<32x80x128xi32, #tpu.memory_space<hbm>>, %arg4: memref<32x80x128xi32, #tpu.memory_space<hbm>>, %arg5: memref<4x10240x64xf32, #tpu.memory_space<hbm>>, %arg6: memref<80x128xi32, #tpu.memory_space<vmem>>, %arg7: memref<80x128xi32, #tpu.memory_space<vmem>>, %arg8: memref<4x128x64xf32, #tpu.memory_space<vmem>>, %arg9: memref<64x64xf32, #tpu.memory_space<vmem>>, %arg10: memref<10240x64xf32, #tpu.memory_space<vmem_shared>>, %arg11: memref<4x!tpu.dma_semaphore, #tpu.memory_space<semaphore_mem>>) attributes {dimension_semantics = [#tpu.dimension_semantics<core_parallel>, #tpu.dimension_semantics<subcore_parallel>], iteration_bounds = array<i64: 2, 16>, scalar_prefetch = 0 : i64, scratch_operands = 6 : i64, tpu.core_type = #tpu.core_type<sc_vector_subcore>, window_params = [{transform_indices = #map}, {transform_indices = #map}, {transform_indices = #map}, {transform_indices = #map}]} {
    %mul3A = arith.constant 16 : i32
    %mul3A_0 = arith.muli %arg0, %mul3A : i32
    %add3A = arith.addi %mul3A_0, %arg1 : i32
    %scan3A = arith.constant 0 : i32
    %scan3A_1 = arith.constant 0 : i32
    %scan3A_2 = arith.constant 64 : i32
    %scan3A_3 = arith.addi %scan3A_1, %scan3A_2 : i32
    %scan3A_4 = arith.constant 1 : i32
    scf.for %scan3A_200 = %scan3A_1 to %scan3A_3 step %scan3A_4  : i32 {
      %broadcast_in_dim3A = arith.constant 0.000000e+00 : f32
      %broadcast_in_dim3A_201 = vector.broadcast %broadcast_in_dim3A : f32 to vector<16xf32>
      %swap3A = arith.index_cast %scan3A_200 : i32 to index
      %swap3A_202 = arith.constant 0 : index
      %swap3A_203 = tpu.vector_load %arg9[%swap3A, %swap3A_202] {strides = array<i32>} : memref<64x64xf32, #tpu.memory_space<vmem>>, vector<1x16xf32>,
      %swap3A_204 = vector.shape_cast %swap3A_203 : vector<1x16xf32> to vector<16xf32>
      %swap3A_205 = vector.shape_cast %broadcast_in_dim3A_201 : vector<16xf32> to vector<1x16xf32>
      tpu.vector_store %arg9[%swap3A, %swap3A_202], %swap3A_205 {strides = array<i32>} : memref<64x64xf32, #tpu.memory_space<vmem>>, vector<1x16xf32>,
      %broadcast_in_dim3A_206 = arith.constant 0.000000e+00 : f32
      %broadcast_in_dim3A_207 = vector.broadcast %broadcast_in_dim3A_206 : f32 to vector<16xf32>
      %swap3A_208 = arith.index_cast %scan3A_200 : i32 to index
      %swap3A_209 = arith.constant 16 : index
      %swap3A_210 = tpu.vector_load %arg9[%swap3A_208, %swap3A_209] {strides = array<i32>} : memref<64x64xf32, #tpu.memory_space<vmem>>, vector<1x16xf32>,
      %swap3A_211 = vector.shape_cast %swap3A_210 : vector<1x16xf32> to vector<16xf32>
      %swap3A_212 = vector.shape_cast %broadcast_in_dim3A_207 : vector<16xf32> to vector<1x16xf32>
      tpu.vector_store %arg9[%swap3A_208, %swap3A_209], %swap3A_212 {strides = array<i32>} : memref<64x64xf32, #tpu.memory_space<vmem>>, vector<1x16xf32>,
      %broadcast_in_dim3A_213 = arith.constant 0.000000e+00 : f32
      %broadcast_in_dim3A_214 = vector.broadcast %broadcast_in_dim3A_213 : f32 to vector<16xf32>
      %swap3A_215 = arith.index_cast %scan3A_200 : i32 to index
      %swap3A_216 = arith.constant 32 : index
      %swap3A_217 = tpu.vector_load %arg9[%swap3A_215, %swap3A_216] {strides = array<i32>} : memref<64x64xf32, #tpu.memory_space<vmem>>, vector<1x16xf32>,
      %swap3A_218 = vector.shape_cast %swap3A_217 : vector<1x16xf32> to vector<16xf32>
      %swap3A_219 = vector.shape_cast %broadcast_in_dim3A_214 : vector<16xf32> to vector<1x16xf32>
      tpu.vector_store %arg9[%swap3A_215, %swap3A_216], %swap3A_219 {strides = array<i32>} : memref<64x64xf32, #tpu.memory_space<vmem>>, vector<1x16xf32>,
      %broadcast_in_dim3A_220 = arith.constant 0.000000e+00 : f32
      %broadcast_in_dim3A_221 = vector.broadcast %broadcast_in_dim3A_220 : f32 to vector<16xf32>
      %swap3A_222 = arith.index_cast %scan3A_200 : i32 to index
      %swap3A_223 = arith.constant 48 : index
      %swap3A_224 = tpu.vector_load %arg9[%swap3A_222, %swap3A_223] {strides = array<i32>} : memref<64x64xf32, #tpu.memory_space<vmem>>, vector<1x16xf32>,
      %swap3A_225 = vector.shape_cast %swap3A_224 : vector<1x16xf32> to vector<16xf32>
      %swap3A_226 = vector.shape_cast %broadcast_in_dim3A_221 : vector<16xf32> to vector<1x16xf32>
      tpu.vector_store %arg9[%swap3A_222, %swap3A_223], %swap3A_226 {strides = array<i32>} : memref<64x64xf32, #tpu.memory_space<vmem>>, vector<1x16xf32>,
    }
    %scan3A_5 = arith.constant 64 : i32
    "tpu.region"() ({
      %run_scoped3A = tpu.sem_alloc : memref<!tpu.dma_semaphore, #tpu.memory_space<semaphore_mem>>
      %dma_start3A_200 = arith.constant 0 : i32
      %dma_start3A_201 = arith.constant 0 : i32
      %dma_start3A_202 = tpu.memref_slice %arg3[%add3A, %dma_start3A_200, %dma_start3A_201] : memref<32x80x128xi32, #tpu.memory_space<hbm>> -> memref<1x80x128xi32, #tpu.memory_space<hbm>>
      %dma_start3A_203 = tpu.memref_squeeze %dma_start3A_202 : memref<1x80x128xi32, #tpu.memory_space<hbm>> -> memref<80x128xi32, #tpu.memory_space<hbm>>
      %dma_start3A_204 = arith.constant 0 : i32
      %dma_start3A_205 = arith.constant 0 : i32
      %dma_start3A_206 = tpu.memref_slice %arg3[%add3A, %dma_start3A_204, %dma_start3A_205] : memref<32x80x128xi32, #tpu.memory_space<hbm>> -> memref<1x80x128xi32, #tpu.memory_space<hbm>>
      %dma_start3A_207 = tpu.memref_squeeze %dma_start3A_206 : memref<1x80x128xi32, #tpu.memory_space<hbm>> -> memref<80x128xi32, #tpu.memory_space<hbm>>
      tpu.enqueue_dma source(%dma_start3A_207 : memref<80x128xi32, #tpu.memory_space<hbm>>) target(%arg6 : memref<80x128xi32, #tpu.memory_space<vmem>>) target_semaphore(%run_scoped3A : memref<!tpu.dma_semaphore, #tpu.memory_space<semaphore_mem>>)
      %dma_wait3A = arith.constant 0 : i32
      %dma_wait3A_208 = arith.constant 0 : i32
      %dma_wait3A_209 = tpu.memref_slice %arg3[%add3A, %dma_wait3A, %dma_wait3A_208] : memref<32x80x128xi32, #tpu.memory_space<hbm>> -> memref<1x80x128xi32, #tpu.memory_space<hbm>>
      %dma_wait3A_210 = tpu.memref_squeeze %dma_wait3A_209 : memref<1x80x128xi32, #tpu.memory_space<hbm>> -> memref<80x128xi32, #tpu.memory_space<hbm>>
      %dma_wait3A_211 = arith.constant 0 : i32
      %dma_wait3A_212 = arith.constant 0 : i32
      %dma_wait3A_213 = tpu.memref_slice %arg3[%add3A, %dma_wait3A_211, %dma_wait3A_212] : memref<32x80x128xi32, #tpu.memory_space<hbm>> -> memref<1x80x128xi32, #tpu.memory_space<hbm>>
      %dma_wait3A_214 = tpu.memref_squeeze %dma_wait3A_213 : memref<1x80x128xi32, #tpu.memory_space<hbm>> -> memref<80x128xi32, #tpu.memory_space<hbm>>
      tpu.wait_dma2 semaphore(%run_scoped3A : memref<!tpu.dma_semaphore, #tpu.memory_space<semaphore_mem>>) src(%dma_wait3A_214 : memref<80x128xi32, #tpu.memory_space<hbm>>) dst(%arg6 : memref<80x128xi32, #tpu.memory_space<vmem>>)
      tpu.yield
    }) : () -> ()
    "tpu.region"() ({
      %run_scoped3A = tpu.sem_alloc : memref<!tpu.dma_semaphore, #tpu.memory_space<semaphore_mem>>
      %dma_start3A_200 = arith.constant 0 : i32
      %dma_start3A_201 = arith.constant 0 : i32
      %dma_start3A_202 = tpu.memref_slice %arg4[%add3A, %dma_start3A_200, %dma_start3A_201] : memref<32x80x128xi32, #tpu.memory_space<hbm>> -> memref<1x80x128xi32, #tpu.memory_space<hbm>>
      %dma_start3A_203 = tpu.memref_squeeze %dma_start3A_202 : memref<1x80x128xi32, #tpu.memory_space<hbm>> -> memref<80x128xi32, #tpu.memory_space<hbm>>
      %dma_start3A_204 = arith.constant 0 : i32
      %dma_start3A_205 = arith.constant 0 : i32
      %dma_start3A_206 = tpu.memref_slice %arg4[%add3A, %dma_start3A_204, %dma_start3A_205] : memref<32x80x128xi32, #tpu.memory_space<hbm>> -> memref<1x80x128xi32, #tpu.memory_space<hbm>>
      %dma_start3A_207 = tpu.memref_squeeze %dma_start3A_206 : memref<1x80x128xi32, #tpu.memory_space<hbm>> -> memref<80x128xi32, #tpu.memory_space<hbm>>
      tpu.enqueue_dma source(%dma_start3A_207 : memref<80x128xi32, #tpu.memory_space<hbm>>) target(%arg7 : memref<80x128xi32, #tpu.memory_space<vmem>>) target_semaphore(%run_scoped3A : memref<!tpu.dma_semaphore, #tpu.memory_space<semaphore_mem>>)
      %dma_wait3A = arith.constant 0 : i32
      %dma_wait3A_208 = arith.constant 0 : i32
      %dma_wait3A_209 = tpu.memref_slice %arg4[%add3A, %dma_wait3A, %dma_wait3A_208] : memref<32x80x128xi32, #tpu.memory_space<hbm>> -> memref<1x80x128xi32, #tpu.memory_space<hbm>>
      %dma_wait3A_210 = tpu.memref_squeeze %dma_wait3A_209 : memref<1x80x128xi32, #tpu.memory_space<hbm>> -> memref<80x128xi32, #tpu.memory_space<hbm>>
      %dma_wait3A_211 = arith.constant 0 : i32
      %dma_wait3A_212 = arith.constant 0 : i32
      %dma_wait3A_213 = tpu.memref_slice %arg4[%add3A, %dma_wait3A_211, %dma_wait3A_212] : memref<32x80x128xi32, #tpu.memory_space<hbm>> -> memref<1x80x128xi32, #tpu.memory_space<hbm>>
      %dma_wait3A_214 = tpu.memref_squeeze %dma_wait3A_213 : memref<1x80x128xi32, #tpu.memory_space<hbm>> -> memref<80x128xi32, #tpu.memory_space<hbm>>
      tpu.wait_dma2 semaphore(%run_scoped3A : memref<!tpu.dma_semaphore, #tpu.memory_space<semaphore_mem>>) src(%dma_wait3A_214 : memref<80x128xi32, #tpu.memory_space<hbm>>) dst(%arg7 : memref<80x128xi32, #tpu.memory_space<vmem>>)
      tpu.yield
    }) : () -> ()
    %mul3A_6 = arith.constant 640 : i32
    %mul3A_7 = arith.muli %arg1, %mul3A_6 : i32
    %scan3A_8 = arith.constant 0 : i32
    %scan3A_9 = arith.constant 0 : i32
    %scan3A_10 = arith.constant 10 : i32
    %scan3A_11 = arith.addi %scan3A_9, %scan3A_10 : i32
    %scan3A_12 = arith.constant 1 : i32
    scf.for %scan3A_200 = %scan3A_9 to %scan3A_11 step %scan3A_12  : i32 {
      %mul3A_201 = arith.constant 640 : i32
      %mul3A_202 = arith.muli %arg1, %mul3A_201 : i32
      %mul3A_203 = arith.constant 64 : i32
      %mul3A_204 = arith.muli %scan3A_200, %mul3A_203 : i32
      %add3A_205 = arith.addi %mul3A_202, %mul3A_204 : i32
      "tpu.region"() ({
        %run_scoped3A = tpu.sem_alloc : memref<!tpu.dma_semaphore, #tpu.memory_space<semaphore_mem>>
        %dma_start3A_206 = arith.constant 0 : i32
        %dma_start3A_207 = tpu.memref_slice %arg10[%add3A_205, %dma_start3A_206] : memref<10240x64xf32, #tpu.memory_space<vmem_shared>> -> memref<64x64xf32, #tpu.memory_space<vmem_shared>>
        %dma_start3A_208 = arith.constant 0 : i32
        %dma_start3A_209 = tpu.memref_slice %arg10[%add3A_205, %dma_start3A_208] : memref<10240x64xf32, #tpu.memory_space<vmem_shared>> -> memref<64x64xf32, #tpu.memory_space<vmem_shared>>
        tpu.enqueue_dma source(%arg9 : memref<64x64xf32, #tpu.memory_space<vmem>>) target(%dma_start3A_209 : memref<64x64xf32, #tpu.memory_space<vmem_shared>>) target_semaphore(%run_scoped3A : memref<!tpu.dma_semaphore, #tpu.memory_space<semaphore_mem>>)
        %dma_wait3A = arith.constant 0 : i32
        %dma_wait3A_210 = tpu.memref_slice %arg10[%add3A_205, %dma_wait3A] : memref<10240x64xf32, #tpu.memory_space<vmem_shared>> -> memref<64x64xf32, #tpu.memory_space<vmem_shared>>
        %dma_wait3A_211 = arith.constant 0 : i32
        %dma_wait3A_212 = tpu.memref_slice %arg10[%add3A_205, %dma_wait3A_211] : memref<10240x64xf32, #tpu.memory_space<vmem_shared>> -> memref<64x64xf32, #tpu.memory_space<vmem_shared>>
        tpu.wait_dma2 semaphore(%run_scoped3A : memref<!tpu.dma_semaphore, #tpu.memory_space<semaphore_mem>>) src(%arg9 : memref<64x64xf32, #tpu.memory_space<vmem>>) dst(%dma_wait3A_212 : memref<64x64xf32, #tpu.memory_space<vmem_shared>>)
        tpu.yield
      }) : () -> ()
    }
    %scan3A_13 = arith.constant 10 : i32
    %barrier3A = arith.constant 0 : index
    tpu.barrier barrier_id(%barrier3A)
    %dma_start3A = arith.constant 0 : i32
    %dma_start3A_14 = arith.constant 0 : i32
    %dma_start3A_15 = arith.constant 0 : i32
    %dma_start3A_16 = arith.constant 0 : i32
    %dma_start3A_17 = arith.constant 0 : i32
    %dma_start3A_18 = arith.constant 0 : i32
    %dma_start3A_19 = tpu.memref_slice %arg8[%dma_start3A_15, %dma_start3A_17, %dma_start3A_18] : memref<4x128x64xf32, #tpu.memory_space<vmem>> -> memref<1x128x64xf32, #tpu.memory_space<vmem>>
    %dma_start3A_20 = tpu.memref_squeeze %dma_start3A_19 : memref<1x128x64xf32, #tpu.memory_space<vmem>> -> memref<128x64xf32, #tpu.memory_space<vmem>>
    %dma_start3A_21 = arith.constant 0 : i32
    %dma_start3A_22 = tpu.memref_slice %arg6[%dma_start3A_14, %dma_start3A_21] : memref<80x128xi32, #tpu.memory_space<vmem>> -> memref<1x128xi32, #tpu.memory_space<vmem>>
    %dma_start3A_23 = tpu.memref_squeeze %dma_start3A_22 : memref<1x128xi32, #tpu.memory_space<vmem>> -> memref<128xi32, #tpu.memory_space<vmem>>
    %dma_start3A_24 = arith.constant 0 : i32
    %dma_start3A_25 = arith.constant 0 : i32
    %dma_start3A_26 = tpu.memref_slice %arg2[%dma_start3A, %dma_start3A_24, %dma_start3A_25] : memref<2x10240x64xf32, #tpu.memory_space<hbm>> -> memref<1x10240x64xf32, #tpu.memory_space<hbm>>
    %dma_start3A_27 = tpu.memref_squeeze %dma_start3A_26 : memref<1x10240x64xf32, #tpu.memory_space<hbm>> -> memref<10240x64xf32, #tpu.memory_space<hbm>>
    %dma_start3A_28 = arith.constant 0 : i32
    %dma_start3A_29 = arith.constant 0 : i32
    %dma_start3A_30 = tpu.memref_slice %dma_start3A_27[%dma_start3A_28, %dma_start3A_29] : memref<10240x64xf32, #tpu.memory_space<hbm>> -> memref<10240x64xf32, #tpu.memory_space<hbm>>
    %dma_start3A_31 = tpu.memref_slice %arg11[%dma_start3A_16] : memref<4x!tpu.dma_semaphore, #tpu.memory_space<semaphore_mem>> -> memref<1x!tpu.dma_semaphore, #tpu.memory_space<semaphore_mem>>
    %dma_start3A_32 = tpu.memref_squeeze %dma_start3A_31 : memref<1x!tpu.dma_semaphore, #tpu.memory_space<semaphore_mem>> -> memref<!tpu.dma_semaphore, #tpu.memory_space<semaphore_mem>>
    tpu.enqueue_indirect_dma source(%dma_start3A_30 : memref<10240x64xf32, #tpu.memory_space<hbm>>) target(%dma_start3A_20 : memref<128x64xf32, #tpu.memory_space<vmem>>) offsets(%dma_start3A_23 : memref<128xi32, #tpu.memory_space<vmem>>) semaphore(%dma_start3A_32 : memref<!tpu.dma_semaphore, #tpu.memory_space<semaphore_mem>>)
    %dma_start3A_33 = arith.constant 0 : i32
    %dma_start3A_34 = arith.constant 1 : i32
    %dma_start3A_35 = arith.constant 1 : i32
    %dma_start3A_36 = arith.constant 1 : i32
    %dma_start3A_37 = arith.constant 0 : i32
    %dma_start3A_38 = arith.constant 0 : i32
    %dma_start3A_39 = tpu.memref_slice %arg8[%dma_start3A_35, %dma_start3A_37, %dma_start3A_38] : memref<4x128x64xf32, #tpu.memory_space<vmem>> -> memref<1x128x64xf32, #tpu.memory_space<vmem>>
    %dma_start3A_40 = tpu.memref_squeeze %dma_start3A_39 : memref<1x128x64xf32, #tpu.memory_space<vmem>> -> memref<128x64xf32, #tpu.memory_space<vmem>>
    %dma_start3A_41 = arith.constant 0 : i32
    %dma_start3A_42 = tpu.memref_slice %arg6[%dma_start3A_34, %dma_start3A_41] : memref<80x128xi32, #tpu.memory_space<vmem>> -> memref<1x128xi32, #tpu.memory_space<vmem>>
    %dma_start3A_43 = tpu.memref_squeeze %dma_start3A_42 : memref<1x128xi32, #tpu.memory_space<vmem>> -> memref<128xi32, #tpu.memory_space<vmem>>
    %dma_start3A_44 = arith.constant 0 : i32
    %dma_start3A_45 = arith.constant 0 : i32
    %dma_start3A_46 = tpu.memref_slice %arg2[%dma_start3A_33, %dma_start3A_44, %dma_start3A_45] : memref<2x10240x64xf32, #tpu.memory_space<hbm>> -> memref<1x10240x64xf32, #tpu.memory_space<hbm>>
    %dma_start3A_47 = tpu.memref_squeeze %dma_start3A_46 : memref<1x10240x64xf32, #tpu.memory_space<hbm>> -> memref<10240x64xf32, #tpu.memory_space<hbm>>
    %dma_start3A_48 = arith.constant 0 : i32
    %dma_start3A_49 = arith.constant 0 : i32
    %dma_start3A_50 = tpu.memref_slice %dma_start3A_47[%dma_start3A_48, %dma_start3A_49] : memref<10240x64xf32, #tpu.memory_space<hbm>> -> memref<10240x64xf32, #tpu.memory_space<hbm>>
    %dma_start3A_51 = tpu.memref_slice %arg11[%dma_start3A_36] : memref<4x!tpu.dma_semaphore, #tpu.memory_space<semaphore_mem>> -> memref<1x!tpu.dma_semaphore, #tpu.memory_space<semaphore_mem>>
    %dma_start3A_52 = tpu.memref_squeeze %dma_start3A_51 : memref<1x!tpu.dma_semaphore, #tpu.memory_space<semaphore_mem>> -> memref<!tpu.dma_semaphore, #tpu.memory_space<semaphore_mem>>
    tpu.enqueue_indirect_dma source(%dma_start3A_50 : memref<10240x64xf32, #tpu.memory_space<hbm>>) target(%dma_start3A_40 : memref<128x64xf32, #tpu.memory_space<vmem>>) offsets(%dma_start3A_43 : memref<128xi32, #tpu.memory_space<vmem>>) semaphore(%dma_start3A_52 : memref<!tpu.dma_semaphore, #tpu.memory_space<semaphore_mem>>)
    %dma_start3A_53 = arith.constant 0 : i32
    %dma_start3A_54 = arith.constant 2 : i32
    %dma_start3A_55 = arith.constant 2 : i32
    %dma_start3A_56 = arith.constant 2 : i32
    %dma_start3A_57 = arith.constant 0 : i32
    %dma_start3A_58 = arith.constant 0 : i32
    %dma_start3A_59 = tpu.memref_slice %arg8[%dma_start3A_55, %dma_start3A_57, %dma_start3A_58] : memref<4x128x64xf32, #tpu.memory_space<vmem>> -> memref<1x128x64xf32, #tpu.memory_space<vmem>>
    %dma_start3A_60 = tpu.memref_squeeze %dma_start3A_59 : memref<1x128x64xf32, #tpu.memory_space<vmem>> -> memref<128x64xf32, #tpu.memory_space<vmem>>
    %dma_start3A_61 = arith.constant 0 : i32
    %dma_start3A_62 = tpu.memref_slice %arg6[%dma_start3A_54, %dma_start3A_61] : memref<80x128xi32, #tpu.memory_space<vmem>> -> memref<1x128xi32, #tpu.memory_space<vmem>>
    %dma_start3A_63 = tpu.memref_squeeze %dma_start3A_62 : memref<1x128xi32, #tpu.memory_space<vmem>> -> memref<128xi32, #tpu.memory_space<vmem>>
    %dma_start3A_64 = arith.constant 0 : i32
    %dma_start3A_65 = arith.constant 0 : i32
    %dma_start3A_66 = tpu.memref_slice %arg2[%dma_start3A_53, %dma_start3A_64, %dma_start3A_65] : memref<2x10240x64xf32, #tpu.memory_space<hbm>> -> memref<1x10240x64xf32, #tpu.memory_space<hbm>>
    %dma_start3A_67 = tpu.memref_squeeze %dma_start3A_66 : memref<1x10240x64xf32, #tpu.memory_space<hbm>> -> memref<10240x64xf32, #tpu.memory_space<hbm>>
    %dma_start3A_68 = arith.constant 0 : i32
    %dma_start3A_69 = arith.constant 0 : i32
    %dma_start3A_70 = tpu.memref_slice %dma_start3A_67[%dma_start3A_68, %dma_start3A_69] : memref<10240x64xf32, #tpu.memory_space<hbm>> -> memref<10240x64xf32, #tpu.memory_space<hbm>>
    %dma_start3A_71 = tpu.memref_slice %arg11[%dma_start3A_56] : memref<4x!tpu.dma_semaphore, #tpu.memory_space<semaphore_mem>> -> memref<1x!tpu.dma_semaphore, #tpu.memory_space<semaphore_mem>>
    %dma_start3A_72 = tpu.memref_squeeze %dma_start3A_71 : memref<1x!tpu.dma_semaphore, #tpu.memory_space<semaphore_mem>> -> memref<!tpu.dma_semaphore, #tpu.memory_space<semaphore_mem>>
    tpu.enqueue_indirect_dma source(%dma_start3A_70 : memref<10240x64xf32, #tpu.memory_space<hbm>>) target(%dma_start3A_60 : memref<128x64xf32, #tpu.memory_space<vmem>>) offsets(%dma_start3A_63 : memref<128xi32, #tpu.memory_space<vmem>>) semaphore(%dma_start3A_72 : memref<!tpu.dma_semaphore, #tpu.memory_space<semaphore_mem>>)
    %dma_start3A_73 = arith.constant 0 : i32
    %dma_start3A_74 = arith.constant 3 : i32
    %dma_start3A_75 = arith.constant 3 : i32
    %dma_start3A_76 = arith.constant 3 : i32
    %dma_start3A_77 = arith.constant 0 : i32
    %dma_start3A_78 = arith.constant 0 : i32
    %dma_start3A_79 = tpu.memref_slice %arg8[%dma_start3A_75, %dma_start3A_77, %dma_start3A_78] : memref<4x128x64xf32, #tpu.memory_space<vmem>> -> memref<1x128x64xf32, #tpu.memory_space<vmem>>
    %dma_start3A_80 = tpu.memref_squeeze %dma_start3A_79 : memref<1x128x64xf32, #tpu.memory_space<vmem>> -> memref<128x64xf32, #tpu.memory_space<vmem>>
    %dma_start3A_81 = arith.constant 0 : i32
    %dma_start3A_82 = tpu.memref_slice %arg6[%dma_start3A_74, %dma_start3A_81] : memref<80x128xi32, #tpu.memory_space<vmem>> -> memref<1x128xi32, #tpu.memory_space<vmem>>
    %dma_start3A_83 = tpu.memref_squeeze %dma_start3A_82 : memref<1x128xi32, #tpu.memory_space<vmem>> -> memref<128xi32, #tpu.memory_space<vmem>>
    %dma_start3A_84 = arith.constant 0 : i32
    %dma_start3A_85 = arith.constant 0 : i32
    %dma_start3A_86 = tpu.memref_slice %arg2[%dma_start3A_73, %dma_start3A_84, %dma_start3A_85] : memref<2x10240x64xf32, #tpu.memory_space<hbm>> -> memref<1x10240x64xf32, #tpu.memory_space<hbm>>
    %dma_start3A_87 = tpu.memref_squeeze %dma_start3A_86 : memref<1x10240x64xf32, #tpu.memory_space<hbm>> -> memref<10240x64xf32, #tpu.memory_space<hbm>>
    %dma_start3A_88 = arith.constant 0 : i32
    %dma_start3A_89 = arith.constant 0 : i32
    %dma_start3A_90 = tpu.memref_slice %dma_start3A_87[%dma_start3A_88, %dma_start3A_89] : memref<10240x64xf32, #tpu.memory_space<hbm>> -> memref<10240x64xf32, #tpu.memory_space<hbm>>
    %dma_start3A_91 = tpu.memref_slice %arg11[%dma_start3A_76] : memref<4x!tpu.dma_semaphore, #tpu.memory_space<semaphore_mem>> -> memref<1x!tpu.dma_semaphore, #tpu.memory_space<semaphore_mem>>
    %dma_start3A_92 = tpu.memref_squeeze %dma_start3A_91 : memref<1x!tpu.dma_semaphore, #tpu.memory_space<semaphore_mem>> -> memref<!tpu.dma_semaphore, #tpu.memory_space<semaphore_mem>>
    tpu.enqueue_indirect_dma source(%dma_start3A_90 : memref<10240x64xf32, #tpu.memory_space<hbm>>) target(%dma_start3A_80 : memref<128x64xf32, #tpu.memory_space<vmem>>) offsets(%dma_start3A_83 : memref<128xi32, #tpu.memory_space<vmem>>) semaphore(%dma_start3A_92 : memref<!tpu.dma_semaphore, #tpu.memory_space<semaphore_mem>>)
    %scan3A_93 = arith.constant 0 : i32
    %scan3A_94 = arith.constant 0 : i32
    %scan3A_95 = arith.constant 0 : i32
    %scan3A_96 = arith.constant 20 : i32
    %scan3A_97 = arith.addi %scan3A_95, %scan3A_96 : i32
    %scan3A_98 = arith.constant 1 : i32
    scf.for %scan3A_200 = %scan3A_95 to %scan3A_97 step %scan3A_98  : i32 {
      %mul3A_201 = arith.constant 4 : i32
      %mul3A_202 = arith.muli %scan3A_200, %mul3A_201 : i32
      %add3A_203 = arith.constant 0 : i32
      %add3A_204 = arith.addi %mul3A_202, %add3A_203 : i32
      %dma_wait3A = arith.constant 0 : i32
      %dma_wait3A_205 = arith.constant 0 : i32
      %dma_wait3A_206 = arith.constant 0 : i32
      %dma_wait3A_207 = arith.constant 0 : i32
      %dma_wait3A_208 = tpu.memref_slice %arg8[%dma_wait3A, %dma_wait3A_206, %dma_wait3A_207] : memref<4x128x64xf32, #tpu.memory_space<vmem>> -> memref<1x128x64xf32, #tpu.memory_space<vmem>>
      %dma_wait3A_209 = tpu.memref_squeeze %dma_wait3A_208 : memref<1x128x64xf32, #tpu.memory_space<vmem>> -> memref<128x64xf32, #tpu.memory_space<vmem>>
      %dma_wait3A_210 = arith.constant 0 : i32
      %dma_wait3A_211 = tpu.memref_slice %arg6[%add3A_204, %dma_wait3A_210] : memref<80x128xi32, #tpu.memory_space<vmem>> -> memref<1x128xi32, #tpu.memory_space<vmem>>
      %dma_wait3A_212 = tpu.memref_squeeze %dma_wait3A_211 : memref<1x128xi32, #tpu.memory_space<vmem>> -> memref<128xi32, #tpu.memory_space<vmem>>
      %dma_wait3A_213 = arith.constant 0 : i32
      %dma_wait3A_214 = arith.constant 0 : i32
      %dma_wait3A_215 = tpu.memref_slice %arg2[%scan3A_94, %dma_wait3A_213, %dma_wait3A_214] : memref<2x10240x64xf32, #tpu.memory_space<hbm>> -> memref<1x10240x64xf32, #tpu.memory_space<hbm>>
      %dma_wait3A_216 = tpu.memref_squeeze %dma_wait3A_215 : memref<1x10240x64xf32, #tpu.memory_space<hbm>> -> memref<10240x64xf32, #tpu.memory_space<hbm>>
      %dma_wait3A_217 = arith.constant 0 : i32
      %dma_wait3A_218 = arith.constant 0 : i32
      %dma_wait3A_219 = tpu.memref_slice %dma_wait3A_216[%dma_wait3A_217, %dma_wait3A_218] : memref<10240x64xf32, #tpu.memory_space<hbm>> -> memref<10240x64xf32, #tpu.memory_space<hbm>>
      %dma_wait3A_220 = tpu.memref_slice %arg11[%dma_wait3A_205] : memref<4x!tpu.dma_semaphore, #tpu.memory_space<semaphore_mem>> -> memref<1x!tpu.dma_semaphore, #tpu.memory_space<semaphore_mem>>
      %dma_wait3A_221 = tpu.memref_squeeze %dma_wait3A_220 : memref<1x!tpu.dma_semaphore, #tpu.memory_space<semaphore_mem>> -> memref<!tpu.dma_semaphore, #tpu.memory_space<semaphore_mem>>
      tpu.wait_indirect_dma semaphore(%dma_wait3A_221 : memref<!tpu.dma_semaphore, #tpu.memory_space<semaphore_mem>>) src(%dma_wait3A_219 : memref<10240x64xf32, #tpu.memory_space<hbm>>) dst(%dma_wait3A_209 : memref<128x64xf32, #tpu.memory_space<vmem>>)
      %run_scoped3A = arith.constant 0 : i32
      "tpu.region"() ({
        %run_scoped3A_310 = tpu.sem_alloc : memref<!tpu.dma_semaphore, #tpu.memory_space<semaphore_mem>>
        %dma_start3A_311 = arith.constant 0 : i32
        %dma_start3A_312 = arith.constant 0 : i32
        %dma_start3A_313 = tpu.memref_slice %arg8[%run_scoped3A, %dma_start3A_311, %dma_start3A_312] : memref<4x128x64xf32, #tpu.memory_space<vmem>> -> memref<1x128x64xf32, #tpu.memory_space<vmem>>
        %dma_start3A_314 = tpu.memref_squeeze %dma_start3A_313 : memref<1x128x64xf32, #tpu.memory_space<vmem>> -> memref<128x64xf32, #tpu.memory_space<vmem>>
        %dma_start3A_315 = arith.constant 0 : i32
        %dma_start3A_316 = tpu.memref_slice %arg7[%add3A_204, %dma_start3A_315] : memref<80x128xi32, #tpu.memory_space<vmem>> -> memref<1x128xi32, #tpu.memory_space<vmem>>
        %dma_start3A_317 = tpu.memref_squeeze %dma_start3A_316 : memref<1x128xi32, #tpu.memory_space<vmem>> -> memref<128xi32, #tpu.memory_space<vmem>>
        %dma_start3A_318 = arith.constant 0 : i32
        %dma_start3A_319 = arith.constant 0 : i32
        %dma_start3A_320 = tpu.memref_slice %arg10[%dma_start3A_318, %dma_start3A_319] : memref<10240x64xf32, #tpu.memory_space<vmem_shared>> -> memref<10240x64xf32, #tpu.memory_space<vmem_shared>>
        tpu.enqueue_indirect_dma source(%dma_start3A_314 : memref<128x64xf32, #tpu.memory_space<vmem>>) target(%dma_start3A_320 : memref<10240x64xf32, #tpu.memory_space<vmem_shared>>) offsets(%dma_start3A_317 : memref<128xi32, #tpu.memory_space<vmem>>) semaphore(%run_scoped3A_310 : memref<!tpu.dma_semaphore, #tpu.memory_space<semaphore_mem>>) {add = true}
        %dma_wait3A_321 = arith.constant 0 : i32
        %dma_wait3A_322 = arith.constant 0 : i32
        %dma_wait3A_323 = tpu.memref_slice %arg8[%run_scoped3A, %dma_wait3A_321, %dma_wait3A_322] : memref<4x128x64xf32, #tpu.memory_space<vmem>> -> memref<1x128x64xf32, #tpu.memory_space<vmem>>
        %dma_wait3A_324 = tpu.memref_squeeze %dma_wait3A_323 : memref<1x128x64xf32, #tpu.memory_space<vmem>> -> memref<128x64xf32, #tpu.memory_space<vmem>>
        %dma_wait3A_325 = arith.constant 0 : i32
        %dma_wait3A_326 = tpu.memref_slice %arg7[%add3A_204, %dma_wait3A_325] : memref<80x128xi32, #tpu.memory_space<vmem>> -> memref<1x128xi32, #tpu.memory_space<vmem>>
        %dma_wait3A_327 = tpu.memref_squeeze %dma_wait3A_326 : memref<1x128xi32, #tpu.memory_space<vmem>> -> memref<128xi32, #tpu.memory_space<vmem>>
        %dma_wait3A_328 = arith.constant 0 : i32
        %dma_wait3A_329 = arith.constant 0 : i32
        %dma_wait3A_330 = tpu.memref_slice %arg10[%dma_wait3A_328, %dma_wait3A_329] : memref<10240x64xf32, #tpu.memory_space<vmem_shared>> -> memref<10240x64xf32, #tpu.memory_space<vmem_shared>>
        tpu.wait_indirect_dma semaphore(%run_scoped3A_310 : memref<!tpu.dma_semaphore, #tpu.memory_space<semaphore_mem>>) src(%dma_wait3A_324 : memref<128x64xf32, #tpu.memory_space<vmem>>) dst(%dma_wait3A_330 : memref<10240x64xf32, #tpu.memory_space<vmem_shared>>)
        tpu.yield
      }) : () -> ()
      %add3A_222 = arith.constant 4 : i32
      %add3A_223 = arith.addi %add3A_204, %add3A_222 : i32
      %lt3A = arith.constant 80 : i32
      %lt3A_224 = arith.cmpi slt, %add3A_223, %lt3A : i32
      %convert_element_type3A = arith.extui %lt3A_224 : i1 to i32
      %cond3A = arith.constant 0 : i32
      %cond3A_225 = arith.cmpi ne, %convert_element_type3A, %cond3A : i32
      scf.if %cond3A_225 {
        %add3A_310 = arith.constant 4 : i32
        %add3A_311 = arith.addi %add3A_204, %add3A_310 : i32
        %dma_start3A_312 = arith.constant 0 : i32
        %dma_start3A_313 = arith.constant 0 : i32
        %dma_start3A_314 = arith.constant 0 : i32
        %dma_start3A_315 = arith.constant 0 : i32
        %dma_start3A_316 = tpu.memref_slice %arg8[%dma_start3A_312, %dma_start3A_314, %dma_start3A_315] : memref<4x128x64xf32, #tpu.memory_space<vmem>> -> memref<1x128x64xf32, #tpu.memory_space<vmem>>
        %dma_start3A_317 = tpu.memref_squeeze %dma_start3A_316 : memref<1x128x64xf32, #tpu.memory_space<vmem>> -> memref<128x64xf32, #tpu.memory_space<vmem>>
        %dma_start3A_318 = arith.constant 0 : i32
        %dma_start3A_319 = tpu.memref_slice %arg6[%add3A_311, %dma_start3A_318] : memref<80x128xi32, #tpu.memory_space<vmem>> -> memref<1x128xi32, #tpu.memory_space<vmem>>
        %dma_start3A_320 = tpu.memref_squeeze %dma_start3A_319 : memref<1x128xi32, #tpu.memory_space<vmem>> -> memref<128xi32, #tpu.memory_space<vmem>>
        %dma_start3A_321 = arith.constant 0 : i32
        %dma_start3A_322 = arith.constant 0 : i32
        %dma_start3A_323 = tpu.memref_slice %arg2[%scan3A_94, %dma_start3A_321, %dma_start3A_322] : memref<2x10240x64xf32, #tpu.memory_space<hbm>> -> memref<1x10240x64xf32, #tpu.memory_space<hbm>>
        %dma_start3A_324 = tpu.memref_squeeze %dma_start3A_323 : memref<1x10240x64xf32, #tpu.memory_space<hbm>> -> memref<10240x64xf32, #tpu.memory_space<hbm>>
        %dma_start3A_325 = arith.constant 0 : i32
        %dma_start3A_326 = arith.constant 0 : i32
        %dma_start3A_327 = tpu.memref_slice %dma_start3A_324[%dma_start3A_325, %dma_start3A_326] : memref<10240x64xf32, #tpu.memory_space<hbm>> -> memref<10240x64xf32, #tpu.memory_space<hbm>>
        %dma_start3A_328 = tpu.memref_slice %arg11[%dma_start3A_313] : memref<4x!tpu.dma_semaphore, #tpu.memory_space<semaphore_mem>> -> memref<1x!tpu.dma_semaphore, #tpu.memory_space<semaphore_mem>>
        %dma_start3A_329 = tpu.memref_squeeze %dma_start3A_328 : memref<1x!tpu.dma_semaphore, #tpu.memory_space<semaphore_mem>> -> memref<!tpu.dma_semaphore, #tpu.memory_space<semaphore_mem>>
        tpu.enqueue_indirect_dma source(%dma_start3A_327 : memref<10240x64xf32, #tpu.memory_space<hbm>>) target(%dma_start3A_317 : memref<128x64xf32, #tpu.memory_space<vmem>>) offsets(%dma_start3A_320 : memref<128xi32, #tpu.memory_space<vmem>>) semaphore(%dma_start3A_329 : memref<!tpu.dma_semaphore, #tpu.memory_space<semaphore_mem>>)
      } else {
      }
      %add3A_226 = arith.constant 1 : i32
      %add3A_227 = arith.addi %mul3A_202, %add3A_226 : i32
      %dma_wait3A_228 = arith.constant 1 : i32
      %dma_wait3A_229 = arith.constant 1 : i32
      %dma_wait3A_230 = arith.constant 0 : i32
      %dma_wait3A_231 = arith.constant 0 : i32
      %dma_wait3A_232 = tpu.memref_slice %arg8[%dma_wait3A_228, %dma_wait3A_230, %dma_wait3A_231] : memref<4x128x64xf32, #tpu.memory_space<vmem>> -> memref<1x128x64xf32, #tpu.memory_space<vmem>>
      %dma_wait3A_233 = tpu.memref_squeeze %dma_wait3A_232 : memref<1x128x64xf32, #tpu.memory_space<vmem>> -> memref<128x64xf32, #tpu.memory_space<vmem>>
      %dma_wait3A_234 = arith.constant 0 : i32
      %dma_wait3A_235 = tpu.memref_slice %arg6[%add3A_227, %dma_wait3A_234] : memref<80x128xi32, #tpu.memory_space<vmem>> -> memref<1x128xi32, #tpu.memory_space<vmem>>
      %dma_wait3A_236 = tpu.memref_squeeze %dma_wait3A_235 : memref<1x128xi32, #tpu.memory_space<vmem>> -> memref<128xi32, #tpu.memory_space<vmem>>
      %dma_wait3A_237 = arith.constant 0 : i32
      %dma_wait3A_238 = arith.constant 0 : i32
      %dma_wait3A_239 = tpu.memref_slice %arg2[%scan3A_94, %dma_wait3A_237, %dma_wait3A_238] : memref<2x10240x64xf32, #tpu.memory_space<hbm>> -> memref<1x10240x64xf32, #tpu.memory_space<hbm>>
      %dma_wait3A_240 = tpu.memref_squeeze %dma_wait3A_239 : memref<1x10240x64xf32, #tpu.memory_space<hbm>> -> memref<10240x64xf32, #tpu.memory_space<hbm>>
      %dma_wait3A_241 = arith.constant 0 : i32
      %dma_wait3A_242 = arith.constant 0 : i32
      %dma_wait3A_243 = tpu.memref_slice %dma_wait3A_240[%dma_wait3A_241, %dma_wait3A_242] : memref<10240x64xf32, #tpu.memory_space<hbm>> -> memref<10240x64xf32, #tpu.memory_space<hbm>>
      %dma_wait3A_244 = tpu.memref_slice %arg11[%dma_wait3A_229] : memref<4x!tpu.dma_semaphore, #tpu.memory_space<semaphore_mem>> -> memref<1x!tpu.dma_semaphore, #tpu.memory_space<semaphore_mem>>
      %dma_wait3A_245 = tpu.memref_squeeze %dma_wait3A_244 : memref<1x!tpu.dma_semaphore, #tpu.memory_space<semaphore_mem>> -> memref<!tpu.dma_semaphore, #tpu.memory_space<semaphore_mem>>
      tpu.wait_indirect_dma semaphore(%dma_wait3A_245 : memref<!tpu.dma_semaphore, #tpu.memory_space<semaphore_mem>>) src(%dma_wait3A_243 : memref<10240x64xf32, #tpu.memory_space<hbm>>) dst(%dma_wait3A_233 : memref<128x64xf32, #tpu.memory_space<vmem>>)
      %run_scoped3A_246 = arith.constant 1 : i32
      "tpu.region"() ({
        %run_scoped3A_310 = tpu.sem_alloc : memref<!tpu.dma_semaphore, #tpu.memory_space<semaphore_mem>>
        %dma_start3A_311 = arith.constant 0 : i32
        %dma_start3A_312 = arith.constant 0 : i32
        %dma_start3A_313 = tpu.memref_slice %arg8[%run_scoped3A_246, %dma_start3A_311, %dma_start3A_312] : memref<4x128x64xf32, #tpu.memory_space<vmem>> -> memref<1x128x64xf32, #tpu.memory_space<vmem>>
        %dma_start3A_314 = tpu.memref_squeeze %dma_start3A_313 : memref<1x128x64xf32, #tpu.memory_space<vmem>> -> memref<128x64xf32, #tpu.memory_space<vmem>>
        %dma_start3A_315 = arith.constant 0 : i32
        %dma_start3A_316 = tpu.memref_slice %arg7[%add3A_227, %dma_start3A_315] : memref<80x128xi32, #tpu.memory_space<vmem>> -> memref<1x128xi32, #tpu.memory_space<vmem>>
        %dma_start3A_317 = tpu.memref_squeeze %dma_start3A_316 : memref<1x128xi32, #tpu.memory_space<vmem>> -> memref<128xi32, #tpu.memory_space<vmem>>
        %dma_start3A_318 = arith.constant 0 : i32
        %dma_start3A_319 = arith.constant 0 : i32
        %dma_start3A_320 = tpu.memref_slice %arg10[%dma_start3A_318, %dma_start3A_319] : memref<10240x64xf32, #tpu.memory_space<vmem_shared>> -> memref<10240x64xf32, #tpu.memory_space<vmem_shared>>
        tpu.enqueue_indirect_dma source(%dma_start3A_314 : memref<128x64xf32, #tpu.memory_space<vmem>>) target(%dma_start3A_320 : memref<10240x64xf32, #tpu.memory_space<vmem_shared>>) offsets(%dma_start3A_317 : memref<128xi32, #tpu.memory_space<vmem>>) semaphore(%run_scoped3A_310 : memref<!tpu.dma_semaphore, #tpu.memory_space<semaphore_mem>>) {add = true}
        %dma_wait3A_321 = arith.constant 0 : i32
        %dma_wait3A_322 = arith.constant 0 : i32
        %dma_wait3A_323 = tpu.memref_slice %arg8[%run_scoped3A_246, %dma_wait3A_321, %dma_wait3A_322] : memref<4x128x64xf32, #tpu.memory_space<vmem>> -> memref<1x128x64xf32, #tpu.memory_space<vmem>>
        %dma_wait3A_324 = tpu.memref_squeeze %dma_wait3A_323 : memref<1x128x64xf32, #tpu.memory_space<vmem>> -> memref<128x64xf32, #tpu.memory_space<vmem>>
        %dma_wait3A_325 = arith.constant 0 : i32
        %dma_wait3A_326 = tpu.memref_slice %arg7[%add3A_227, %dma_wait3A_325] : memref<80x128xi32, #tpu.memory_space<vmem>> -> memref<1x128xi32, #tpu.memory_space<vmem>>
        %dma_wait3A_327 = tpu.memref_squeeze %dma_wait3A_326 : memref<1x128xi32, #tpu.memory_space<vmem>> -> memref<128xi32, #tpu.memory_space<vmem>>
        %dma_wait3A_328 = arith.constant 0 : i32
        %dma_wait3A_329 = arith.constant 0 : i32
        %dma_wait3A_330 = tpu.memref_slice %arg10[%dma_wait3A_328, %dma_wait3A_329] : memref<10240x64xf32, #tpu.memory_space<vmem_shared>> -> memref<10240x64xf32, #tpu.memory_space<vmem_shared>>
        tpu.wait_indirect_dma semaphore(%run_scoped3A_310 : memref<!tpu.dma_semaphore, #tpu.memory_space<semaphore_mem>>) src(%dma_wait3A_324 : memref<128x64xf32, #tpu.memory_space<vmem>>) dst(%dma_wait3A_330 : memref<10240x64xf32, #tpu.memory_space<vmem_shared>>)
        tpu.yield
      }) : () -> ()
      %add3A_247 = arith.constant 4 : i32
      %add3A_248 = arith.addi %add3A_227, %add3A_247 : i32
      %lt3A_249 = arith.constant 80 : i32
      %lt3A_250 = arith.cmpi slt, %add3A_248, %lt3A_249 : i32
      %convert_element_type3A_251 = arith.extui %lt3A_250 : i1 to i32
      %cond3A_252 = arith.constant 0 : i32
      %cond3A_253 = arith.cmpi ne, %convert_element_type3A_251, %cond3A_252 : i32
      scf.if %cond3A_253 {
        %add3A_310 = arith.constant 4 : i32
        %add3A_311 = arith.addi %add3A_227, %add3A_310 : i32
        %dma_start3A_312 = arith.constant 1 : i32
        %dma_start3A_313 = arith.constant 1 : i32
        %dma_start3A_314 = arith.constant 0 : i32
        %dma_start3A_315 = arith.constant 0 : i32
        %dma_start3A_316 = tpu.memref_slice %arg8[%dma_start3A_312, %dma_start3A_314, %dma_start3A_315] : memref<4x128x64xf32, #tpu.memory_space<vmem>> -> memref<1x128x64xf32, #tpu.memory_space<vmem>>
        %dma_start3A_317 = tpu.memref_squeeze %dma_start3A_316 : memref<1x128x64xf32, #tpu.memory_space<vmem>> -> memref<128x64xf32, #tpu.memory_space<vmem>>
        %dma_start3A_318 = arith.constant 0 : i32
        %dma_start3A_319 = tpu.memref_slice %arg6[%add3A_311, %dma_start3A_318] : memref<80x128xi32, #tpu.memory_space<vmem>> -> memref<1x128xi32, #tpu.memory_space<vmem>>
        %dma_start3A_320 = tpu.memref_squeeze %dma_start3A_319 : memref<1x128xi32, #tpu.memory_space<vmem>> -> memref<128xi32, #tpu.memory_space<vmem>>
        %dma_start3A_321 = arith.constant 0 : i32
        %dma_start3A_322 = arith.constant 0 : i32
        %dma_start3A_323 = tpu.memref_slice %arg2[%scan3A_94, %dma_start3A_321, %dma_start3A_322] : memref<2x10240x64xf32, #tpu.memory_space<hbm>> -> memref<1x10240x64xf32, #tpu.memory_space<hbm>>
        %dma_start3A_324 = tpu.memref_squeeze %dma_start3A_323 : memref<1x10240x64xf32, #tpu.memory_space<hbm>> -> memref<10240x64xf32, #tpu.memory_space<hbm>>
        %dma_start3A_325 = arith.constant 0 : i32
        %dma_start3A_326 = arith.constant 0 : i32
        %dma_start3A_327 = tpu.memref_slice %dma_start3A_324[%dma_start3A_325, %dma_start3A_326] : memref<10240x64xf32, #tpu.memory_space<hbm>> -> memref<10240x64xf32, #tpu.memory_space<hbm>>
        %dma_start3A_328 = tpu.memref_slice %arg11[%dma_start3A_313] : memref<4x!tpu.dma_semaphore, #tpu.memory_space<semaphore_mem>> -> memref<1x!tpu.dma_semaphore, #tpu.memory_space<semaphore_mem>>
        %dma_start3A_329 = tpu.memref_squeeze %dma_start3A_328 : memref<1x!tpu.dma_semaphore, #tpu.memory_space<semaphore_mem>> -> memref<!tpu.dma_semaphore, #tpu.memory_space<semaphore_mem>>
        tpu.enqueue_indirect_dma source(%dma_start3A_327 : memref<10240x64xf32, #tpu.memory_space<hbm>>) target(%dma_start3A_317 : memref<128x64xf32, #tpu.memory_space<vmem>>) offsets(%dma_start3A_320 : memref<128xi32, #tpu.memory_space<vmem>>) semaphore(%dma_start3A_329 : memref<!tpu.dma_semaphore, #tpu.memory_space<semaphore_mem>>)
      } else {
      }
      %add3A_254 = arith.constant 2 : i32
      %add3A_255 = arith.addi %mul3A_202, %add3A_254 : i32
      %dma_wait3A_256 = arith.constant 2 : i32
      %dma_wait3A_257 = arith.constant 2 : i32
      %dma_wait3A_258 = arith.constant 0 : i32
      %dma_wait3A_259 = arith.constant 0 : i32
      %dma_wait3A_260 = tpu.memref_slice %arg8[%dma_wait3A_256, %dma_wait3A_258, %dma_wait3A_259] : memref<4x128x64xf32, #tpu.memory_space<vmem>> -> memref<1x128x64xf32, #tpu.memory_space<vmem>>
      %dma_wait3A_261 = tpu.memref_squeeze %dma_wait3A_260 : memref<1x128x64xf32, #tpu.memory_space<vmem>> -> memref<128x64xf32, #tpu.memory_space<vmem>>
      %dma_wait3A_262 = arith.constant 0 : i32
      %dma_wait3A_263 = tpu.memref_slice %arg6[%add3A_255, %dma_wait3A_262] : memref<80x128xi32, #tpu.memory_space<vmem>> -> memref<1x128xi32, #tpu.memory_space<vmem>>
      %dma_wait3A_264 = tpu.memref_squeeze %dma_wait3A_263 : memref<1x128xi32, #tpu.memory_space<vmem>> -> memref<128xi32, #tpu.memory_space<vmem>>
      %dma_wait3A_265 = arith.constant 0 : i32
      %dma_wait3A_266 = arith.constant 0 : i32
      %dma_wait3A_267 = tpu.memref_slice %arg2[%scan3A_94, %dma_wait3A_265, %dma_wait3A_266] : memref<2x10240x64xf32, #tpu.memory_space<hbm>> -> memref<1x10240x64xf32, #tpu.memory_space<hbm>>
      %dma_wait3A_268 = tpu.memref_squeeze %dma_wait3A_267 : memref<1x10240x64xf32, #tpu.memory_space<hbm>> -> memref<10240x64xf32, #tpu.memory_space<hbm>>
      %dma_wait3A_269 = arith.constant 0 : i32
      %dma_wait3A_270 = arith.constant 0 : i32
      %dma_wait3A_271 = tpu.memref_slice %dma_wait3A_268[%dma_wait3A_269, %dma_wait3A_270] : memref<10240x64xf32, #tpu.memory_space<hbm>> -> memref<10240x64xf32, #tpu.memory_space<hbm>>
      %dma_wait3A_272 = tpu.memref_slice %arg11[%dma_wait3A_257] : memref<4x!tpu.dma_semaphore, #tpu.memory_space<semaphore_mem>> -> memref<1x!tpu.dma_semaphore, #tpu.memory_space<semaphore_mem>>
      %dma_wait3A_273 = tpu.memref_squeeze %dma_wait3A_272 : memref<1x!tpu.dma_semaphore, #tpu.memory_space<semaphore_mem>> -> memref<!tpu.dma_semaphore, #tpu.memory_space<semaphore_mem>>
      tpu.wait_indirect_dma semaphore(%dma_wait3A_273 : memref<!tpu.dma_semaphore, #tpu.memory_space<semaphore_mem>>) src(%dma_wait3A_271 : memref<10240x64xf32, #tpu.memory_space<hbm>>) dst(%dma_wait3A_261 : memref<128x64xf32, #tpu.memory_space<vmem>>)
      %run_scoped3A_274 = arith.constant 2 : i32
      "tpu.region"() ({
        %run_scoped3A_310 = tpu.sem_alloc : memref<!tpu.dma_semaphore, #tpu.memory_space<semaphore_mem>>
        %dma_start3A_311 = arith.constant 0 : i32
        %dma_start3A_312 = arith.constant 0 : i32
        %dma_start3A_313 = tpu.memref_slice %arg8[%run_scoped3A_274, %dma_start3A_311, %dma_start3A_312] : memref<4x128x64xf32, #tpu.memory_space<vmem>> -> memref<1x128x64xf32, #tpu.memory_space<vmem>>
        %dma_start3A_314 = tpu.memref_squeeze %dma_start3A_313 : memref<1x128x64xf32, #tpu.memory_space<vmem>> -> memref<128x64xf32, #tpu.memory_space<vmem>>
        %dma_start3A_315 = arith.constant 0 : i32
        %dma_start3A_316 = tpu.memref_slice %arg7[%add3A_255, %dma_start3A_315] : memref<80x128xi32, #tpu.memory_space<vmem>> -> memref<1x128xi32, #tpu.memory_space<vmem>>
        %dma_start3A_317 = tpu.memref_squeeze %dma_start3A_316 : memref<1x128xi32, #tpu.memory_space<vmem>> -> memref<128xi32, #tpu.memory_space<vmem>>
        %dma_start3A_318 = arith.constant 0 : i32
        %dma_start3A_319 = arith.constant 0 : i32
        %dma_start3A_320 = tpu.memref_slice %arg10[%dma_start3A_318, %dma_start3A_319] : memref<10240x64xf32, #tpu.memory_space<vmem_shared>> -> memref<10240x64xf32, #tpu.memory_space<vmem_shared>>
        tpu.enqueue_indirect_dma source(%dma_start3A_314 : memref<128x64xf32, #tpu.memory_space<vmem>>) target(%dma_start3A_320 : memref<10240x64xf32, #tpu.memory_space<vmem_shared>>) offsets(%dma_start3A_317 : memref<128xi32, #tpu.memory_space<vmem>>) semaphore(%run_scoped3A_310 : memref<!tpu.dma_semaphore, #tpu.memory_space<semaphore_mem>>) {add = true}
        %dma_wait3A_321 = arith.constant 0 : i32
        %dma_wait3A_322 = arith.constant 0 : i32
        %dma_wait3A_323 = tpu.memref_slice %arg8[%run_scoped3A_274, %dma_wait3A_321, %dma_wait3A_322] : memref<4x128x64xf32, #tpu.memory_space<vmem>> -> memref<1x128x64xf32, #tpu.memory_space<vmem>>
        %dma_wait3A_324 = tpu.memref_squeeze %dma_wait3A_323 : memref<1x128x64xf32, #tpu.memory_space<vmem>> -> memref<128x64xf32, #tpu.memory_space<vmem>>
        %dma_wait3A_325 = arith.constant 0 : i32
        %dma_wait3A_326 = tpu.memref_slice %arg7[%add3A_255, %dma_wait3A_325] : memref<80x128xi32, #tpu.memory_space<vmem>> -> memref<1x128xi32, #tpu.memory_space<vmem>>
        %dma_wait3A_327 = tpu.memref_squeeze %dma_wait3A_326 : memref<1x128xi32, #tpu.memory_space<vmem>> -> memref<128xi32, #tpu.memory_space<vmem>>
        %dma_wait3A_328 = arith.constant 0 : i32
        %dma_wait3A_329 = arith.constant 0 : i32
        %dma_wait3A_330 = tpu.memref_slice %arg10[%dma_wait3A_328, %dma_wait3A_329] : memref<10240x64xf32, #tpu.memory_space<vmem_shared>> -> memref<10240x64xf32, #tpu.memory_space<vmem_shared>>
        tpu.wait_indirect_dma semaphore(%run_scoped3A_310 : memref<!tpu.dma_semaphore, #tpu.memory_space<semaphore_mem>>) src(%dma_wait3A_324 : memref<128x64xf32, #tpu.memory_space<vmem>>) dst(%dma_wait3A_330 : memref<10240x64xf32, #tpu.memory_space<vmem_shared>>)
        tpu.yield
      }) : () -> ()
      %add3A_275 = arith.constant 4 : i32
      %add3A_276 = arith.addi %add3A_255, %add3A_275 : i32
      %lt3A_277 = arith.constant 80 : i32
      %lt3A_278 = arith.cmpi slt, %add3A_276, %lt3A_277 : i32
      %convert_element_type3A_279 = arith.extui %lt3A_278 : i1 to i32
      %cond3A_280 = arith.constant 0 : i32
      %cond3A_281 = arith.cmpi ne, %convert_element_type3A_279, %cond3A_280 : i32
      scf.if %cond3A_281 {
        %add3A_310 = arith.constant 4 : i32
        %add3A_311 = arith.addi %add3A_255, %add3A_310 : i32
        %dma_start3A_312 = arith.constant 2 : i32
        %dma_start3A_313 = arith.constant 2 : i32
        %dma_start3A_314 = arith.constant 0 : i32
        %dma_start3A_315 = arith.constant 0 : i32
        %dma_start3A_316 = tpu.memref_slice %arg8[%dma_start3A_312, %dma_start3A_314, %dma_start3A_315] : memref<4x128x64xf32, #tpu.memory_space<vmem>> -> memref<1x128x64xf32, #tpu.memory_space<vmem>>
        %dma_start3A_317 = tpu.memref_squeeze %dma_start3A_316 : memref<1x128x64xf32, #tpu.memory_space<vmem>> -> memref<128x64xf32, #tpu.memory_space<vmem>>
        %dma_start3A_318 = arith.constant 0 : i32
        %dma_start3A_319 = tpu.memref_slice %arg6[%add3A_311, %dma_start3A_318] : memref<80x128xi32, #tpu.memory_space<vmem>> -> memref<1x128xi32, #tpu.memory_space<vmem>>
        %dma_start3A_320 = tpu.memref_squeeze %dma_start3A_319 : memref<1x128xi32, #tpu.memory_space<vmem>> -> memref<128xi32, #tpu.memory_space<vmem>>
        %dma_start3A_321 = arith.constant 0 : i32
        %dma_start3A_322 = arith.constant 0 : i32
        %dma_start3A_323 = tpu.memref_slice %arg2[%scan3A_94, %dma_start3A_321, %dma_start3A_322] : memref<2x10240x64xf32, #tpu.memory_space<hbm>> -> memref<1x10240x64xf32, #tpu.memory_space<hbm>>
        %dma_start3A_324 = tpu.memref_squeeze %dma_start3A_323 : memref<1x10240x64xf32, #tpu.memory_space<hbm>> -> memref<10240x64xf32, #tpu.memory_space<hbm>>
        %dma_start3A_325 = arith.constant 0 : i32
        %dma_start3A_326 = arith.constant 0 : i32
        %dma_start3A_327 = tpu.memref_slice %dma_start3A_324[%dma_start3A_325, %dma_start3A_326] : memref<10240x64xf32, #tpu.memory_space<hbm>> -> memref<10240x64xf32, #tpu.memory_space<hbm>>
        %dma_start3A_328 = tpu.memref_slice %arg11[%dma_start3A_313] : memref<4x!tpu.dma_semaphore, #tpu.memory_space<semaphore_mem>> -> memref<1x!tpu.dma_semaphore, #tpu.memory_space<semaphore_mem>>
        %dma_start3A_329 = tpu.memref_squeeze %dma_start3A_328 : memref<1x!tpu.dma_semaphore, #tpu.memory_space<semaphore_mem>> -> memref<!tpu.dma_semaphore, #tpu.memory_space<semaphore_mem>>
        tpu.enqueue_indirect_dma source(%dma_start3A_327 : memref<10240x64xf32, #tpu.memory_space<hbm>>) target(%dma_start3A_317 : memref<128x64xf32, #tpu.memory_space<vmem>>) offsets(%dma_start3A_320 : memref<128xi32, #tpu.memory_space<vmem>>) semaphore(%dma_start3A_329 : memref<!tpu.dma_semaphore, #tpu.memory_space<semaphore_mem>>)
      } else {
      }
      %add3A_282 = arith.constant 3 : i32
      %add3A_283 = arith.addi %mul3A_202, %add3A_282 : i32
      %dma_wait3A_284 = arith.constant 3 : i32
      %dma_wait3A_285 = arith.constant 3 : i32
      %dma_wait3A_286 = arith.constant 0 : i32
      %dma_wait3A_287 = arith.constant 0 : i32
      %dma_wait3A_288 = tpu.memref_slice %arg8[%dma_wait3A_284, %dma_wait3A_286, %dma_wait3A_287] : memref<4x128x64xf32, #tpu.memory_space<vmem>> -> memref<1x128x64xf32, #tpu.memory_space<vmem>>
      %dma_wait3A_289 = tpu.memref_squeeze %dma_wait3A_288 : memref<1x128x64xf32, #tpu.memory_space<vmem>> -> memref<128x64xf32, #tpu.memory_space<vmem>>
      %dma_wait3A_290 = arith.constant 0 : i32
      %dma_wait3A_291 = tpu.memref_slice %arg6[%add3A_283, %dma_wait3A_290] : memref<80x128xi32, #tpu.memory_space<vmem>> -> memref<1x128xi32, #tpu.memory_space<vmem>>
      %dma_wait3A_292 = tpu.memref_squeeze %dma_wait3A_291 : memref<1x128xi32, #tpu.memory_space<vmem>> -> memref<128xi32, #tpu.memory_space<vmem>>
      %dma_wait3A_293 = arith.constant 0 : i32
      %dma_wait3A_294 = arith.constant 0 : i32
      %dma_wait3A_295 = tpu.memref_slice %arg2[%scan3A_94, %dma_wait3A_293, %dma_wait3A_294] : memref<2x10240x64xf32, #tpu.memory_space<hbm>> -> memref<1x10240x64xf32, #tpu.memory_space<hbm>>
      %dma_wait3A_296 = tpu.memref_squeeze %dma_wait3A_295 : memref<1x10240x64xf32, #tpu.memory_space<hbm>> -> memref<10240x64xf32, #tpu.memory_space<hbm>>
      %dma_wait3A_297 = arith.constant 0 : i32
      %dma_wait3A_298 = arith.constant 0 : i32
      %dma_wait3A_299 = tpu.memref_slice %dma_wait3A_296[%dma_wait3A_297, %dma_wait3A_298] : memref<10240x64xf32, #tpu.memory_space<hbm>> -> memref<10240x64xf32, #tpu.memory_space<hbm>>
      %dma_wait3A_300 = tpu.memref_slice %arg11[%dma_wait3A_285] : memref<4x!tpu.dma_semaphore, #tpu.memory_space<semaphore_mem>> -> memref<1x!tpu.dma_semaphore, #tpu.memory_space<semaphore_mem>>
      %dma_wait3A_301 = tpu.memref_squeeze %dma_wait3A_300 : memref<1x!tpu.dma_semaphore, #tpu.memory_space<semaphore_mem>> -> memref<!tpu.dma_semaphore, #tpu.memory_space<semaphore_mem>>
      tpu.wait_indirect_dma semaphore(%dma_wait3A_301 : memref<!tpu.dma_semaphore, #tpu.memory_space<semaphore_mem>>) src(%dma_wait3A_299 : memref<10240x64xf32, #tpu.memory_space<hbm>>) dst(%dma_wait3A_289 : memref<128x64xf32, #tpu.memory_space<vmem>>)
      %run_scoped3A_302 = arith.constant 3 : i32
      "tpu.region"() ({
        %run_scoped3A_310 = tpu.sem_alloc : memref<!tpu.dma_semaphore, #tpu.memory_space<semaphore_mem>>
        %dma_start3A_311 = arith.constant 0 : i32
        %dma_start3A_312 = arith.constant 0 : i32
        %dma_start3A_313 = tpu.memref_slice %arg8[%run_scoped3A_302, %dma_start3A_311, %dma_start3A_312] : memref<4x128x64xf32, #tpu.memory_space<vmem>> -> memref<1x128x64xf32, #tpu.memory_space<vmem>>
        %dma_start3A_314 = tpu.memref_squeeze %dma_start3A_313 : memref<1x128x64xf32, #tpu.memory_space<vmem>> -> memref<128x64xf32, #tpu.memory_space<vmem>>
        %dma_start3A_315 = arith.constant 0 : i32
        %dma_start3A_316 = tpu.memref_slice %arg7[%add3A_283, %dma_start3A_315] : memref<80x128xi32, #tpu.memory_space<vmem>> -> memref<1x128xi32, #tpu.memory_space<vmem>>
        %dma_start3A_317 = tpu.memref_squeeze %dma_start3A_316 : memref<1x128xi32, #tpu.memory_space<vmem>> -> memref<128xi32, #tpu.memory_space<vmem>>
        %dma_start3A_318 = arith.constant 0 : i32
        %dma_start3A_319 = arith.constant 0 : i32
        %dma_start3A_320 = tpu.memref_slice %arg10[%dma_start3A_318, %dma_start3A_319] : memref<10240x64xf32, #tpu.memory_space<vmem_shared>> -> memref<10240x64xf32, #tpu.memory_space<vmem_shared>>
        tpu.enqueue_indirect_dma source(%dma_start3A_314 : memref<128x64xf32, #tpu.memory_space<vmem>>) target(%dma_start3A_320 : memref<10240x64xf32, #tpu.memory_space<vmem_shared>>) offsets(%dma_start3A_317 : memref<128xi32, #tpu.memory_space<vmem>>) semaphore(%run_scoped3A_310 : memref<!tpu.dma_semaphore, #tpu.memory_space<semaphore_mem>>) {add = true}
        %dma_wait3A_321 = arith.constant 0 : i32
        %dma_wait3A_322 = arith.constant 0 : i32
        %dma_wait3A_323 = tpu.memref_slice %arg8[%run_scoped3A_302, %dma_wait3A_321, %dma_wait3A_322] : memref<4x128x64xf32, #tpu.memory_space<vmem>> -> memref<1x128x64xf32, #tpu.memory_space<vmem>>
        %dma_wait3A_324 = tpu.memref_squeeze %dma_wait3A_323 : memref<1x128x64xf32, #tpu.memory_space<vmem>> -> memref<128x64xf32, #tpu.memory_space<vmem>>
        %dma_wait3A_325 = arith.constant 0 : i32
        %dma_wait3A_326 = tpu.memref_slice %arg7[%add3A_283, %dma_wait3A_325] : memref<80x128xi32, #tpu.memory_space<vmem>> -> memref<1x128xi32, #tpu.memory_space<vmem>>
        %dma_wait3A_327 = tpu.memref_squeeze %dma_wait3A_326 : memref<1x128xi32, #tpu.memory_space<vmem>> -> memref<128xi32, #tpu.memory_space<vmem>>
        %dma_wait3A_328 = arith.constant 0 : i32
        %dma_wait3A_329 = arith.constant 0 : i32
        %dma_wait3A_330 = tpu.memref_slice %arg10[%dma_wait3A_328, %dma_wait3A_329] : memref<10240x64xf32, #tpu.memory_space<vmem_shared>> -> memref<10240x64xf32, #tpu.memory_space<vmem_shared>>
        tpu.wait_indirect_dma semaphore(%run_scoped3A_310 : memref<!tpu.dma_semaphore, #tpu.memory_space<semaphore_mem>>) src(%dma_wait3A_324 : memref<128x64xf32, #tpu.memory_space<vmem>>) dst(%dma_wait3A_330 : memref<10240x64xf32, #tpu.memory_space<vmem_shared>>)
        tpu.yield
      }) : () -> ()
      %add3A_303 = arith.constant 4 : i32
      %add3A_304 = arith.addi %add3A_283, %add3A_303 : i32
      %lt3A_305 = arith.constant 80 : i32
      %lt3A_306 = arith.cmpi slt, %add3A_304, %lt3A_305 : i32
      %convert_element_type3A_307 = arith.extui %lt3A_306 : i1 to i32
      %cond3A_308 = arith.constant 0 : i32
      %cond3A_309 = arith.cmpi ne, %convert_element_type3A_307, %cond3A_308 : i32
      scf.if %cond3A_309 {
        %add3A_310 = arith.constant 4 : i32
        %add3A_311 = arith.addi %add3A_283, %add3A_310 : i32
        %dma_start3A_312 = arith.constant 3 : i32
        %dma_start3A_313 = arith.constant 3 : i32
        %dma_start3A_314 = arith.constant 0 : i32
        %dma_start3A_315 = arith.constant 0 : i32
        %dma_start3A_316 = tpu.memref_slice %arg8[%dma_start3A_312, %dma_start3A_314, %dma_start3A_315] : memref<4x128x64xf32, #tpu.memory_space<vmem>> -> memref<1x128x64xf32, #tpu.memory_space<vmem>>
        %dma_start3A_317 = tpu.memref_squeeze %dma_start3A_316 : memref<1x128x64xf32, #tpu.memory_space<vmem>> -> memref<128x64xf32, #tpu.memory_space<vmem>>
        %dma_start3A_318 = arith.constant 0 : i32
        %dma_start3A_319 = tpu.memref_slice %arg6[%add3A_311, %dma_start3A_318] : memref<80x128xi32, #tpu.memory_space<vmem>> -> memref<1x128xi32, #tpu.memory_space<vmem>>
        %dma_start3A_320 = tpu.memref_squeeze %dma_start3A_319 : memref<1x128xi32, #tpu.memory_space<vmem>> -> memref<128xi32, #tpu.memory_space<vmem>>
        %dma_start3A_321 = arith.constant 0 : i32
        %dma_start3A_322 = arith.constant 0 : i32
        %dma_start3A_323 = tpu.memref_slice %arg2[%scan3A_94, %dma_start3A_321, %dma_start3A_322] : memref<2x10240x64xf32, #tpu.memory_space<hbm>> -> memref<1x10240x64xf32, #tpu.memory_space<hbm>>
        %dma_start3A_324 = tpu.memref_squeeze %dma_start3A_323 : memref<1x10240x64xf32, #tpu.memory_space<hbm>> -> memref<10240x64xf32, #tpu.memory_space<hbm>>
        %dma_start3A_325 = arith.constant 0 : i32
        %dma_start3A_326 = arith.constant 0 : i32
        %dma_start3A_327 = tpu.memref_slice %dma_start3A_324[%dma_start3A_325, %dma_start3A_326] : memref<10240x64xf32, #tpu.memory_space<hbm>> -> memref<10240x64xf32, #tpu.memory_space<hbm>>
        %dma_start3A_328 = tpu.memref_slice %arg11[%dma_start3A_313] : memref<4x!tpu.dma_semaphore, #tpu.memory_space<semaphore_mem>> -> memref<1x!tpu.dma_semaphore, #tpu.memory_space<semaphore_mem>>
        %dma_start3A_329 = tpu.memref_squeeze %dma_start3A_328 : memref<1x!tpu.dma_semaphore, #tpu.memory_space<semaphore_mem>> -> memref<!tpu.dma_semaphore, #tpu.memory_space<semaphore_mem>>
        tpu.enqueue_indirect_dma source(%dma_start3A_327 : memref<10240x64xf32, #tpu.memory_space<hbm>>) target(%dma_start3A_317 : memref<128x64xf32, #tpu.memory_space<vmem>>) offsets(%dma_start3A_320 : memref<128xi32, #tpu.memory_space<vmem>>) semaphore(%dma_start3A_329 : memref<!tpu.dma_semaphore, #tpu.memory_space<semaphore_mem>>)
      } else {
      }
    }
    %scan3A_99 = arith.constant 20 : i32
    %barrier3A_100 = arith.constant 0 : index
    tpu.barrier barrier_id(%barrier3A_100)
    %add3A_101 = arith.constant 0 : i32
    %add3A_102 = arith.addi %add3A_101, %arg0 : i32
    "tpu.region"() ({
      %run_scoped3A = tpu.sem_alloc : memref<!tpu.dma_semaphore, #tpu.memory_space<semaphore_mem>>
      %dma_start3A_200 = arith.constant 0 : i32
      %dma_start3A_201 = arith.constant 0 : i32
      %dma_start3A_202 = tpu.memref_slice %arg5[%add3A_102, %dma_start3A_200, %dma_start3A_201] : memref<4x10240x64xf32, #tpu.memory_space<hbm>> -> memref<1x10240x64xf32, #tpu.memory_space<hbm>>
      %dma_start3A_203 = tpu.memref_squeeze %dma_start3A_202 : memref<1x10240x64xf32, #tpu.memory_space<hbm>> -> memref<10240x64xf32, #tpu.memory_space<hbm>>
      %dma_start3A_204 = arith.constant 0 : i32
      %dma_start3A_205 = tpu.memref_slice %dma_start3A_203[%mul3A_7, %dma_start3A_204] : memref<10240x64xf32, #tpu.memory_space<hbm>> -> memref<640x64xf32, #tpu.memory_space<hbm>>
      %dma_start3A_206 = arith.constant 0 : i32
      %dma_start3A_207 = tpu.memref_slice %arg10[%mul3A_7, %dma_start3A_206] : memref<10240x64xf32, #tpu.memory_space<vmem_shared>> -> memref<640x64xf32, #tpu.memory_space<vmem_shared>>
      tpu.enqueue_dma source(%dma_start3A_207 : memref<640x64xf32, #tpu.memory_space<vmem_shared>>) target(%dma_start3A_205 : memref<640x64xf32, #tpu.memory_space<hbm>>) target_semaphore(%run_scoped3A : memref<!tpu.dma_semaphore, #tpu.memory_space<semaphore_mem>>)
      %dma_wait3A = arith.constant 0 : i32
      %dma_wait3A_208 = arith.constant 0 : i32
      %dma_wait3A_209 = tpu.memref_slice %arg5[%add3A_102, %dma_wait3A, %dma_wait3A_208] : memref<4x10240x64xf32, #tpu.memory_space<hbm>> -> memref<1x10240x64xf32, #tpu.memory_space<hbm>>
      %dma_wait3A_210 = tpu.memref_squeeze %dma_wait3A_209 : memref<1x10240x64xf32, #tpu.memory_space<hbm>> -> memref<10240x64xf32, #tpu.memory_space<hbm>>
      %dma_wait3A_211 = arith.constant 0 : i32
      %dma_wait3A_212 = tpu.memref_slice %dma_wait3A_210[%mul3A_7, %dma_wait3A_211] : memref<10240x64xf32, #tpu.memory_space<hbm>> -> memref<640x64xf32, #tpu.memory_space<hbm>>
      %dma_wait3A_213 = arith.constant 0 : i32
      %dma_wait3A_214 = tpu.memref_slice %arg10[%mul3A_7, %dma_wait3A_213] : memref<10240x64xf32, #tpu.memory_space<vmem_shared>> -> memref<640x64xf32, #tpu.memory_space<vmem_shared>>
      tpu.wait_dma2 semaphore(%run_scoped3A : memref<!tpu.dma_semaphore, #tpu.memory_space<semaphore_mem>>) src(%dma_wait3A_214 : memref<640x64xf32, #tpu.memory_space<vmem_shared>>) dst(%dma_wait3A_212 : memref<640x64xf32, #tpu.memory_space<hbm>>)
      tpu.yield
    }) : () -> ()
    %scan3A_103 = arith.constant 0 : i32
    %scan3A_104 = arith.constant 0 : i32
    %scan3A_105 = arith.constant 10 : i32
    %scan3A_106 = arith.addi %scan3A_104, %scan3A_105 : i32
    %scan3A_107 = arith.constant 1 : i32
    scf.for %scan3A_200 = %scan3A_104 to %scan3A_106 step %scan3A_107  : i32 {
      %mul3A_201 = arith.constant 640 : i32
      %mul3A_202 = arith.muli %arg1, %mul3A_201 : i32
      %mul3A_203 = arith.constant 64 : i32
      %mul3A_204 = arith.muli %scan3A_200, %mul3A_203 : i32
      %add3A_205 = arith.addi %mul3A_202, %mul3A_204 : i32
      "tpu.region"() ({
        %run_scoped3A = tpu.sem_alloc : memref<!tpu.dma_semaphore, #tpu.memory_space<semaphore_mem>>
        %dma_start3A_206 = arith.constant 0 : i32
        %dma_start3A_207 = tpu.memref_slice %arg10[%add3A_205, %dma_start3A_206] : memref<10240x64xf32, #tpu.memory_space<vmem_shared>> -> memref<64x64xf32, #tpu.memory_space<vmem_shared>>
        %dma_start3A_208 = arith.constant 0 : i32
        %dma_start3A_209 = tpu.memref_slice %arg10[%add3A_205, %dma_start3A_208] : memref<10240x64xf32, #tpu.memory_space<vmem_shared>> -> memref<64x64xf32, #tpu.memory_space<vmem_shared>>
        tpu.enqueue_dma source(%arg9 : memref<64x64xf32, #tpu.memory_space<vmem>>) target(%dma_start3A_209 : memref<64x64xf32, #tpu.memory_space<vmem_shared>>) target_semaphore(%run_scoped3A : memref<!tpu.dma_semaphore, #tpu.memory_space<semaphore_mem>>)
        %dma_wait3A = arith.constant 0 : i32
        %dma_wait3A_210 = tpu.memref_slice %arg10[%add3A_205, %dma_wait3A] : memref<10240x64xf32, #tpu.memory_space<vmem_shared>> -> memref<64x64xf32, #tpu.memory_space<vmem_shared>>
        %dma_wait3A_211 = arith.constant 0 : i32
        %dma_wait3A_212 = tpu.memref_slice %arg10[%add3A_205, %dma_wait3A_211] : memref<10240x64xf32, #tpu.memory_space<vmem_shared>> -> memref<64x64xf32, #tpu.memory_space<vmem_shared>>
        tpu.wait_dma2 semaphore(%run_scoped3A : memref<!tpu.dma_semaphore, #tpu.memory_space<semaphore_mem>>) src(%arg9 : memref<64x64xf32, #tpu.memory_space<vmem>>) dst(%dma_wait3A_212 : memref<64x64xf32, #tpu.memory_space<vmem_shared>>)
        tpu.yield
      }) : () -> ()
    }
    %scan3A_108 = arith.constant 10 : i32
    %barrier3A_109 = arith.constant 0 : index
    tpu.barrier barrier_id(%barrier3A_109)
    %dma_start3A_110 = arith.constant 1 : i32
    %dma_start3A_111 = arith.constant 0 : i32
    %dma_start3A_112 = arith.constant 0 : i32
    %dma_start3A_113 = arith.constant 0 : i32
    %dma_start3A_114 = arith.constant 0 : i32
    %dma_start3A_115 = arith.constant 0 : i32
    %dma_start3A_116 = tpu.memref_slice %arg8[%dma_start3A_112, %dma_start3A_114, %dma_start3A_115] : memref<4x128x64xf32, #tpu.memory_space<vmem>> -> memref<1x128x64xf32, #tpu.memory_space<vmem>>
    %dma_start3A_117 = tpu.memref_squeeze %dma_start3A_116 : memref<1x128x64xf32, #tpu.memory_space<vmem>> -> memref<128x64xf32, #tpu.memory_space<vmem>>
    %dma_start3A_118 = arith.constant 0 : i32
    %dma_start3A_119 = tpu.memref_slice %arg6[%dma_start3A_111, %dma_start3A_118] : memref<80x128xi32, #tpu.memory_space<vmem>> -> memref<1x128xi32, #tpu.memory_space<vmem>>
    %dma_start3A_120 = tpu.memref_squeeze %dma_start3A_119 : memref<1x128xi32, #tpu.memory_space<vmem>> -> memref<128xi32, #tpu.memory_space<vmem>>
    %dma_start3A_121 = arith.constant 0 : i32
    %dma_start3A_122 = arith.constant 0 : i32
    %dma_start3A_123 = tpu.memref_slice %arg2[%dma_start3A_110, %dma_start3A_121, %dma_start3A_122] : memref<2x10240x64xf32, #tpu.memory_space<hbm>> -> memref<1x10240x64xf32, #tpu.memory_space<hbm>>
    %dma_start3A_124 = tpu.memref_squeeze %dma_start3A_123 : memref<1x10240x64xf32, #tpu.memory_space<hbm>> -> memref<10240x64xf32, #tpu.memory_space<hbm>>
    %dma_start3A_125 = arith.constant 0 : i32
    %dma_start3A_126 = arith.constant 0 : i32
    %dma_start3A_127 = tpu.memref_slice %dma_start3A_124[%dma_start3A_125, %dma_start3A_126] : memref<10240x64xf32, #tpu.memory_space<hbm>> -> memref<10240x64xf32, #tpu.memory_space<hbm>>
    %dma_start3A_128 = tpu.memref_slice %arg11[%dma_start3A_113] : memref<4x!tpu.dma_semaphore, #tpu.memory_space<semaphore_mem>> -> memref<1x!tpu.dma_semaphore, #tpu.memory_space<semaphore_mem>>
    %dma_start3A_129 = tpu.memref_squeeze %dma_start3A_128 : memref<1x!tpu.dma_semaphore, #tpu.memory_space<semaphore_mem>> -> memref<!tpu.dma_semaphore, #tpu.memory_space<semaphore_mem>>
    tpu.enqueue_indirect_dma source(%dma_start3A_127 : memref<10240x64xf32, #tpu.memory_space<hbm>>) target(%dma_start3A_117 : memref<128x64xf32, #tpu.memory_space<vmem>>) offsets(%dma_start3A_120 : memref<128xi32, #tpu.memory_space<vmem>>) semaphore(%dma_start3A_129 : memref<!tpu.dma_semaphore, #tpu.memory_space<semaphore_mem>>)
    %dma_start3A_130 = arith.constant 1 : i32
    %dma_start3A_131 = arith.constant 1 : i32
    %dma_start3A_132 = arith.constant 1 : i32
    %dma_start3A_133 = arith.constant 1 : i32
    %dma_start3A_134 = arith.constant 0 : i32
    %dma_start3A_135 = arith.constant 0 : i32
    %dma_start3A_136 = tpu.memref_slice %arg8[%dma_start3A_132, %dma_start3A_134, %dma_start3A_135] : memref<4x128x64xf32, #tpu.memory_space<vmem>> -> memref<1x128x64xf32, #tpu.memory_space<vmem>>
    %dma_start3A_137 = tpu.memref_squeeze %dma_start3A_136 : memref<1x128x64xf32, #tpu.memory_space<vmem>> -> memref<128x64xf32, #tpu.memory_space<vmem>>
    %dma_start3A_138 = arith.constant 0 : i32
    %dma_start3A_139 = tpu.memref_slice %arg6[%dma_start3A_131, %dma_start3A_138] : memref<80x128xi32, #tpu.memory_space<vmem>> -> memref<1x128xi32, #tpu.memory_space<vmem>>
    %dma_start3A_140 = tpu.memref_squeeze %dma_start3A_139 : memref<1x128xi32, #tpu.memory_space<vmem>> -> memref<128xi32, #tpu.memory_space<vmem>>
    %dma_start3A_141 = arith.constant 0 : i32
    %dma_start3A_142 = arith.constant 0 : i32
    %dma_start3A_143 = tpu.memref_slice %arg2[%dma_start3A_130, %dma_start3A_141, %dma_start3A_142] : memref<2x10240x64xf32, #tpu.memory_space<hbm>> -> memref<1x10240x64xf32, #tpu.memory_space<hbm>>
    %dma_start3A_144 = tpu.memref_squeeze %dma_start3A_143 : memref<1x10240x64xf32, #tpu.memory_space<hbm>> -> memref<10240x64xf32, #tpu.memory_space<hbm>>
    %dma_start3A_145 = arith.constant 0 : i32
    %dma_start3A_146 = arith.constant 0 : i32
    %dma_start3A_147 = tpu.memref_slice %dma_start3A_144[%dma_start3A_145, %dma_start3A_146] : memref<10240x64xf32, #tpu.memory_space<hbm>> -> memref<10240x64xf32, #tpu.memory_space<hbm>>
    %dma_start3A_148 = tpu.memref_slice %arg11[%dma_start3A_133] : memref<4x!tpu.dma_semaphore, #tpu.memory_space<semaphore_mem>> -> memref<1x!tpu.dma_semaphore, #tpu.memory_space<semaphore_mem>>
    %dma_start3A_149 = tpu.memref_squeeze %dma_start3A_148 : memref<1x!tpu.dma_semaphore, #tpu.memory_space<semaphore_mem>> -> memref<!tpu.dma_semaphore, #tpu.memory_space<semaphore_mem>>
    tpu.enqueue_indirect_dma source(%dma_start3A_147 : memref<10240x64xf32, #tpu.memory_space<hbm>>) target(%dma_start3A_137 : memref<128x64xf32, #tpu.memory_space<vmem>>) offsets(%dma_start3A_140 : memref<128xi32, #tpu.memory_space<vmem>>) semaphore(%dma_start3A_149 : memref<!tpu.dma_semaphore, #tpu.memory_space<semaphore_mem>>)
    %dma_start3A_150 = arith.constant 1 : i32
    %dma_start3A_151 = arith.constant 2 : i32
    %dma_start3A_152 = arith.constant 2 : i32
    %dma_start3A_153 = arith.constant 2 : i32
    %dma_start3A_154 = arith.constant 0 : i32
    %dma_start3A_155 = arith.constant 0 : i32
    %dma_start3A_156 = tpu.memref_slice %arg8[%dma_start3A_152, %dma_start3A_154, %dma_start3A_155] : memref<4x128x64xf32, #tpu.memory_space<vmem>> -> memref<1x128x64xf32, #tpu.memory_space<vmem>>
    %dma_start3A_157 = tpu.memref_squeeze %dma_start3A_156 : memref<1x128x64xf32, #tpu.memory_space<vmem>> -> memref<128x64xf32, #tpu.memory_space<vmem>>
    %dma_start3A_158 = arith.constant 0 : i32
    %dma_start3A_159 = tpu.memref_slice %arg6[%dma_start3A_151, %dma_start3A_158] : memref<80x128xi32, #tpu.memory_space<vmem>> -> memref<1x128xi32, #tpu.memory_space<vmem>>
    %dma_start3A_160 = tpu.memref_squeeze %dma_start3A_159 : memref<1x128xi32, #tpu.memory_space<vmem>> -> memref<128xi32, #tpu.memory_space<vmem>>
    %dma_start3A_161 = arith.constant 0 : i32
    %dma_start3A_162 = arith.constant 0 : i32
    %dma_start3A_163 = tpu.memref_slice %arg2[%dma_start3A_150, %dma_start3A_161, %dma_start3A_162] : memref<2x10240x64xf32, #tpu.memory_space<hbm>> -> memref<1x10240x64xf32, #tpu.memory_space<hbm>>
    %dma_start3A_164 = tpu.memref_squeeze %dma_start3A_163 : memref<1x10240x64xf32, #tpu.memory_space<hbm>> -> memref<10240x64xf32, #tpu.memory_space<hbm>>
    %dma_start3A_165 = arith.constant 0 : i32
    %dma_start3A_166 = arith.constant 0 : i32
    %dma_start3A_167 = tpu.memref_slice %dma_start3A_164[%dma_start3A_165, %dma_start3A_166] : memref<10240x64xf32, #tpu.memory_space<hbm>> -> memref<10240x64xf32, #tpu.memory_space<hbm>>
    %dma_start3A_168 = tpu.memref_slice %arg11[%dma_start3A_153] : memref<4x!tpu.dma_semaphore, #tpu.memory_space<semaphore_mem>> -> memref<1x!tpu.dma_semaphore, #tpu.memory_space<semaphore_mem>>
    %dma_start3A_169 = tpu.memref_squeeze %dma_start3A_168 : memref<1x!tpu.dma_semaphore, #tpu.memory_space<semaphore_mem>> -> memref<!tpu.dma_semaphore, #tpu.memory_space<semaphore_mem>>
    tpu.enqueue_indirect_dma source(%dma_start3A_167 : memref<10240x64xf32, #tpu.memory_space<hbm>>) target(%dma_start3A_157 : memref<128x64xf32, #tpu.memory_space<vmem>>) offsets(%dma_start3A_160 : memref<128xi32, #tpu.memory_space<vmem>>) semaphore(%dma_start3A_169 : memref<!tpu.dma_semaphore, #tpu.memory_space<semaphore_mem>>)
    %dma_start3A_170 = arith.constant 1 : i32
    %dma_start3A_171 = arith.constant 3 : i32
    %dma_start3A_172 = arith.constant 3 : i32
    %dma_start3A_173 = arith.constant 3 : i32
    %dma_start3A_174 = arith.constant 0 : i32
    %dma_start3A_175 = arith.constant 0 : i32
    %dma_start3A_176 = tpu.memref_slice %arg8[%dma_start3A_172, %dma_start3A_174, %dma_start3A_175] : memref<4x128x64xf32, #tpu.memory_space<vmem>> -> memref<1x128x64xf32, #tpu.memory_space<vmem>>
    %dma_start3A_177 = tpu.memref_squeeze %dma_start3A_176 : memref<1x128x64xf32, #tpu.memory_space<vmem>> -> memref<128x64xf32, #tpu.memory_space<vmem>>
    %dma_start3A_178 = arith.constant 0 : i32
    %dma_start3A_179 = tpu.memref_slice %arg6[%dma_start3A_171, %dma_start3A_178] : memref<80x128xi32, #tpu.memory_space<vmem>> -> memref<1x128xi32, #tpu.memory_space<vmem>>
    %dma_start3A_180 = tpu.memref_squeeze %dma_start3A_179 : memref<1x128xi32, #tpu.memory_space<vmem>> -> memref<128xi32, #tpu.memory_space<vmem>>
    %dma_start3A_181 = arith.constant 0 : i32
    %dma_start3A_182 = arith.constant 0 : i32
    %dma_start3A_183 = tpu.memref_slice %arg2[%dma_start3A_170, %dma_start3A_181, %dma_start3A_182] : memref<2x10240x64xf32, #tpu.memory_space<hbm>> -> memref<1x10240x64xf32, #tpu.memory_space<hbm>>
    %dma_start3A_184 = tpu.memref_squeeze %dma_start3A_183 : memref<1x10240x64xf32, #tpu.memory_space<hbm>> -> memref<10240x64xf32, #tpu.memory_space<hbm>>
    %dma_start3A_185 = arith.constant 0 : i32
    %dma_start3A_186 = arith.constant 0 : i32
    %dma_start3A_187 = tpu.memref_slice %dma_start3A_184[%dma_start3A_185, %dma_start3A_186] : memref<10240x64xf32, #tpu.memory_space<hbm>> -> memref<10240x64xf32, #tpu.memory_space<hbm>>
    %dma_start3A_188 = tpu.memref_slice %arg11[%dma_start3A_173] : memref<4x!tpu.dma_semaphore, #tpu.memory_space<semaphore_mem>> -> memref<1x!tpu.dma_semaphore, #tpu.memory_space<semaphore_mem>>
    %dma_start3A_189 = tpu.memref_squeeze %dma_start3A_188 : memref<1x!tpu.dma_semaphore, #tpu.memory_space<semaphore_mem>> -> memref<!tpu.dma_semaphore, #tpu.memory_space<semaphore_mem>>
    tpu.enqueue_indirect_dma source(%dma_start3A_187 : memref<10240x64xf32, #tpu.memory_space<hbm>>) target(%dma_start3A_177 : memref<128x64xf32, #tpu.memory_space<vmem>>) offsets(%dma_start3A_180 : memref<128xi32, #tpu.memory_space<vmem>>) semaphore(%dma_start3A_189 : memref<!tpu.dma_semaphore, #tpu.memory_space<semaphore_mem>>)
    %scan3A_190 = arith.constant 0 : i32
    %scan3A_191 = arith.constant 1 : i32
    %scan3A_192 = arith.constant 0 : i32
    %scan3A_193 = arith.constant 20 : i32
    %scan3A_194 = arith.addi %scan3A_192, %scan3A_193 : i32
    %scan3A_195 = arith.constant 1 : i32
    scf.for %scan3A_200 = %scan3A_192 to %scan3A_194 step %scan3A_195  : i32 {
      %mul3A_201 = arith.constant 4 : i32
      %mul3A_202 = arith.muli %scan3A_200, %mul3A_201 : i32
      %add3A_203 = arith.constant 0 : i32
      %add3A_204 = arith.addi %mul3A_202, %add3A_203 : i32
      %dma_wait3A = arith.constant 0 : i32
      %dma_wait3A_205 = arith.constant 0 : i32
      %dma_wait3A_206 = arith.constant 0 : i32
      %dma_wait3A_207 = arith.constant 0 : i32
      %dma_wait3A_208 = tpu.memref_slice %arg8[%dma_wait3A, %dma_wait3A_206, %dma_wait3A_207] : memref<4x128x64xf32, #tpu.memory_space<vmem>> -> memref<1x128x64xf32, #tpu.memory_space<vmem>>
      %dma_wait3A_209 = tpu.memref_squeeze %dma_wait3A_208 : memref<1x128x64xf32, #tpu.memory_space<vmem>> -> memref<128x64xf32, #tpu.memory_space<vmem>>
      %dma_wait3A_210 = arith.constant 0 : i32
      %dma_wait3A_211 = tpu.memref_slice %arg6[%add3A_204, %dma_wait3A_210] : memref<80x128xi32, #tpu.memory_space<vmem>> -> memref<1x128xi32, #tpu.memory_space<vmem>>
      %dma_wait3A_212 = tpu.memref_squeeze %dma_wait3A_211 : memref<1x128xi32, #tpu.memory_space<vmem>> -> memref<128xi32, #tpu.memory_space<vmem>>
      %dma_wait3A_213 = arith.constant 0 : i32
      %dma_wait3A_214 = arith.constant 0 : i32
      %dma_wait3A_215 = tpu.memref_slice %arg2[%scan3A_191, %dma_wait3A_213, %dma_wait3A_214] : memref<2x10240x64xf32, #tpu.memory_space<hbm>> -> memref<1x10240x64xf32, #tpu.memory_space<hbm>>
      %dma_wait3A_216 = tpu.memref_squeeze %dma_wait3A_215 : memref<1x10240x64xf32, #tpu.memory_space<hbm>> -> memref<10240x64xf32, #tpu.memory_space<hbm>>
      %dma_wait3A_217 = arith.constant 0 : i32
      %dma_wait3A_218 = arith.constant 0 : i32
      %dma_wait3A_219 = tpu.memref_slice %dma_wait3A_216[%dma_wait3A_217, %dma_wait3A_218] : memref<10240x64xf32, #tpu.memory_space<hbm>> -> memref<10240x64xf32, #tpu.memory_space<hbm>>
      %dma_wait3A_220 = tpu.memref_slice %arg11[%dma_wait3A_205] : memref<4x!tpu.dma_semaphore, #tpu.memory_space<semaphore_mem>> -> memref<1x!tpu.dma_semaphore, #tpu.memory_space<semaphore_mem>>
      %dma_wait3A_221 = tpu.memref_squeeze %dma_wait3A_220 : memref<1x!tpu.dma_semaphore, #tpu.memory_space<semaphore_mem>> -> memref<!tpu.dma_semaphore, #tpu.memory_space<semaphore_mem>>
      tpu.wait_indirect_dma semaphore(%dma_wait3A_221 : memref<!tpu.dma_semaphore, #tpu.memory_space<semaphore_mem>>) src(%dma_wait3A_219 : memref<10240x64xf32, #tpu.memory_space<hbm>>) dst(%dma_wait3A_209 : memref<128x64xf32, #tpu.memory_space<vmem>>)
      %run_scoped3A = arith.constant 0 : i32
      "tpu.region"() ({
        %run_scoped3A_310 = tpu.sem_alloc : memref<!tpu.dma_semaphore, #tpu.memory_space<semaphore_mem>>
        %dma_start3A_311 = arith.constant 0 : i32
        %dma_start3A_312 = arith.constant 0 : i32
        %dma_start3A_313 = tpu.memref_slice %arg8[%run_scoped3A, %dma_start3A_311, %dma_start3A_312] : memref<4x128x64xf32, #tpu.memory_space<vmem>> -> memref<1x128x64xf32, #tpu.memory_space<vmem>>
        %dma_start3A_314 = tpu.memref_squeeze %dma_start3A_313 : memref<1x128x64xf32, #tpu.memory_space<vmem>> -> memref<128x64xf32, #tpu.memory_space<vmem>>
        %dma_start3A_315 = arith.constant 0 : i32
        %dma_start3A_316 = tpu.memref_slice %arg7[%add3A_204, %dma_start3A_315] : memref<80x128xi32, #tpu.memory_space<vmem>> -> memref<1x128xi32, #tpu.memory_space<vmem>>
        %dma_start3A_317 = tpu.memref_squeeze %dma_start3A_316 : memref<1x128xi32, #tpu.memory_space<vmem>> -> memref<128xi32, #tpu.memory_space<vmem>>
        %dma_start3A_318 = arith.constant 0 : i32
        %dma_start3A_319 = arith.constant 0 : i32
        %dma_start3A_320 = tpu.memref_slice %arg10[%dma_start3A_318, %dma_start3A_319] : memref<10240x64xf32, #tpu.memory_space<vmem_shared>> -> memref<10240x64xf32, #tpu.memory_space<vmem_shared>>
        tpu.enqueue_indirect_dma source(%dma_start3A_314 : memref<128x64xf32, #tpu.memory_space<vmem>>) target(%dma_start3A_320 : memref<10240x64xf32, #tpu.memory_space<vmem_shared>>) offsets(%dma_start3A_317 : memref<128xi32, #tpu.memory_space<vmem>>) semaphore(%run_scoped3A_310 : memref<!tpu.dma_semaphore, #tpu.memory_space<semaphore_mem>>) {add = true}
        %dma_wait3A_321 = arith.constant 0 : i32
        %dma_wait3A_322 = arith.constant 0 : i32
        %dma_wait3A_323 = tpu.memref_slice %arg8[%run_scoped3A, %dma_wait3A_321, %dma_wait3A_322] : memref<4x128x64xf32, #tpu.memory_space<vmem>> -> memref<1x128x64xf32, #tpu.memory_space<vmem>>
        %dma_wait3A_324 = tpu.memref_squeeze %dma_wait3A_323 : memref<1x128x64xf32, #tpu.memory_space<vmem>> -> memref<128x64xf32, #tpu.memory_space<vmem>>
        %dma_wait3A_325 = arith.constant 0 : i32
        %dma_wait3A_326 = tpu.memref_slice %arg7[%add3A_204, %dma_wait3A_325] : memref<80x128xi32, #tpu.memory_space<vmem>> -> memref<1x128xi32, #tpu.memory_space<vmem>>
        %dma_wait3A_327 = tpu.memref_squeeze %dma_wait3A_326 : memref<1x128xi32, #tpu.memory_space<vmem>> -> memref<128xi32, #tpu.memory_space<vmem>>
        %dma_wait3A_328 = arith.constant 0 : i32
        %dma_wait3A_329 = arith.constant 0 : i32
        %dma_wait3A_330 = tpu.memref_slice %arg10[%dma_wait3A_328, %dma_wait3A_329] : memref<10240x64xf32, #tpu.memory_space<vmem_shared>> -> memref<10240x64xf32, #tpu.memory_space<vmem_shared>>
        tpu.wait_indirect_dma semaphore(%run_scoped3A_310 : memref<!tpu.dma_semaphore, #tpu.memory_space<semaphore_mem>>) src(%dma_wait3A_324 : memref<128x64xf32, #tpu.memory_space<vmem>>) dst(%dma_wait3A_330 : memref<10240x64xf32, #tpu.memory_space<vmem_shared>>)
        tpu.yield
      }) : () -> ()
      %add3A_222 = arith.constant 4 : i32
      %add3A_223 = arith.addi %add3A_204, %add3A_222 : i32
      %lt3A = arith.constant 80 : i32
      %lt3A_224 = arith.cmpi slt, %add3A_223, %lt3A : i32
      %convert_element_type3A = arith.extui %lt3A_224 : i1 to i32
      %cond3A = arith.constant 0 : i32
      %cond3A_225 = arith.cmpi ne, %convert_element_type3A, %cond3A : i32
      scf.if %cond3A_225 {
        %add3A_310 = arith.constant 4 : i32
        %add3A_311 = arith.addi %add3A_204, %add3A_310 : i32
        %dma_start3A_312 = arith.constant 0 : i32
        %dma_start3A_313 = arith.constant 0 : i32
        %dma_start3A_314 = arith.constant 0 : i32
        %dma_start3A_315 = arith.constant 0 : i32
        %dma_start3A_316 = tpu.memref_slice %arg8[%dma_start3A_312, %dma_start3A_314, %dma_start3A_315] : memref<4x128x64xf32, #tpu.memory_space<vmem>> -> memref<1x128x64xf32, #tpu.memory_space<vmem>>
        %dma_start3A_317 = tpu.memref_squeeze %dma_start3A_316 : memref<1x128x64xf32, #tpu.memory_space<vmem>> -> memref<128x64xf32, #tpu.memory_space<vmem>>
        %dma_start3A_318 = arith.constant 0 : i32
        %dma_start3A_319 = tpu.memref_slice %arg6[%add3A_311, %dma_start3A_318] : memref<80x128xi32, #tpu.memory_space<vmem>> -> memref<1x128xi32, #tpu.memory_space<vmem>>
        %dma_start3A_320 = tpu.memref_squeeze %dma_start3A_319 : memref<1x128xi32, #tpu.memory_space<vmem>> -> memref<128xi32, #tpu.memory_space<vmem>>
        %dma_start3A_321 = arith.constant 0 : i32
        %dma_start3A_322 = arith.constant 0 : i32
        %dma_start3A_323 = tpu.memref_slice %arg2[%scan3A_191, %dma_start3A_321, %dma_start3A_322] : memref<2x10240x64xf32, #tpu.memory_space<hbm>> -> memref<1x10240x64xf32, #tpu.memory_space<hbm>>
        %dma_start3A_324 = tpu.memref_squeeze %dma_start3A_323 : memref<1x10240x64xf32, #tpu.memory_space<hbm>> -> memref<10240x64xf32, #tpu.memory_space<hbm>>
        %dma_start3A_325 = arith.constant 0 : i32
        %dma_start3A_326 = arith.constant 0 : i32
        %dma_start3A_327 = tpu.memref_slice %dma_start3A_324[%dma_start3A_325, %dma_start3A_326] : memref<10240x64xf32, #tpu.memory_space<hbm>> -> memref<10240x64xf32, #tpu.memory_space<hbm>>
        %dma_start3A_328 = tpu.memref_slice %arg11[%dma_start3A_313] : memref<4x!tpu.dma_semaphore, #tpu.memory_space<semaphore_mem>> -> memref<1x!tpu.dma_semaphore, #tpu.memory_space<semaphore_mem>>
        %dma_start3A_329 = tpu.memref_squeeze %dma_start3A_328 : memref<1x!tpu.dma_semaphore, #tpu.memory_space<semaphore_mem>> -> memref<!tpu.dma_semaphore, #tpu.memory_space<semaphore_mem>>
        tpu.enqueue_indirect_dma source(%dma_start3A_327 : memref<10240x64xf32, #tpu.memory_space<hbm>>) target(%dma_start3A_317 : memref<128x64xf32, #tpu.memory_space<vmem>>) offsets(%dma_start3A_320 : memref<128xi32, #tpu.memory_space<vmem>>) semaphore(%dma_start3A_329 : memref<!tpu.dma_semaphore, #tpu.memory_space<semaphore_mem>>)
      } else {
      }
      %add3A_226 = arith.constant 1 : i32
      %add3A_227 = arith.addi %mul3A_202, %add3A_226 : i32
      %dma_wait3A_228 = arith.constant 1 : i32
      %dma_wait3A_229 = arith.constant 1 : i32
      %dma_wait3A_230 = arith.constant 0 : i32
      %dma_wait3A_231 = arith.constant 0 : i32
      %dma_wait3A_232 = tpu.memref_slice %arg8[%dma_wait3A_228, %dma_wait3A_230, %dma_wait3A_231] : memref<4x128x64xf32, #tpu.memory_space<vmem>> -> memref<1x128x64xf32, #tpu.memory_space<vmem>>
      %dma_wait3A_233 = tpu.memref_squeeze %dma_wait3A_232 : memref<1x128x64xf32, #tpu.memory_space<vmem>> -> memref<128x64xf32, #tpu.memory_space<vmem>>
      %dma_wait3A_234 = arith.constant 0 : i32
      %dma_wait3A_235 = tpu.memref_slice %arg6[%add3A_227, %dma_wait3A_234] : memref<80x128xi32, #tpu.memory_space<vmem>> -> memref<1x128xi32, #tpu.memory_space<vmem>>
      %dma_wait3A_236 = tpu.memref_squeeze %dma_wait3A_235 : memref<1x128xi32, #tpu.memory_space<vmem>> -> memref<128xi32, #tpu.memory_space<vmem>>
      %dma_wait3A_237 = arith.constant 0 : i32
      %dma_wait3A_238 = arith.constant 0 : i32
      %dma_wait3A_239 = tpu.memref_slice %arg2[%scan3A_191, %dma_wait3A_237, %dma_wait3A_238] : memref<2x10240x64xf32, #tpu.memory_space<hbm>> -> memref<1x10240x64xf32, #tpu.memory_space<hbm>>
      %dma_wait3A_240 = tpu.memref_squeeze %dma_wait3A_239 : memref<1x10240x64xf32, #tpu.memory_space<hbm>> -> memref<10240x64xf32, #tpu.memory_space<hbm>>
      %dma_wait3A_241 = arith.constant 0 : i32
      %dma_wait3A_242 = arith.constant 0 : i32
      %dma_wait3A_243 = tpu.memref_slice %dma_wait3A_240[%dma_wait3A_241, %dma_wait3A_242] : memref<10240x64xf32, #tpu.memory_space<hbm>> -> memref<10240x64xf32, #tpu.memory_space<hbm>>
      %dma_wait3A_244 = tpu.memref_slice %arg11[%dma_wait3A_229] : memref<4x!tpu.dma_semaphore, #tpu.memory_space<semaphore_mem>> -> memref<1x!tpu.dma_semaphore, #tpu.memory_space<semaphore_mem>>
      %dma_wait3A_245 = tpu.memref_squeeze %dma_wait3A_244 : memref<1x!tpu.dma_semaphore, #tpu.memory_space<semaphore_mem>> -> memref<!tpu.dma_semaphore, #tpu.memory_space<semaphore_mem>>
      tpu.wait_indirect_dma semaphore(%dma_wait3A_245 : memref<!tpu.dma_semaphore, #tpu.memory_space<semaphore_mem>>) src(%dma_wait3A_243 : memref<10240x64xf32, #tpu.memory_space<hbm>>) dst(%dma_wait3A_233 : memref<128x64xf32, #tpu.memory_space<vmem>>)
      %run_scoped3A_246 = arith.constant 1 : i32
      "tpu.region"() ({
        %run_scoped3A_310 = tpu.sem_alloc : memref<!tpu.dma_semaphore, #tpu.memory_space<semaphore_mem>>
        %dma_start3A_311 = arith.constant 0 : i32
        %dma_start3A_312 = arith.constant 0 : i32
        %dma_start3A_313 = tpu.memref_slice %arg8[%run_scoped3A_246, %dma_start3A_311, %dma_start3A_312] : memref<4x128x64xf32, #tpu.memory_space<vmem>> -> memref<1x128x64xf32, #tpu.memory_space<vmem>>
        %dma_start3A_314 = tpu.memref_squeeze %dma_start3A_313 : memref<1x128x64xf32, #tpu.memory_space<vmem>> -> memref<128x64xf32, #tpu.memory_space<vmem>>
        %dma_start3A_315 = arith.constant 0 : i32
        %dma_start3A_316 = tpu.memref_slice %arg7[%add3A_227, %dma_start3A_315] : memref<80x128xi32, #tpu.memory_space<vmem>> -> memref<1x128xi32, #tpu.memory_space<vmem>>
        %dma_start3A_317 = tpu.memref_squeeze %dma_start3A_316 : memref<1x128xi32, #tpu.memory_space<vmem>> -> memref<128xi32, #tpu.memory_space<vmem>>
        %dma_start3A_318 = arith.constant 0 : i32
        %dma_start3A_319 = arith.constant 0 : i32
        %dma_start3A_320 = tpu.memref_slice %arg10[%dma_start3A_318, %dma_start3A_319] : memref<10240x64xf32, #tpu.memory_space<vmem_shared>> -> memref<10240x64xf32, #tpu.memory_space<vmem_shared>>
        tpu.enqueue_indirect_dma source(%dma_start3A_314 : memref<128x64xf32, #tpu.memory_space<vmem>>) target(%dma_start3A_320 : memref<10240x64xf32, #tpu.memory_space<vmem_shared>>) offsets(%dma_start3A_317 : memref<128xi32, #tpu.memory_space<vmem>>) semaphore(%run_scoped3A_310 : memref<!tpu.dma_semaphore, #tpu.memory_space<semaphore_mem>>) {add = true}
        %dma_wait3A_321 = arith.constant 0 : i32
        %dma_wait3A_322 = arith.constant 0 : i32
        %dma_wait3A_323 = tpu.memref_slice %arg8[%run_scoped3A_246, %dma_wait3A_321, %dma_wait3A_322] : memref<4x128x64xf32, #tpu.memory_space<vmem>> -> memref<1x128x64xf32, #tpu.memory_space<vmem>>
        %dma_wait3A_324 = tpu.memref_squeeze %dma_wait3A_323 : memref<1x128x64xf32, #tpu.memory_space<vmem>> -> memref<128x64xf32, #tpu.memory_space<vmem>>
        %dma_wait3A_325 = arith.constant 0 : i32
        %dma_wait3A_326 = tpu.memref_slice %arg7[%add3A_227, %dma_wait3A_325] : memref<80x128xi32, #tpu.memory_space<vmem>> -> memref<1x128xi32, #tpu.memory_space<vmem>>
        %dma_wait3A_327 = tpu.memref_squeeze %dma_wait3A_326 : memref<1x128xi32, #tpu.memory_space<vmem>> -> memref<128xi32, #tpu.memory_space<vmem>>
        %dma_wait3A_328 = arith.constant 0 : i32
        %dma_wait3A_329 = arith.constant 0 : i32
        %dma_wait3A_330 = tpu.memref_slice %arg10[%dma_wait3A_328, %dma_wait3A_329] : memref<10240x64xf32, #tpu.memory_space<vmem_shared>> -> memref<10240x64xf32, #tpu.memory_space<vmem_shared>>
        tpu.wait_indirect_dma semaphore(%run_scoped3A_310 : memref<!tpu.dma_semaphore, #tpu.memory_space<semaphore_mem>>) src(%dma_wait3A_324 : memref<128x64xf32, #tpu.memory_space<vmem>>) dst(%dma_wait3A_330 : memref<10240x64xf32, #tpu.memory_space<vmem_shared>>)
        tpu.yield
      }) : () -> ()
      %add3A_247 = arith.constant 4 : i32
      %add3A_248 = arith.addi %add3A_227, %add3A_247 : i32
      %lt3A_249 = arith.constant 80 : i32
      %lt3A_250 = arith.cmpi slt, %add3A_248, %lt3A_249 : i32
      %convert_element_type3A_251 = arith.extui %lt3A_250 : i1 to i32
      %cond3A_252 = arith.constant 0 : i32
      %cond3A_253 = arith.cmpi ne, %convert_element_type3A_251, %cond3A_252 : i32
      scf.if %cond3A_253 {
        %add3A_310 = arith.constant 4 : i32
        %add3A_311 = arith.addi %add3A_227, %add3A_310 : i32
        %dma_start3A_312 = arith.constant 1 : i32
        %dma_start3A_313 = arith.constant 1 : i32
        %dma_start3A_314 = arith.constant 0 : i32
        %dma_start3A_315 = arith.constant 0 : i32
        %dma_start3A_316 = tpu.memref_slice %arg8[%dma_start3A_312, %dma_start3A_314, %dma_start3A_315] : memref<4x128x64xf32, #tpu.memory_space<vmem>> -> memref<1x128x64xf32, #tpu.memory_space<vmem>>
        %dma_start3A_317 = tpu.memref_squeeze %dma_start3A_316 : memref<1x128x64xf32, #tpu.memory_space<vmem>> -> memref<128x64xf32, #tpu.memory_space<vmem>>
        %dma_start3A_318 = arith.constant 0 : i32
        %dma_start3A_319 = tpu.memref_slice %arg6[%add3A_311, %dma_start3A_318] : memref<80x128xi32, #tpu.memory_space<vmem>> -> memref<1x128xi32, #tpu.memory_space<vmem>>
        %dma_start3A_320 = tpu.memref_squeeze %dma_start3A_319 : memref<1x128xi32, #tpu.memory_space<vmem>> -> memref<128xi32, #tpu.memory_space<vmem>>
        %dma_start3A_321 = arith.constant 0 : i32
        %dma_start3A_322 = arith.constant 0 : i32
        %dma_start3A_323 = tpu.memref_slice %arg2[%scan3A_191, %dma_start3A_321, %dma_start3A_322] : memref<2x10240x64xf32, #tpu.memory_space<hbm>> -> memref<1x10240x64xf32, #tpu.memory_space<hbm>>
        %dma_start3A_324 = tpu.memref_squeeze %dma_start3A_323 : memref<1x10240x64xf32, #tpu.memory_space<hbm>> -> memref<10240x64xf32, #tpu.memory_space<hbm>>
        %dma_start3A_325 = arith.constant 0 : i32
        %dma_start3A_326 = arith.constant 0 : i32
        %dma_start3A_327 = tpu.memref_slice %dma_start3A_324[%dma_start3A_325, %dma_start3A_326] : memref<10240x64xf32, #tpu.memory_space<hbm>> -> memref<10240x64xf32, #tpu.memory_space<hbm>>
        %dma_start3A_328 = tpu.memref_slice %arg11[%dma_start3A_313] : memref<4x!tpu.dma_semaphore, #tpu.memory_space<semaphore_mem>> -> memref<1x!tpu.dma_semaphore, #tpu.memory_space<semaphore_mem>>
        %dma_start3A_329 = tpu.memref_squeeze %dma_start3A_328 : memref<1x!tpu.dma_semaphore, #tpu.memory_space<semaphore_mem>> -> memref<!tpu.dma_semaphore, #tpu.memory_space<semaphore_mem>>
        tpu.enqueue_indirect_dma source(%dma_start3A_327 : memref<10240x64xf32, #tpu.memory_space<hbm>>) target(%dma_start3A_317 : memref<128x64xf32, #tpu.memory_space<vmem>>) offsets(%dma_start3A_320 : memref<128xi32, #tpu.memory_space<vmem>>) semaphore(%dma_start3A_329 : memref<!tpu.dma_semaphore, #tpu.memory_space<semaphore_mem>>)
      } else {
      }
      %add3A_254 = arith.constant 2 : i32
      %add3A_255 = arith.addi %mul3A_202, %add3A_254 : i32
      %dma_wait3A_256 = arith.constant 2 : i32
      %dma_wait3A_257 = arith.constant 2 : i32
      %dma_wait3A_258 = arith.constant 0 : i32
      %dma_wait3A_259 = arith.constant 0 : i32
      %dma_wait3A_260 = tpu.memref_slice %arg8[%dma_wait3A_256, %dma_wait3A_258, %dma_wait3A_259] : memref<4x128x64xf32, #tpu.memory_space<vmem>> -> memref<1x128x64xf32, #tpu.memory_space<vmem>>
      %dma_wait3A_261 = tpu.memref_squeeze %dma_wait3A_260 : memref<1x128x64xf32, #tpu.memory_space<vmem>> -> memref<128x64xf32, #tpu.memory_space<vmem>>
      %dma_wait3A_262 = arith.constant 0 : i32
      %dma_wait3A_263 = tpu.memref_slice %arg6[%add3A_255, %dma_wait3A_262] : memref<80x128xi32, #tpu.memory_space<vmem>> -> memref<1x128xi32, #tpu.memory_space<vmem>>
      %dma_wait3A_264 = tpu.memref_squeeze %dma_wait3A_263 : memref<1x128xi32, #tpu.memory_space<vmem>> -> memref<128xi32, #tpu.memory_space<vmem>>
      %dma_wait3A_265 = arith.constant 0 : i32
      %dma_wait3A_266 = arith.constant 0 : i32
      %dma_wait3A_267 = tpu.memref_slice %arg2[%scan3A_191, %dma_wait3A_265, %dma_wait3A_266] : memref<2x10240x64xf32, #tpu.memory_space<hbm>> -> memref<1x10240x64xf32, #tpu.memory_space<hbm>>
      %dma_wait3A_268 = tpu.memref_squeeze %dma_wait3A_267 : memref<1x10240x64xf32, #tpu.memory_space<hbm>> -> memref<10240x64xf32, #tpu.memory_space<hbm>>
      %dma_wait3A_269 = arith.constant 0 : i32
      %dma_wait3A_270 = arith.constant 0 : i32
      %dma_wait3A_271 = tpu.memref_slice %dma_wait3A_268[%dma_wait3A_269, %dma_wait3A_270] : memref<10240x64xf32, #tpu.memory_space<hbm>> -> memref<10240x64xf32, #tpu.memory_space<hbm>>
      %dma_wait3A_272 = tpu.memref_slice %arg11[%dma_wait3A_257] : memref<4x!tpu.dma_semaphore, #tpu.memory_space<semaphore_mem>> -> memref<1x!tpu.dma_semaphore, #tpu.memory_space<semaphore_mem>>
      %dma_wait3A_273 = tpu.memref_squeeze %dma_wait3A_272 : memref<1x!tpu.dma_semaphore, #tpu.memory_space<semaphore_mem>> -> memref<!tpu.dma_semaphore, #tpu.memory_space<semaphore_mem>>
      tpu.wait_indirect_dma semaphore(%dma_wait3A_273 : memref<!tpu.dma_semaphore, #tpu.memory_space<semaphore_mem>>) src(%dma_wait3A_271 : memref<10240x64xf32, #tpu.memory_space<hbm>>) dst(%dma_wait3A_261 : memref<128x64xf32, #tpu.memory_space<vmem>>)
      %run_scoped3A_274 = arith.constant 2 : i32
      "tpu.region"() ({
        %run_scoped3A_310 = tpu.sem_alloc : memref<!tpu.dma_semaphore, #tpu.memory_space<semaphore_mem>>
        %dma_start3A_311 = arith.constant 0 : i32
        %dma_start3A_312 = arith.constant 0 : i32
        %dma_start3A_313 = tpu.memref_slice %arg8[%run_scoped3A_274, %dma_start3A_311, %dma_start3A_312] : memref<4x128x64xf32, #tpu.memory_space<vmem>> -> memref<1x128x64xf32, #tpu.memory_space<vmem>>
        %dma_start3A_314 = tpu.memref_squeeze %dma_start3A_313 : memref<1x128x64xf32, #tpu.memory_space<vmem>> -> memref<128x64xf32, #tpu.memory_space<vmem>>
        %dma_start3A_315 = arith.constant 0 : i32
        %dma_start3A_316 = tpu.memref_slice %arg7[%add3A_255, %dma_start3A_315] : memref<80x128xi32, #tpu.memory_space<vmem>> -> memref<1x128xi32, #tpu.memory_space<vmem>>
        %dma_start3A_317 = tpu.memref_squeeze %dma_start3A_316 : memref<1x128xi32, #tpu.memory_space<vmem>> -> memref<128xi32, #tpu.memory_space<vmem>>
        %dma_start3A_318 = arith.constant 0 : i32
        %dma_start3A_319 = arith.constant 0 : i32
        %dma_start3A_320 = tpu.memref_slice %arg10[%dma_start3A_318, %dma_start3A_319] : memref<10240x64xf32, #tpu.memory_space<vmem_shared>> -> memref<10240x64xf32, #tpu.memory_space<vmem_shared>>
        tpu.enqueue_indirect_dma source(%dma_start3A_314 : memref<128x64xf32, #tpu.memory_space<vmem>>) target(%dma_start3A_320 : memref<10240x64xf32, #tpu.memory_space<vmem_shared>>) offsets(%dma_start3A_317 : memref<128xi32, #tpu.memory_space<vmem>>) semaphore(%run_scoped3A_310 : memref<!tpu.dma_semaphore, #tpu.memory_space<semaphore_mem>>) {add = true}
        %dma_wait3A_321 = arith.constant 0 : i32
        %dma_wait3A_322 = arith.constant 0 : i32
        %dma_wait3A_323 = tpu.memref_slice %arg8[%run_scoped3A_274, %dma_wait3A_321, %dma_wait3A_322] : memref<4x128x64xf32, #tpu.memory_space<vmem>> -> memref<1x128x64xf32, #tpu.memory_space<vmem>>
        %dma_wait3A_324 = tpu.memref_squeeze %dma_wait3A_323 : memref<1x128x64xf32, #tpu.memory_space<vmem>> -> memref<128x64xf32, #tpu.memory_space<vmem>>
        %dma_wait3A_325 = arith.constant 0 : i32
        %dma_wait3A_326 = tpu.memref_slice %arg7[%add3A_255, %dma_wait3A_325] : memref<80x128xi32, #tpu.memory_space<vmem>> -> memref<1x128xi32, #tpu.memory_space<vmem>>
        %dma_wait3A_327 = tpu.memref_squeeze %dma_wait3A_326 : memref<1x128xi32, #tpu.memory_space<vmem>> -> memref<128xi32, #tpu.memory_space<vmem>>
        %dma_wait3A_328 = arith.constant 0 : i32
        %dma_wait3A_329 = arith.constant 0 : i32
        %dma_wait3A_330 = tpu.memref_slice %arg10[%dma_wait3A_328, %dma_wait3A_329] : memref<10240x64xf32, #tpu.memory_space<vmem_shared>> -> memref<10240x64xf32, #tpu.memory_space<vmem_shared>>
        tpu.wait_indirect_dma semaphore(%run_scoped3A_310 : memref<!tpu.dma_semaphore, #tpu.memory_space<semaphore_mem>>) src(%dma_wait3A_324 : memref<128x64xf32, #tpu.memory_space<vmem>>) dst(%dma_wait3A_330 : memref<10240x64xf32, #tpu.memory_space<vmem_shared>>)
        tpu.yield
      }) : () -> ()
      %add3A_275 = arith.constant 4 : i32
      %add3A_276 = arith.addi %add3A_255, %add3A_275 : i32
      %lt3A_277 = arith.constant 80 : i32
      %lt3A_278 = arith.cmpi slt, %add3A_276, %lt3A_277 : i32
      %convert_element_type3A_279 = arith.extui %lt3A_278 : i1 to i32
      %cond3A_280 = arith.constant 0 : i32
      %cond3A_281 = arith.cmpi ne, %convert_element_type3A_279, %cond3A_280 : i32
      scf.if %cond3A_281 {
        %add3A_310 = arith.constant 4 : i32
        %add3A_311 = arith.addi %add3A_255, %add3A_310 : i32
        %dma_start3A_312 = arith.constant 2 : i32
        %dma_start3A_313 = arith.constant 2 : i32
        %dma_start3A_314 = arith.constant 0 : i32
        %dma_start3A_315 = arith.constant 0 : i32
        %dma_start3A_316 = tpu.memref_slice %arg8[%dma_start3A_312, %dma_start3A_314, %dma_start3A_315] : memref<4x128x64xf32, #tpu.memory_space<vmem>> -> memref<1x128x64xf32, #tpu.memory_space<vmem>>
        %dma_start3A_317 = tpu.memref_squeeze %dma_start3A_316 : memref<1x128x64xf32, #tpu.memory_space<vmem>> -> memref<128x64xf32, #tpu.memory_space<vmem>>
        %dma_start3A_318 = arith.constant 0 : i32
        %dma_start3A_319 = tpu.memref_slice %arg6[%add3A_311, %dma_start3A_318] : memref<80x128xi32, #tpu.memory_space<vmem>> -> memref<1x128xi32, #tpu.memory_space<vmem>>
        %dma_start3A_320 = tpu.memref_squeeze %dma_start3A_319 : memref<1x128xi32, #tpu.memory_space<vmem>> -> memref<128xi32, #tpu.memory_space<vmem>>
        %dma_start3A_321 = arith.constant 0 : i32
        %dma_start3A_322 = arith.constant 0 : i32
        %dma_start3A_323 = tpu.memref_slice %arg2[%scan3A_191, %dma_start3A_321, %dma_start3A_322] : memref<2x10240x64xf32, #tpu.memory_space<hbm>> -> memref<1x10240x64xf32, #tpu.memory_space<hbm>>
        %dma_start3A_324 = tpu.memref_squeeze %dma_start3A_323 : memref<1x10240x64xf32, #tpu.memory_space<hbm>> -> memref<10240x64xf32, #tpu.memory_space<hbm>>
        %dma_start3A_325 = arith.constant 0 : i32
        %dma_start3A_326 = arith.constant 0 : i32
        %dma_start3A_327 = tpu.memref_slice %dma_start3A_324[%dma_start3A_325, %dma_start3A_326] : memref<10240x64xf32, #tpu.memory_space<hbm>> -> memref<10240x64xf32, #tpu.memory_space<hbm>>
        %dma_start3A_328 = tpu.memref_slice %arg11[%dma_start3A_313] : memref<4x!tpu.dma_semaphore, #tpu.memory_space<semaphore_mem>> -> memref<1x!tpu.dma_semaphore, #tpu.memory_space<semaphore_mem>>
        %dma_start3A_329 = tpu.memref_squeeze %dma_start3A_328 : memref<1x!tpu.dma_semaphore, #tpu.memory_space<semaphore_mem>> -> memref<!tpu.dma_semaphore, #tpu.memory_space<semaphore_mem>>
        tpu.enqueue_indirect_dma source(%dma_start3A_327 : memref<10240x64xf32, #tpu.memory_space<hbm>>) target(%dma_start3A_317 : memref<128x64xf32, #tpu.memory_space<vmem>>) offsets(%dma_start3A_320 : memref<128xi32, #tpu.memory_space<vmem>>) semaphore(%dma_start3A_329 : memref<!tpu.dma_semaphore, #tpu.memory_space<semaphore_mem>>)
      } else {
      }
      %add3A_282 = arith.constant 3 : i32
      %add3A_283 = arith.addi %mul3A_202, %add3A_282 : i32
      %dma_wait3A_284 = arith.constant 3 : i32
      %dma_wait3A_285 = arith.constant 3 : i32
      %dma_wait3A_286 = arith.constant 0 : i32
      %dma_wait3A_287 = arith.constant 0 : i32
      %dma_wait3A_288 = tpu.memref_slice %arg8[%dma_wait3A_284, %dma_wait3A_286, %dma_wait3A_287] : memref<4x128x64xf32, #tpu.memory_space<vmem>> -> memref<1x128x64xf32, #tpu.memory_space<vmem>>
      %dma_wait3A_289 = tpu.memref_squeeze %dma_wait3A_288 : memref<1x128x64xf32, #tpu.memory_space<vmem>> -> memref<128x64xf32, #tpu.memory_space<vmem>>
      %dma_wait3A_290 = arith.constant 0 : i32
      %dma_wait3A_291 = tpu.memref_slice %arg6[%add3A_283, %dma_wait3A_290] : memref<80x128xi32, #tpu.memory_space<vmem>> -> memref<1x128xi32, #tpu.memory_space<vmem>>
      %dma_wait3A_292 = tpu.memref_squeeze %dma_wait3A_291 : memref<1x128xi32, #tpu.memory_space<vmem>> -> memref<128xi32, #tpu.memory_space<vmem>>
      %dma_wait3A_293 = arith.constant 0 : i32
      %dma_wait3A_294 = arith.constant 0 : i32
      %dma_wait3A_295 = tpu.memref_slice %arg2[%scan3A_191, %dma_wait3A_293, %dma_wait3A_294] : memref<2x10240x64xf32, #tpu.memory_space<hbm>> -> memref<1x10240x64xf32, #tpu.memory_space<hbm>>
      %dma_wait3A_296 = tpu.memref_squeeze %dma_wait3A_295 : memref<1x10240x64xf32, #tpu.memory_space<hbm>> -> memref<10240x64xf32, #tpu.memory_space<hbm>>
      %dma_wait3A_297 = arith.constant 0 : i32
      %dma_wait3A_298 = arith.constant 0 : i32
      %dma_wait3A_299 = tpu.memref_slice %dma_wait3A_296[%dma_wait3A_297, %dma_wait3A_298] : memref<10240x64xf32, #tpu.memory_space<hbm>> -> memref<10240x64xf32, #tpu.memory_space<hbm>>
      %dma_wait3A_300 = tpu.memref_slice %arg11[%dma_wait3A_285] : memref<4x!tpu.dma_semaphore, #tpu.memory_space<semaphore_mem>> -> memref<1x!tpu.dma_semaphore, #tpu.memory_space<semaphore_mem>>
      %dma_wait3A_301 = tpu.memref_squeeze %dma_wait3A_300 : memref<1x!tpu.dma_semaphore, #tpu.memory_space<semaphore_mem>> -> memref<!tpu.dma_semaphore, #tpu.memory_space<semaphore_mem>>
      tpu.wait_indirect_dma semaphore(%dma_wait3A_301 : memref<!tpu.dma_semaphore, #tpu.memory_space<semaphore_mem>>) src(%dma_wait3A_299 : memref<10240x64xf32, #tpu.memory_space<hbm>>) dst(%dma_wait3A_289 : memref<128x64xf32, #tpu.memory_space<vmem>>)
      %run_scoped3A_302 = arith.constant 3 : i32
      "tpu.region"() ({
        %run_scoped3A_310 = tpu.sem_alloc : memref<!tpu.dma_semaphore, #tpu.memory_space<semaphore_mem>>
        %dma_start3A_311 = arith.constant 0 : i32
        %dma_start3A_312 = arith.constant 0 : i32
        %dma_start3A_313 = tpu.memref_slice %arg8[%run_scoped3A_302, %dma_start3A_311, %dma_start3A_312] : memref<4x128x64xf32, #tpu.memory_space<vmem>> -> memref<1x128x64xf32, #tpu.memory_space<vmem>>
        %dma_start3A_314 = tpu.memref_squeeze %dma_start3A_313 : memref<1x128x64xf32, #tpu.memory_space<vmem>> -> memref<128x64xf32, #tpu.memory_space<vmem>>
        %dma_start3A_315 = arith.constant 0 : i32
        %dma_start3A_316 = tpu.memref_slice %arg7[%add3A_283, %dma_start3A_315] : memref<80x128xi32, #tpu.memory_space<vmem>> -> memref<1x128xi32, #tpu.memory_space<vmem>>
        %dma_start3A_317 = tpu.memref_squeeze %dma_start3A_316 : memref<1x128xi32, #tpu.memory_space<vmem>> -> memref<128xi32, #tpu.memory_space<vmem>>
        %dma_start3A_318 = arith.constant 0 : i32
        %dma_start3A_319 = arith.constant 0 : i32
        %dma_start3A_320 = tpu.memref_slice %arg10[%dma_start3A_318, %dma_start3A_319] : memref<10240x64xf32, #tpu.memory_space<vmem_shared>> -> memref<10240x64xf32, #tpu.memory_space<vmem_shared>>
        tpu.enqueue_indirect_dma source(%dma_start3A_314 : memref<128x64xf32, #tpu.memory_space<vmem>>) target(%dma_start3A_320 : memref<10240x64xf32, #tpu.memory_space<vmem_shared>>) offsets(%dma_start3A_317 : memref<128xi32, #tpu.memory_space<vmem>>) semaphore(%run_scoped3A_310 : memref<!tpu.dma_semaphore, #tpu.memory_space<semaphore_mem>>) {add = true}
        %dma_wait3A_321 = arith.constant 0 : i32
        %dma_wait3A_322 = arith.constant 0 : i32
        %dma_wait3A_323 = tpu.memref_slice %arg8[%run_scoped3A_302, %dma_wait3A_321, %dma_wait3A_322] : memref<4x128x64xf32, #tpu.memory_space<vmem>> -> memref<1x128x64xf32, #tpu.memory_space<vmem>>
        %dma_wait3A_324 = tpu.memref_squeeze %dma_wait3A_323 : memref<1x128x64xf32, #tpu.memory_space<vmem>> -> memref<128x64xf32, #tpu.memory_space<vmem>>
        %dma_wait3A_325 = arith.constant 0 : i32
        %dma_wait3A_326 = tpu.memref_slice %arg7[%add3A_283, %dma_wait3A_325] : memref<80x128xi32, #tpu.memory_space<vmem>> -> memref<1x128xi32, #tpu.memory_space<vmem>>
        %dma_wait3A_327 = tpu.memref_squeeze %dma_wait3A_326 : memref<1x128xi32, #tpu.memory_space<vmem>> -> memref<128xi32, #tpu.memory_space<vmem>>
        %dma_wait3A_328 = arith.constant 0 : i32
        %dma_wait3A_329 = arith.constant 0 : i32
        %dma_wait3A_330 = tpu.memref_slice %arg10[%dma_wait3A_328, %dma_wait3A_329] : memref<10240x64xf32, #tpu.memory_space<vmem_shared>> -> memref<10240x64xf32, #tpu.memory_space<vmem_shared>>
        tpu.wait_indirect_dma semaphore(%run_scoped3A_310 : memref<!tpu.dma_semaphore, #tpu.memory_space<semaphore_mem>>) src(%dma_wait3A_324 : memref<128x64xf32, #tpu.memory_space<vmem>>) dst(%dma_wait3A_330 : memref<10240x64xf32, #tpu.memory_space<vmem_shared>>)
        tpu.yield
      }) : () -> ()
      %add3A_303 = arith.constant 4 : i32
      %add3A_304 = arith.addi %add3A_283, %add3A_303 : i32
      %lt3A_305 = arith.constant 80 : i32
      %lt3A_306 = arith.cmpi slt, %add3A_304, %lt3A_305 : i32
      %convert_element_type3A_307 = arith.extui %lt3A_306 : i1 to i32
      %cond3A_308 = arith.constant 0 : i32
      %cond3A_309 = arith.cmpi ne, %convert_element_type3A_307, %cond3A_308 : i32
      scf.if %cond3A_309 {
        %add3A_310 = arith.constant 4 : i32
        %add3A_311 = arith.addi %add3A_283, %add3A_310 : i32
        %dma_start3A_312 = arith.constant 3 : i32
        %dma_start3A_313 = arith.constant 3 : i32
        %dma_start3A_314 = arith.constant 0 : i32
        %dma_start3A_315 = arith.constant 0 : i32
        %dma_start3A_316 = tpu.memref_slice %arg8[%dma_start3A_312, %dma_start3A_314, %dma_start3A_315] : memref<4x128x64xf32, #tpu.memory_space<vmem>> -> memref<1x128x64xf32, #tpu.memory_space<vmem>>
        %dma_start3A_317 = tpu.memref_squeeze %dma_start3A_316 : memref<1x128x64xf32, #tpu.memory_space<vmem>> -> memref<128x64xf32, #tpu.memory_space<vmem>>
        %dma_start3A_318 = arith.constant 0 : i32
        %dma_start3A_319 = tpu.memref_slice %arg6[%add3A_311, %dma_start3A_318] : memref<80x128xi32, #tpu.memory_space<vmem>> -> memref<1x128xi32, #tpu.memory_space<vmem>>
        %dma_start3A_320 = tpu.memref_squeeze %dma_start3A_319 : memref<1x128xi32, #tpu.memory_space<vmem>> -> memref<128xi32, #tpu.memory_space<vmem>>
        %dma_start3A_321 = arith.constant 0 : i32
        %dma_start3A_322 = arith.constant 0 : i32
        %dma_start3A_323 = tpu.memref_slice %arg2[%scan3A_191, %dma_start3A_321, %dma_start3A_322] : memref<2x10240x64xf32, #tpu.memory_space<hbm>> -> memref<1x10240x64xf32, #tpu.memory_space<hbm>>
        %dma_start3A_324 = tpu.memref_squeeze %dma_start3A_323 : memref<1x10240x64xf32, #tpu.memory_space<hbm>> -> memref<10240x64xf32, #tpu.memory_space<hbm>>
        %dma_start3A_325 = arith.constant 0 : i32
        %dma_start3A_326 = arith.constant 0 : i32
        %dma_start3A_327 = tpu.memref_slice %dma_start3A_324[%dma_start3A_325, %dma_start3A_326] : memref<10240x64xf32, #tpu.memory_space<hbm>> -> memref<10240x64xf32, #tpu.memory_space<hbm>>
        %dma_start3A_328 = tpu.memref_slice %arg11[%dma_start3A_313] : memref<4x!tpu.dma_semaphore, #tpu.memory_space<semaphore_mem>> -> memref<1x!tpu.dma_semaphore, #tpu.memory_space<semaphore_mem>>
        %dma_start3A_329 = tpu.memref_squeeze %dma_start3A_328 : memref<1x!tpu.dma_semaphore, #tpu.memory_space<semaphore_mem>> -> memref<!tpu.dma_semaphore, #tpu.memory_space<semaphore_mem>>
        tpu.enqueue_indirect_dma source(%dma_start3A_327 : memref<10240x64xf32, #tpu.memory_space<hbm>>) target(%dma_start3A_317 : memref<128x64xf32, #tpu.memory_space<vmem>>) offsets(%dma_start3A_320 : memref<128xi32, #tpu.memory_space<vmem>>) semaphore(%dma_start3A_329 : memref<!tpu.dma_semaphore, #tpu.memory_space<semaphore_mem>>)
      } else {
      }
    }
    %scan3A_196 = arith.constant 20 : i32
    %barrier3A_197 = arith.constant 0 : index
    tpu.barrier barrier_id(%barrier3A_197)
    %add3A_198 = arith.constant 2 : i32
    %add3A_199 = arith.addi %add3A_198, %arg0 : i32
    "tpu.region"() ({
      %run_scoped3A = tpu.sem_alloc : memref<!tpu.dma_semaphore, #tpu.memory_space<semaphore_mem>>
      %dma_start3A_200 = arith.constant 0 : i32
      %dma_start3A_201 = arith.constant 0 : i32
      %dma_start3A_202 = tpu.memref_slice %arg5[%add3A_199, %dma_start3A_200, %dma_start3A_201] : memref<4x10240x64xf32, #tpu.memory_space<hbm>> -> memref<1x10240x64xf32, #tpu.memory_space<hbm>>
      %dma_start3A_203 = tpu.memref_squeeze %dma_start3A_202 : memref<1x10240x64xf32, #tpu.memory_space<hbm>> -> memref<10240x64xf32, #tpu.memory_space<hbm>>
      %dma_start3A_204 = arith.constant 0 : i32
      %dma_start3A_205 = tpu.memref_slice %dma_start3A_203[%mul3A_7, %dma_start3A_204] : memref<10240x64xf32, #tpu.memory_space<hbm>> -> memref<640x64xf32, #tpu.memory_space<hbm>>
      %dma_start3A_206 = arith.constant 0 : i32
      %dma_start3A_207 = tpu.memref_slice %arg10[%mul3A_7, %dma_start3A_206] : memref<10240x64xf32, #tpu.memory_space<vmem_shared>> -> memref<640x64xf32, #tpu.memory_space<vmem_shared>>
      tpu.enqueue_dma source(%dma_start3A_207 : memref<640x64xf32, #tpu.memory_space<vmem_shared>>) target(%dma_start3A_205 : memref<640x64xf32, #tpu.memory_space<hbm>>) target_semaphore(%run_scoped3A : memref<!tpu.dma_semaphore, #tpu.memory_space<semaphore_mem>>)
      %dma_wait3A = arith.constant 0 : i32
      %dma_wait3A_208 = arith.constant 0 : i32
      %dma_wait3A_209 = tpu.memref_slice %arg5[%add3A_199, %dma_wait3A, %dma_wait3A_208] : memref<4x10240x64xf32, #tpu.memory_space<hbm>> -> memref<1x10240x64xf32, #tpu.memory_space<hbm>>
      %dma_wait3A_210 = tpu.memref_squeeze %dma_wait3A_209 : memref<1x10240x64xf32, #tpu.memory_space<hbm>> -> memref<10240x64xf32, #tpu.memory_space<hbm>>
      %dma_wait3A_211 = arith.constant 0 : i32
      %dma_wait3A_212 = tpu.memref_slice %dma_wait3A_210[%mul3A_7, %dma_wait3A_211] : memref<10240x64xf32, #tpu.memory_space<hbm>> -> memref<640x64xf32, #tpu.memory_space<hbm>>
      %dma_wait3A_213 = arith.constant 0 : i32
      %dma_wait3A_214 = tpu.memref_slice %arg10[%mul3A_7, %dma_wait3A_213] : memref<10240x64xf32, #tpu.memory_space<vmem_shared>> -> memref<640x64xf32, #tpu.memory_space<vmem_shared>>
      tpu.wait_dma2 semaphore(%run_scoped3A : memref<!tpu.dma_semaphore, #tpu.memory_space<semaphore_mem>>) src(%dma_wait3A_214 : memref<640x64xf32, #tpu.memory_space<vmem_shared>>) dst(%dma_wait3A_212 : memref<640x64xf32, #tpu.memory_space<hbm>>)
      tpu.yield
    }) : () -> ()
    return
  }
}

module attributes {stable_mosaic.version = 14 : i64} {
  func.func @_tc_pool0_body(%arg0: memref<10240x128xf32, #tpu.memory_space<vmem>>, %arg1: memref<10240xi32, #tpu.memory_space<vmem>>, %arg2: memref<128x128xf32, #tpu.memory_space<vmem>>) attributes {dimension_semantics = [], scalar_prefetch = 0 : i64, scratch_operands = 0 : i64, tpu.core_type = #tpu.core_type<tc>} {
    %get3A = arith.constant 0 : index
    %get3A_0 = vector.load %arg1[%get3A] : memref<10240xi32, #tpu.memory_space<vmem>>, vector<10240xi32>
    %iota3A = tpu.iota {dimensions = array<i32: 0>} : vector<128x10240xi32>
    %broadcast_in_dim3A = vector.shape_cast %get3A_0 : vector<10240xi32> to vector<1x10240xi32>
    %eq3A = vector.broadcast %broadcast_in_dim3A : vector<1x10240xi32> to vector<128x10240xi32>
    %eq3A_1 = arith.cmpi eq, %eq3A, %iota3A : vector<128x10240xi32>
    %convert_element_type3A = arith.extui %eq3A_1 : vector<128x10240xi1> to vector<128x10240xi32>
    %convert_element_type3A_2 = arith.sitofp %convert_element_type3A : vector<128x10240xi32> to vector<128x10240xf32>
    %get3A_3 = arith.constant 0 : index
    %get3A_4 = arith.constant 0 : index
    %get3A_5 = vector.load %arg0[%get3A_3, %get3A_4] : memref<10240x128xf32, #tpu.memory_space<vmem>>, vector<10240x128xf32>
    %dot_general3A = arith.constant dense<0.000000e+00> : vector<128x128xf32>
    %dot_general3A_6 = tpu.matmul %convert_element_type3A_2, %get3A_5, %dot_general3A {dimension_numbers = #tpu.dot_dimension_numbers<[1], [0], [0], [1], [0, 0, 1, 1], [], []>, precision = #tpu.contract_precision<fp32>, transpose_lhs_hint = false} : vector<128x10240xf32>, vector<10240x128xf32>, vector<128x128xf32> -> vector<128x128xf32>
    %swap3A = arith.constant 0 : index
    %swap3A_7 = arith.constant 0 : index
    %swap3A_8 = vector.load %arg2[%swap3A, %swap3A_7] : memref<128x128xf32, #tpu.memory_space<vmem>>, vector<128x128xf32>
    tpu.vector_store %arg2[%swap3A, %swap3A_7], %dot_general3A_6 {strides = array<i32>} : memref<128x128xf32, #tpu.memory_space<vmem>>, vector<128x128xf32>,
    return
  }
}

module attributes {stable_mosaic.version = 14 : i64} {
  func.func @_tc_conv0_body(%arg0: memref<10240x128xf32, #tpu.memory_space<vmem>>, %arg1: memref<4x10240x64xf32, #tpu.memory_space<vmem>>, %arg2: memref<128x64xf32, #tpu.memory_space<vmem>>, %arg3: memref<1x64xf32, #tpu.memory_space<vmem>>, %arg4: memref<1x64xf32, #tpu.memory_space<vmem>>, %arg5: memref<1x64xf32, #tpu.memory_space<vmem>>, %arg6: memref<64x64xf32, #tpu.memory_space<vmem>>, %arg7: memref<1x64xf32, #tpu.memory_space<vmem>>, %arg8: memref<1x64xf32, #tpu.memory_space<vmem>>, %arg9: memref<1x64xf32, #tpu.memory_space<vmem>>, %arg10: memref<10240xi32, #tpu.memory_space<vmem>>, %arg11: memref<10240x64xf32, #tpu.memory_space<vmem>>, %arg12: memref<128x64xf32, #tpu.memory_space<vmem>>) attributes {dimension_semantics = [], scalar_prefetch = 0 : i64, scratch_operands = 0 : i64, tpu.core_type = #tpu.core_type<tc>} {
    %iota3A = tpu.iota {dimensions = array<i32: 0>} : vector<10240x1xi32>
    %lt3A = arith.constant 10000 : i32
    %lt3A_0 = vector.broadcast %lt3A : i32 to vector<10240x1xi32>
    %lt3A_1 = arith.cmpi slt, %iota3A, %lt3A_0 : vector<10240x1xi32>
    %convert_element_type3A = arith.extui %lt3A_1 : vector<10240x1xi1> to vector<10240x1xi32>
    %convert_element_type3A_2 = arith.sitofp %convert_element_type3A : vector<10240x1xi32> to vector<10240x1xf32>
    %get3A = arith.constant 0 : index
    %get3A_3 = arith.constant 0 : index
    %get3A_4 = arith.constant 0 : index
    %get3A_5 = vector.load %arg1[%get3A, %get3A_3, %get3A_4] : memref<4x10240x64xf32, #tpu.memory_space<vmem>>, vector<1x10240x64xf32>
    %get3A_6 = vector.shape_cast %get3A_5 : vector<1x10240x64xf32> to vector<10240x64xf32>
    %get3A_7 = arith.constant 1 : index
    %get3A_8 = arith.constant 0 : index
    %get3A_9 = arith.constant 0 : index
    %get3A_10 = vector.load %arg1[%get3A_7, %get3A_8, %get3A_9] : memref<4x10240x64xf32, #tpu.memory_space<vmem>>, vector<1x10240x64xf32>
    %get3A_11 = vector.shape_cast %get3A_10 : vector<1x10240x64xf32> to vector<10240x64xf32>
    %add3A = arith.addf %get3A_6, %get3A_11 : vector<10240x64xf32>
    %get3A_12 = arith.constant 2 : index
    %get3A_13 = arith.constant 0 : index
    %get3A_14 = arith.constant 0 : index
    %get3A_15 = vector.load %arg1[%get3A_12, %get3A_13, %get3A_14] : memref<4x10240x64xf32, #tpu.memory_space<vmem>>, vector<1x10240x64xf32>
    %get3A_16 = vector.shape_cast %get3A_15 : vector<1x10240x64xf32> to vector<10240x64xf32>
    %get3A_17 = arith.constant 3 : index
    %get3A_18 = arith.constant 0 : index
    %get3A_19 = arith.constant 0 : index
    %get3A_20 = vector.load %arg1[%get3A_17, %get3A_18, %get3A_19] : memref<4x10240x64xf32, #tpu.memory_space<vmem>>, vector<1x10240x64xf32>
    %get3A_21 = vector.shape_cast %get3A_20 : vector<1x10240x64xf32> to vector<10240x64xf32>
    %add3A_22 = arith.addf %get3A_16, %get3A_21 : vector<10240x64xf32>
    %concatenate3A = tpu.concatenate %add3A, %add3A_22 in 1 : vector<10240x64xf32>, vector<10240x64xf32> -> vector<10240x128xf32>
    %get3A_23 = arith.constant 0 : index
    %get3A_24 = arith.constant 0 : index
    %get3A_25 = vector.load %arg0[%get3A_23, %get3A_24] : memref<10240x128xf32, #tpu.memory_space<vmem>>, vector<10240x128xf32>
    %add3A_26 = arith.addf %get3A_25, %concatenate3A : vector<10240x128xf32>
    %convert_element_type3A_27 = arith.truncf %add3A_26 : vector<10240x128xf32> to vector<10240x128xbf16>
    %get3A_28 = arith.constant 0 : index
    %get3A_29 = arith.constant 0 : index
    %get3A_30 = vector.load %arg2[%get3A_28, %get3A_29] : memref<128x64xf32, #tpu.memory_space<vmem>>, vector<128x64xf32>
    %convert_element_type3A_31 = arith.truncf %get3A_30 : vector<128x64xf32> to vector<128x64xbf16>
    %dot_general3A = arith.constant dense<0.000000e+00> : vector<10240x64xf32>
    %dot_general3A_32 = tpu.matmul %convert_element_type3A_27, %convert_element_type3A_31, %dot_general3A {dimension_numbers = #tpu.dot_dimension_numbers<[1], [0], [0], [1], [0, 0, 1, 1], [], []>, transpose_lhs_hint = false} : vector<10240x128xbf16>, vector<128x64xbf16>, vector<10240x64xf32> -> vector<10240x64xf32>
    %get3A_33 = arith.constant 0 : index
    %get3A_34 = arith.constant 0 : index
    %get3A_35 = vector.load %arg3[%get3A_33, %get3A_34] : memref<1x64xf32, #tpu.memory_space<vmem>>, vector<1x64xf32>
    %add3A_36 = vector.broadcast %get3A_35 : vector<1x64xf32> to vector<10240x64xf32>
    %add3A_37 = arith.addf %dot_general3A_32, %add3A_36 : vector<10240x64xf32>
    %get3A_38 = arith.constant 0 : index
    %get3A_39 = arith.constant 0 : index
    %get3A_40 = vector.load %arg4[%get3A_38, %get3A_39] : memref<1x64xf32, #tpu.memory_space<vmem>>, vector<1x64xf32>
    %get3A_41 = arith.constant 0 : index
    %get3A_42 = arith.constant 0 : index
    %get3A_43 = vector.load %arg5[%get3A_41, %get3A_42] : memref<1x64xf32, #tpu.memory_space<vmem>>, vector<1x64xf32>
    %mul3A = vector.broadcast %convert_element_type3A_2 : vector<10240x1xf32> to vector<10240x64xf32>
    %mul3A_44 = arith.mulf %add3A_37, %mul3A : vector<10240x64xf32>
    %reduce_sum3A = arith.constant dense<0.000000e+00> : vector<64xf32>
    %reduce_sum3A_45 = vector.multi_reduction <add>, %mul3A_44, %reduce_sum3A [0] : vector<10240x64xf32> to vector<64xf32>
    %broadcast_in_dim3A = vector.shape_cast %reduce_sum3A_45 : vector<64xf32> to vector<1x64xf32>
    %mul3A_46 = arith.constant 9.99999974E-5 : f32
    %mul3A_47 = vector.broadcast %mul3A_46 : f32 to vector<1x64xf32>
    %mul3A_48 = arith.mulf %broadcast_in_dim3A, %mul3A_47 : vector<1x64xf32>
    %sub3A = vector.broadcast %mul3A_48 : vector<1x64xf32> to vector<10240x64xf32>
    %sub3A_49 = arith.subf %add3A_37, %sub3A : vector<10240x64xf32>
    %mul3A_50 = arith.mulf %sub3A_49, %sub3A_49 : vector<10240x64xf32>
    %mul3A_51 = vector.broadcast %convert_element_type3A_2 : vector<10240x1xf32> to vector<10240x64xf32>
    %mul3A_52 = arith.mulf %mul3A_50, %mul3A_51 : vector<10240x64xf32>
    %reduce_sum3A_53 = arith.constant dense<0.000000e+00> : vector<64xf32>
    %reduce_sum3A_54 = vector.multi_reduction <add>, %mul3A_52, %reduce_sum3A_53 [0] : vector<10240x64xf32> to vector<64xf32>
    %broadcast_in_dim3A_55 = vector.shape_cast %reduce_sum3A_54 : vector<64xf32> to vector<1x64xf32>
    %mul3A_56 = arith.constant 9.99999974E-5 : f32
    %mul3A_57 = vector.broadcast %mul3A_56 : f32 to vector<1x64xf32>
    %mul3A_58 = arith.mulf %broadcast_in_dim3A_55, %mul3A_57 : vector<1x64xf32>
    %add3A_59 = arith.constant 9.99999974E-6 : f32
    %add3A_60 = vector.broadcast %add3A_59 : f32 to vector<1x64xf32>
    %add3A_61 = arith.addf %mul3A_58, %add3A_60 : vector<1x64xf32>
    %rsqrt3A = math.rsqrt %add3A_61 : vector<1x64xf32>
    %mul3A_62 = arith.constant 5.000000e-01 : f32
    %mul3A_63 = vector.broadcast %mul3A_62 : f32 to vector<1x64xf32>
    %mul3A_64 = arith.mulf %mul3A_63, %add3A_61 : vector<1x64xf32>
    %mul3A_65 = arith.mulf %mul3A_64, %rsqrt3A : vector<1x64xf32>
    %mul3A_66 = arith.mulf %mul3A_65, %rsqrt3A : vector<1x64xf32>
    %sub3A_67 = arith.constant 1.500000e+00 : f32
    %sub3A_68 = vector.broadcast %sub3A_67 : f32 to vector<1x64xf32>
    %sub3A_69 = arith.subf %sub3A_68, %mul3A_66 : vector<1x64xf32>
    %mul3A_70 = arith.mulf %rsqrt3A, %sub3A_69 : vector<1x64xf32>
    %mul3A_71 = vector.broadcast %get3A_40 : vector<1x64xf32> to vector<10240x64xf32>
    %mul3A_72 = arith.mulf %mul3A_71, %sub3A_49 : vector<10240x64xf32>
    %mul3A_73 = vector.broadcast %mul3A_70 : vector<1x64xf32> to vector<10240x64xf32>
    %mul3A_74 = arith.mulf %mul3A_72, %mul3A_73 : vector<10240x64xf32>
    %add3A_75 = vector.broadcast %get3A_43 : vector<1x64xf32> to vector<10240x64xf32>
    %add3A_76 = arith.addf %mul3A_74, %add3A_75 : vector<10240x64xf32>
    %max3A = arith.constant 0.000000e+00 : f32
    %max3A_77 = vector.broadcast %max3A : f32 to vector<10240x64xf32>
    %max3A_78 = arith.maximumf %add3A_76, %max3A_77 : vector<10240x64xf32>
    %mul3A_79 = vector.broadcast %convert_element_type3A_2 : vector<10240x1xf32> to vector<10240x64xf32>
    %mul3A_80 = arith.mulf %max3A_78, %mul3A_79 : vector<10240x64xf32>
    %convert_element_type3A_81 = arith.truncf %mul3A_80 : vector<10240x64xf32> to vector<10240x64xbf16>
    %get3A_82 = arith.constant 0 : index
    %get3A_83 = arith.constant 0 : index
    %get3A_84 = vector.load %arg6[%get3A_82, %get3A_83] : memref<64x64xf32, #tpu.memory_space<vmem>>, vector<64x64xf32>
    %convert_element_type3A_85 = arith.truncf %get3A_84 : vector<64x64xf32> to vector<64x64xbf16>
    %dot_general3A_86 = arith.constant dense<0.000000e+00> : vector<10240x64xf32>
    %dot_general3A_87 = tpu.matmul %convert_element_type3A_81, %convert_element_type3A_85, %dot_general3A_86 {dimension_numbers = #tpu.dot_dimension_numbers<[1], [0], [0], [1], [0, 0, 1, 1], [], []>, transpose_lhs_hint = false} : vector<10240x64xbf16>, vector<64x64xbf16>, vector<10240x64xf32> -> vector<10240x64xf32>
    %get3A_88 = arith.constant 0 : index
    %get3A_89 = arith.constant 0 : index
    %get3A_90 = vector.load %arg7[%get3A_88, %get3A_89] : memref<1x64xf32, #tpu.memory_space<vmem>>, vector<1x64xf32>
    %add3A_91 = vector.broadcast %get3A_90 : vector<1x64xf32> to vector<10240x64xf32>
    %add3A_92 = arith.addf %dot_general3A_87, %add3A_91 : vector<10240x64xf32>
    %get3A_93 = arith.constant 0 : index
    %get3A_94 = arith.constant 0 : index
    %get3A_95 = vector.load %arg8[%get3A_93, %get3A_94] : memref<1x64xf32, #tpu.memory_space<vmem>>, vector<1x64xf32>
    %get3A_96 = arith.constant 0 : index
    %get3A_97 = arith.constant 0 : index
    %get3A_98 = vector.load %arg9[%get3A_96, %get3A_97] : memref<1x64xf32, #tpu.memory_space<vmem>>, vector<1x64xf32>
    %mul3A_99 = vector.broadcast %convert_element_type3A_2 : vector<10240x1xf32> to vector<10240x64xf32>
    %mul3A_100 = arith.mulf %add3A_92, %mul3A_99 : vector<10240x64xf32>
    %reduce_sum3A_101 = arith.constant dense<0.000000e+00> : vector<64xf32>
    %reduce_sum3A_102 = vector.multi_reduction <add>, %mul3A_100, %reduce_sum3A_101 [0] : vector<10240x64xf32> to vector<64xf32>
    %broadcast_in_dim3A_103 = vector.shape_cast %reduce_sum3A_102 : vector<64xf32> to vector<1x64xf32>
    %mul3A_104 = arith.constant 9.99999974E-5 : f32
    %mul3A_105 = vector.broadcast %mul3A_104 : f32 to vector<1x64xf32>
    %mul3A_106 = arith.mulf %broadcast_in_dim3A_103, %mul3A_105 : vector<1x64xf32>
    %sub3A_107 = vector.broadcast %mul3A_106 : vector<1x64xf32> to vector<10240x64xf32>
    %sub3A_108 = arith.subf %add3A_92, %sub3A_107 : vector<10240x64xf32>
    %mul3A_109 = arith.mulf %sub3A_108, %sub3A_108 : vector<10240x64xf32>
    %mul3A_110 = vector.broadcast %convert_element_type3A_2 : vector<10240x1xf32> to vector<10240x64xf32>
    %mul3A_111 = arith.mulf %mul3A_109, %mul3A_110 : vector<10240x64xf32>
    %reduce_sum3A_112 = arith.constant dense<0.000000e+00> : vector<64xf32>
    %reduce_sum3A_113 = vector.multi_reduction <add>, %mul3A_111, %reduce_sum3A_112 [0] : vector<10240x64xf32> to vector<64xf32>
    %broadcast_in_dim3A_114 = vector.shape_cast %reduce_sum3A_113 : vector<64xf32> to vector<1x64xf32>
    %mul3A_115 = arith.constant 9.99999974E-5 : f32
    %mul3A_116 = vector.broadcast %mul3A_115 : f32 to vector<1x64xf32>
    %mul3A_117 = arith.mulf %broadcast_in_dim3A_114, %mul3A_116 : vector<1x64xf32>
    %add3A_118 = arith.constant 9.99999974E-6 : f32
    %add3A_119 = vector.broadcast %add3A_118 : f32 to vector<1x64xf32>
    %add3A_120 = arith.addf %mul3A_117, %add3A_119 : vector<1x64xf32>
    %rsqrt3A_121 = math.rsqrt %add3A_120 : vector<1x64xf32>
    %mul3A_122 = arith.constant 5.000000e-01 : f32
    %mul3A_123 = vector.broadcast %mul3A_122 : f32 to vector<1x64xf32>
    %mul3A_124 = arith.mulf %mul3A_123, %add3A_120 : vector<1x64xf32>
    %mul3A_125 = arith.mulf %mul3A_124, %rsqrt3A_121 : vector<1x64xf32>
    %mul3A_126 = arith.mulf %mul3A_125, %rsqrt3A_121 : vector<1x64xf32>
    %sub3A_127 = arith.constant 1.500000e+00 : f32
    %sub3A_128 = vector.broadcast %sub3A_127 : f32 to vector<1x64xf32>
    %sub3A_129 = arith.subf %sub3A_128, %mul3A_126 : vector<1x64xf32>
    %mul3A_130 = arith.mulf %rsqrt3A_121, %sub3A_129 : vector<1x64xf32>
    %mul3A_131 = vector.broadcast %get3A_95 : vector<1x64xf32> to vector<10240x64xf32>
    %mul3A_132 = arith.mulf %mul3A_131, %sub3A_108 : vector<10240x64xf32>
    %mul3A_133 = vector.broadcast %mul3A_130 : vector<1x64xf32> to vector<10240x64xf32>
    %mul3A_134 = arith.mulf %mul3A_132, %mul3A_133 : vector<10240x64xf32>
    %add3A_135 = vector.broadcast %get3A_98 : vector<1x64xf32> to vector<10240x64xf32>
    %add3A_136 = arith.addf %mul3A_134, %add3A_135 : vector<10240x64xf32>
    %max3A_137 = arith.constant 0.000000e+00 : f32
    %max3A_138 = vector.broadcast %max3A_137 : f32 to vector<10240x64xf32>
    %max3A_139 = arith.maximumf %add3A_136, %max3A_138 : vector<10240x64xf32>
    %mul3A_140 = vector.broadcast %convert_element_type3A_2 : vector<10240x1xf32> to vector<10240x64xf32>
    %mul3A_141 = arith.mulf %max3A_139, %mul3A_140 : vector<10240x64xf32>
    %get3A_142 = arith.constant 0 : index
    %get3A_143 = vector.load %arg10[%get3A_142] : memref<10240xi32, #tpu.memory_space<vmem>>, vector<10240xi32>
    %iota3A_144 = tpu.iota {dimensions = array<i32: 0>} : vector<128x10240xi32>
    %broadcast_in_dim3A_145 = vector.shape_cast %get3A_143 : vector<10240xi32> to vector<1x10240xi32>
    %eq3A = vector.broadcast %broadcast_in_dim3A_145 : vector<1x10240xi32> to vector<128x10240xi32>
    %eq3A_146 = arith.cmpi eq, %eq3A, %iota3A_144 : vector<128x10240xi32>
    %convert_element_type3A_147 = arith.extui %eq3A_146 : vector<128x10240xi1> to vector<128x10240xi32>
    %convert_element_type3A_148 = arith.sitofp %convert_element_type3A_147 : vector<128x10240xi32> to vector<128x10240xf32>
    %dot_general3A_149 = arith.constant dense<0.000000e+00> : vector<128x64xf32>
    %dot_general3A_150 = tpu.matmul %convert_element_type3A_148, %mul3A_141, %dot_general3A_149 {dimension_numbers = #tpu.dot_dimension_numbers<[1], [0], [0], [1], [0, 0, 1, 1], [], []>, precision = #tpu.contract_precision<fp32>, transpose_lhs_hint = false} : vector<128x10240xf32>, vector<10240x64xf32>, vector<128x64xf32> -> vector<128x64xf32>
    %swap3A = arith.constant 0 : index
    %swap3A_151 = arith.constant 0 : index
    %swap3A_152 = vector.load %arg11[%swap3A, %swap3A_151] : memref<10240x64xf32, #tpu.memory_space<vmem>>, vector<10240x64xf32>
    tpu.vector_store %arg11[%swap3A, %swap3A_151], %mul3A_141 {strides = array<i32>} : memref<10240x64xf32, #tpu.memory_space<vmem>>, vector<10240x64xf32>,
    %swap3A_153 = arith.constant 0 : index
    %swap3A_154 = arith.constant 0 : index
    %swap3A_155 = vector.load %arg12[%swap3A_153, %swap3A_154] : memref<128x64xf32, #tpu.memory_space<vmem>>, vector<128x64xf32>
    tpu.vector_store %arg12[%swap3A_153, %swap3A_154], %dot_general3A_150 {strides = array<i32>} : memref<128x64xf32, #tpu.memory_space<vmem>>, vector<128x64xf32>,
    return
  }
}

module attributes {stable_mosaic.version = 14 : i64} {
  func.func @_tc_conv_body(%arg0: memref<10240x64xf32, #tpu.memory_space<vmem>>, %arg1: memref<2x10240x64xf32, #tpu.memory_space<vmem>>, %arg2: memref<64x64xf32, #tpu.memory_space<vmem>>, %arg3: memref<1x64xf32, #tpu.memory_space<vmem>>, %arg4: memref<1x64xf32, #tpu.memory_space<vmem>>, %arg5: memref<1x64xf32, #tpu.memory_space<vmem>>, %arg6: memref<64x64xf32, #tpu.memory_space<vmem>>, %arg7: memref<1x64xf32, #tpu.memory_space<vmem>>, %arg8: memref<1x64xf32, #tpu.memory_space<vmem>>, %arg9: memref<1x64xf32, #tpu.memory_space<vmem>>, %arg10: memref<10240xi32, #tpu.memory_space<vmem>>, %arg11: memref<10240x64xf32, #tpu.memory_space<vmem>>, %arg12: memref<128x64xf32, #tpu.memory_space<vmem>>) attributes {dimension_semantics = [], scalar_prefetch = 0 : i64, scratch_operands = 0 : i64, tpu.core_type = #tpu.core_type<tc>} {
    %iota3A = tpu.iota {dimensions = array<i32: 0>} : vector<10240x1xi32>
    %lt3A = arith.constant 10000 : i32
    %lt3A_0 = vector.broadcast %lt3A : i32 to vector<10240x1xi32>
    %lt3A_1 = arith.cmpi slt, %iota3A, %lt3A_0 : vector<10240x1xi32>
    %convert_element_type3A = arith.extui %lt3A_1 : vector<10240x1xi1> to vector<10240x1xi32>
    %convert_element_type3A_2 = arith.sitofp %convert_element_type3A : vector<10240x1xi32> to vector<10240x1xf32>
    %get3A = arith.constant 0 : index
    %get3A_3 = arith.constant 0 : index
    %get3A_4 = vector.load %arg0[%get3A, %get3A_3] : memref<10240x64xf32, #tpu.memory_space<vmem>>, vector<10240x64xf32>
    %get3A_5 = arith.constant 0 : index
    %get3A_6 = arith.constant 0 : index
    %get3A_7 = arith.constant 0 : index
    %get3A_8 = vector.load %arg1[%get3A_5, %get3A_6, %get3A_7] : memref<2x10240x64xf32, #tpu.memory_space<vmem>>, vector<1x10240x64xf32>
    %get3A_9 = vector.shape_cast %get3A_8 : vector<1x10240x64xf32> to vector<10240x64xf32>
    %add3A = arith.addf %get3A_4, %get3A_9 : vector<10240x64xf32>
    %get3A_10 = arith.constant 1 : index
    %get3A_11 = arith.constant 0 : index
    %get3A_12 = arith.constant 0 : index
    %get3A_13 = vector.load %arg1[%get3A_10, %get3A_11, %get3A_12] : memref<2x10240x64xf32, #tpu.memory_space<vmem>>, vector<1x10240x64xf32>
    %get3A_14 = vector.shape_cast %get3A_13 : vector<1x10240x64xf32> to vector<10240x64xf32>
    %add3A_15 = arith.addf %add3A, %get3A_14 : vector<10240x64xf32>
    %convert_element_type3A_16 = arith.truncf %add3A_15 : vector<10240x64xf32> to vector<10240x64xbf16>
    %get3A_17 = arith.constant 0 : index
    %get3A_18 = arith.constant 0 : index
    %get3A_19 = vector.load %arg2[%get3A_17, %get3A_18] : memref<64x64xf32, #tpu.memory_space<vmem>>, vector<64x64xf32>
    %convert_element_type3A_20 = arith.truncf %get3A_19 : vector<64x64xf32> to vector<64x64xbf16>
    %dot_general3A = arith.constant dense<0.000000e+00> : vector<10240x64xf32>
    %dot_general3A_21 = tpu.matmul %convert_element_type3A_16, %convert_element_type3A_20, %dot_general3A {dimension_numbers = #tpu.dot_dimension_numbers<[1], [0], [0], [1], [0, 0, 1, 1], [], []>, transpose_lhs_hint = false} : vector<10240x64xbf16>, vector<64x64xbf16>, vector<10240x64xf32> -> vector<10240x64xf32>
    %get3A_22 = arith.constant 0 : index
    %get3A_23 = arith.constant 0 : index
    %get3A_24 = vector.load %arg3[%get3A_22, %get3A_23] : memref<1x64xf32, #tpu.memory_space<vmem>>, vector<1x64xf32>
    %add3A_25 = vector.broadcast %get3A_24 : vector<1x64xf32> to vector<10240x64xf32>
    %add3A_26 = arith.addf %dot_general3A_21, %add3A_25 : vector<10240x64xf32>
    %get3A_27 = arith.constant 0 : index
    %get3A_28 = arith.constant 0 : index
    %get3A_29 = vector.load %arg4[%get3A_27, %get3A_28] : memref<1x64xf32, #tpu.memory_space<vmem>>, vector<1x64xf32>
    %get3A_30 = arith.constant 0 : index
    %get3A_31 = arith.constant 0 : index
    %get3A_32 = vector.load %arg5[%get3A_30, %get3A_31] : memref<1x64xf32, #tpu.memory_space<vmem>>, vector<1x64xf32>
    %mul3A = vector.broadcast %convert_element_type3A_2 : vector<10240x1xf32> to vector<10240x64xf32>
    %mul3A_33 = arith.mulf %add3A_26, %mul3A : vector<10240x64xf32>
    %reduce_sum3A = arith.constant dense<0.000000e+00> : vector<64xf32>
    %reduce_sum3A_34 = vector.multi_reduction <add>, %mul3A_33, %reduce_sum3A [0] : vector<10240x64xf32> to vector<64xf32>
    %broadcast_in_dim3A = vector.shape_cast %reduce_sum3A_34 : vector<64xf32> to vector<1x64xf32>
    %mul3A_35 = arith.constant 9.99999974E-5 : f32
    %mul3A_36 = vector.broadcast %mul3A_35 : f32 to vector<1x64xf32>
    %mul3A_37 = arith.mulf %broadcast_in_dim3A, %mul3A_36 : vector<1x64xf32>
    %sub3A = vector.broadcast %mul3A_37 : vector<1x64xf32> to vector<10240x64xf32>
    %sub3A_38 = arith.subf %add3A_26, %sub3A : vector<10240x64xf32>
    %mul3A_39 = arith.mulf %sub3A_38, %sub3A_38 : vector<10240x64xf32>
    %mul3A_40 = vector.broadcast %convert_element_type3A_2 : vector<10240x1xf32> to vector<10240x64xf32>
    %mul3A_41 = arith.mulf %mul3A_39, %mul3A_40 : vector<10240x64xf32>
    %reduce_sum3A_42 = arith.constant dense<0.000000e+00> : vector<64xf32>
    %reduce_sum3A_43 = vector.multi_reduction <add>, %mul3A_41, %reduce_sum3A_42 [0] : vector<10240x64xf32> to vector<64xf32>
    %broadcast_in_dim3A_44 = vector.shape_cast %reduce_sum3A_43 : vector<64xf32> to vector<1x64xf32>
    %mul3A_45 = arith.constant 9.99999974E-5 : f32
    %mul3A_46 = vector.broadcast %mul3A_45 : f32 to vector<1x64xf32>
    %mul3A_47 = arith.mulf %broadcast_in_dim3A_44, %mul3A_46 : vector<1x64xf32>
    %add3A_48 = arith.constant 9.99999974E-6 : f32
    %add3A_49 = vector.broadcast %add3A_48 : f32 to vector<1x64xf32>
    %add3A_50 = arith.addf %mul3A_47, %add3A_49 : vector<1x64xf32>
    %rsqrt3A = math.rsqrt %add3A_50 : vector<1x64xf32>
    %mul3A_51 = arith.constant 5.000000e-01 : f32
    %mul3A_52 = vector.broadcast %mul3A_51 : f32 to vector<1x64xf32>
    %mul3A_53 = arith.mulf %mul3A_52, %add3A_50 : vector<1x64xf32>
    %mul3A_54 = arith.mulf %mul3A_53, %rsqrt3A : vector<1x64xf32>
    %mul3A_55 = arith.mulf %mul3A_54, %rsqrt3A : vector<1x64xf32>
    %sub3A_56 = arith.constant 1.500000e+00 : f32
    %sub3A_57 = vector.broadcast %sub3A_56 : f32 to vector<1x64xf32>
    %sub3A_58 = arith.subf %sub3A_57, %mul3A_55 : vector<1x64xf32>
    %mul3A_59 = arith.mulf %rsqrt3A, %sub3A_58 : vector<1x64xf32>
    %mul3A_60 = vector.broadcast %get3A_29 : vector<1x64xf32> to vector<10240x64xf32>
    %mul3A_61 = arith.mulf %mul3A_60, %sub3A_38 : vector<10240x64xf32>
    %mul3A_62 = vector.broadcast %mul3A_59 : vector<1x64xf32> to vector<10240x64xf32>
    %mul3A_63 = arith.mulf %mul3A_61, %mul3A_62 : vector<10240x64xf32>
    %add3A_64 = vector.broadcast %get3A_32 : vector<1x64xf32> to vector<10240x64xf32>
    %add3A_65 = arith.addf %mul3A_63, %add3A_64 : vector<10240x64xf32>
    %max3A = arith.constant 0.000000e+00 : f32
    %max3A_66 = vector.broadcast %max3A : f32 to vector<10240x64xf32>
    %max3A_67 = arith.maximumf %add3A_65, %max3A_66 : vector<10240x64xf32>
    %mul3A_68 = vector.broadcast %convert_element_type3A_2 : vector<10240x1xf32> to vector<10240x64xf32>
    %mul3A_69 = arith.mulf %max3A_67, %mul3A_68 : vector<10240x64xf32>
    %convert_element_type3A_70 = arith.truncf %mul3A_69 : vector<10240x64xf32> to vector<10240x64xbf16>
    %get3A_71 = arith.constant 0 : index
    %get3A_72 = arith.constant 0 : index
    %get3A_73 = vector.load %arg6[%get3A_71, %get3A_72] : memref<64x64xf32, #tpu.memory_space<vmem>>, vector<64x64xf32>
    %convert_element_type3A_74 = arith.truncf %get3A_73 : vector<64x64xf32> to vector<64x64xbf16>
    %dot_general3A_75 = arith.constant dense<0.000000e+00> : vector<10240x64xf32>
    %dot_general3A_76 = tpu.matmul %convert_element_type3A_70, %convert_element_type3A_74, %dot_general3A_75 {dimension_numbers = #tpu.dot_dimension_numbers<[1], [0], [0], [1], [0, 0, 1, 1], [], []>, transpose_lhs_hint = false} : vector<10240x64xbf16>, vector<64x64xbf16>, vector<10240x64xf32> -> vector<10240x64xf32>
    %get3A_77 = arith.constant 0 : index
    %get3A_78 = arith.constant 0 : index
    %get3A_79 = vector.load %arg7[%get3A_77, %get3A_78] : memref<1x64xf32, #tpu.memory_space<vmem>>, vector<1x64xf32>
    %add3A_80 = vector.broadcast %get3A_79 : vector<1x64xf32> to vector<10240x64xf32>
    %add3A_81 = arith.addf %dot_general3A_76, %add3A_80 : vector<10240x64xf32>
    %get3A_82 = arith.constant 0 : index
    %get3A_83 = arith.constant 0 : index
    %get3A_84 = vector.load %arg8[%get3A_82, %get3A_83] : memref<1x64xf32, #tpu.memory_space<vmem>>, vector<1x64xf32>
    %get3A_85 = arith.constant 0 : index
    %get3A_86 = arith.constant 0 : index
    %get3A_87 = vector.load %arg9[%get3A_85, %get3A_86] : memref<1x64xf32, #tpu.memory_space<vmem>>, vector<1x64xf32>
    %mul3A_88 = vector.broadcast %convert_element_type3A_2 : vector<10240x1xf32> to vector<10240x64xf32>
    %mul3A_89 = arith.mulf %add3A_81, %mul3A_88 : vector<10240x64xf32>
    %reduce_sum3A_90 = arith.constant dense<0.000000e+00> : vector<64xf32>
    %reduce_sum3A_91 = vector.multi_reduction <add>, %mul3A_89, %reduce_sum3A_90 [0] : vector<10240x64xf32> to vector<64xf32>
    %broadcast_in_dim3A_92 = vector.shape_cast %reduce_sum3A_91 : vector<64xf32> to vector<1x64xf32>
    %mul3A_93 = arith.constant 9.99999974E-5 : f32
    %mul3A_94 = vector.broadcast %mul3A_93 : f32 to vector<1x64xf32>
    %mul3A_95 = arith.mulf %broadcast_in_dim3A_92, %mul3A_94 : vector<1x64xf32>
    %sub3A_96 = vector.broadcast %mul3A_95 : vector<1x64xf32> to vector<10240x64xf32>
    %sub3A_97 = arith.subf %add3A_81, %sub3A_96 : vector<10240x64xf32>
    %mul3A_98 = arith.mulf %sub3A_97, %sub3A_97 : vector<10240x64xf32>
    %mul3A_99 = vector.broadcast %convert_element_type3A_2 : vector<10240x1xf32> to vector<10240x64xf32>
    %mul3A_100 = arith.mulf %mul3A_98, %mul3A_99 : vector<10240x64xf32>
    %reduce_sum3A_101 = arith.constant dense<0.000000e+00> : vector<64xf32>
    %reduce_sum3A_102 = vector.multi_reduction <add>, %mul3A_100, %reduce_sum3A_101 [0] : vector<10240x64xf32> to vector<64xf32>
    %broadcast_in_dim3A_103 = vector.shape_cast %reduce_sum3A_102 : vector<64xf32> to vector<1x64xf32>
    %mul3A_104 = arith.constant 9.99999974E-5 : f32
    %mul3A_105 = vector.broadcast %mul3A_104 : f32 to vector<1x64xf32>
    %mul3A_106 = arith.mulf %broadcast_in_dim3A_103, %mul3A_105 : vector<1x64xf32>
    %add3A_107 = arith.constant 9.99999974E-6 : f32
    %add3A_108 = vector.broadcast %add3A_107 : f32 to vector<1x64xf32>
    %add3A_109 = arith.addf %mul3A_106, %add3A_108 : vector<1x64xf32>
    %rsqrt3A_110 = math.rsqrt %add3A_109 : vector<1x64xf32>
    %mul3A_111 = arith.constant 5.000000e-01 : f32
    %mul3A_112 = vector.broadcast %mul3A_111 : f32 to vector<1x64xf32>
    %mul3A_113 = arith.mulf %mul3A_112, %add3A_109 : vector<1x64xf32>
    %mul3A_114 = arith.mulf %mul3A_113, %rsqrt3A_110 : vector<1x64xf32>
    %mul3A_115 = arith.mulf %mul3A_114, %rsqrt3A_110 : vector<1x64xf32>
    %sub3A_116 = arith.constant 1.500000e+00 : f32
    %sub3A_117 = vector.broadcast %sub3A_116 : f32 to vector<1x64xf32>
    %sub3A_118 = arith.subf %sub3A_117, %mul3A_115 : vector<1x64xf32>
    %mul3A_119 = arith.mulf %rsqrt3A_110, %sub3A_118 : vector<1x64xf32>
    %mul3A_120 = vector.broadcast %get3A_84 : vector<1x64xf32> to vector<10240x64xf32>
    %mul3A_121 = arith.mulf %mul3A_120, %sub3A_97 : vector<10240x64xf32>
    %mul3A_122 = vector.broadcast %mul3A_119 : vector<1x64xf32> to vector<10240x64xf32>
    %mul3A_123 = arith.mulf %mul3A_121, %mul3A_122 : vector<10240x64xf32>
    %add3A_124 = vector.broadcast %get3A_87 : vector<1x64xf32> to vector<10240x64xf32>
    %add3A_125 = arith.addf %mul3A_123, %add3A_124 : vector<10240x64xf32>
    %max3A_126 = arith.constant 0.000000e+00 : f32
    %max3A_127 = vector.broadcast %max3A_126 : f32 to vector<10240x64xf32>
    %max3A_128 = arith.maximumf %add3A_125, %max3A_127 : vector<10240x64xf32>
    %mul3A_129 = vector.broadcast %convert_element_type3A_2 : vector<10240x1xf32> to vector<10240x64xf32>
    %mul3A_130 = arith.mulf %max3A_128, %mul3A_129 : vector<10240x64xf32>
    %get3A_131 = arith.constant 0 : index
    %get3A_132 = vector.load %arg10[%get3A_131] : memref<10240xi32, #tpu.memory_space<vmem>>, vector<10240xi32>
    %iota3A_133 = tpu.iota {dimensions = array<i32: 0>} : vector<128x10240xi32>
    %broadcast_in_dim3A_134 = vector.shape_cast %get3A_132 : vector<10240xi32> to vector<1x10240xi32>
    %eq3A = vector.broadcast %broadcast_in_dim3A_134 : vector<1x10240xi32> to vector<128x10240xi32>
    %eq3A_135 = arith.cmpi eq, %eq3A, %iota3A_133 : vector<128x10240xi32>
    %convert_element_type3A_136 = arith.extui %eq3A_135 : vector<128x10240xi1> to vector<128x10240xi32>
    %convert_element_type3A_137 = arith.sitofp %convert_element_type3A_136 : vector<128x10240xi32> to vector<128x10240xf32>
    %dot_general3A_138 = arith.constant dense<0.000000e+00> : vector<128x64xf32>
    %dot_general3A_139 = tpu.matmul %convert_element_type3A_137, %mul3A_130, %dot_general3A_138 {dimension_numbers = #tpu.dot_dimension_numbers<[1], [0], [0], [1], [0, 0, 1, 1], [], []>, precision = #tpu.contract_precision<fp32>, transpose_lhs_hint = false} : vector<128x10240xf32>, vector<10240x64xf32>, vector<128x64xf32> -> vector<128x64xf32>
    %swap3A = arith.constant 0 : index
    %swap3A_140 = arith.constant 0 : index
    %swap3A_141 = vector.load %arg11[%swap3A, %swap3A_140] : memref<10240x64xf32, #tpu.memory_space<vmem>>, vector<10240x64xf32>
    tpu.vector_store %arg11[%swap3A, %swap3A_140], %mul3A_130 {strides = array<i32>} : memref<10240x64xf32, #tpu.memory_space<vmem>>, vector<10240x64xf32>,
    %swap3A_142 = arith.constant 0 : index
    %swap3A_143 = arith.constant 0 : index
    %swap3A_144 = vector.load %arg12[%swap3A_142, %swap3A_143] : memref<128x64xf32, #tpu.memory_space<vmem>>, vector<128x64xf32>
    tpu.vector_store %arg12[%swap3A_142, %swap3A_143], %dot_general3A_139 {strides = array<i32>} : memref<128x64xf32, #tpu.memory_space<vmem>>, vector<128x64xf32>,
    return
  }
}

module attributes {stable_mosaic.version = 14 : i64} {
  func.func @_tc_head_body(%arg0: memref<128x128xf32, #tpu.memory_space<vmem>>, %arg1: memref<128x64xf32, #tpu.memory_space<vmem>>, %arg2: memref<128x64xf32, #tpu.memory_space<vmem>>, %arg3: memref<128x64xf32, #tpu.memory_space<vmem>>, %arg4: memref<320x64xf32, #tpu.memory_space<vmem>>, %arg5: memref<1x64xf32, #tpu.memory_space<vmem>>, %arg6: memref<64x1xf32, #tpu.memory_space<vmem>>, %arg7: memref<1x1xf32, #tpu.memory_space<vmem>>, %arg8: memref<128x1xf32, #tpu.memory_space<vmem>>) attributes {dimension_semantics = [], scalar_prefetch = 0 : i64, scratch_operands = 0 : i64, tpu.core_type = #tpu.core_type<tc>} {
    %get3A = arith.constant 0 : index
    %get3A_0 = arith.constant 0 : index
    %get3A_1 = vector.load %arg0[%get3A, %get3A_0] : memref<128x128xf32, #tpu.memory_space<vmem>>, vector<128x128xf32>
    %get3A_2 = arith.constant 0 : index
    %get3A_3 = arith.constant 0 : index
    %get3A_4 = vector.load %arg1[%get3A_2, %get3A_3] : memref<128x64xf32, #tpu.memory_space<vmem>>, vector<128x64xf32>
    %get3A_5 = arith.constant 0 : index
    %get3A_6 = arith.constant 0 : index
    %get3A_7 = vector.load %arg2[%get3A_5, %get3A_6] : memref<128x64xf32, #tpu.memory_space<vmem>>, vector<128x64xf32>
    %get3A_8 = arith.constant 0 : index
    %get3A_9 = arith.constant 0 : index
    %get3A_10 = vector.load %arg3[%get3A_8, %get3A_9] : memref<128x64xf32, #tpu.memory_space<vmem>>, vector<128x64xf32>
    %concatenate3A = tpu.concatenate %get3A_1, %get3A_4, %get3A_7, %get3A_10 in 1 : vector<128x128xf32>, vector<128x64xf32>, vector<128x64xf32>, vector<128x64xf32> -> vector<128x320xf32>
    %convert_element_type3A = arith.truncf %concatenate3A : vector<128x320xf32> to vector<128x320xbf16>
    %get3A_11 = arith.constant 0 : index
    %get3A_12 = arith.constant 0 : index
    %get3A_13 = vector.load %arg4[%get3A_11, %get3A_12] : memref<320x64xf32, #tpu.memory_space<vmem>>, vector<320x64xf32>
    %convert_element_type3A_14 = arith.truncf %get3A_13 : vector<320x64xf32> to vector<320x64xbf16>
    %dot_general3A = arith.constant dense<0.000000e+00> : vector<128x64xf32>
    %dot_general3A_15 = tpu.matmul %convert_element_type3A, %convert_element_type3A_14, %dot_general3A {dimension_numbers = #tpu.dot_dimension_numbers<[1], [0], [0], [1], [0, 0, 1, 1], [], []>, transpose_lhs_hint = false} : vector<128x320xbf16>, vector<320x64xbf16>, vector<128x64xf32> -> vector<128x64xf32>
    %get3A_16 = arith.constant 0 : index
    %get3A_17 = arith.constant 0 : index
    %get3A_18 = vector.load %arg5[%get3A_16, %get3A_17] : memref<1x64xf32, #tpu.memory_space<vmem>>, vector<1x64xf32>
    %add3A = vector.broadcast %get3A_18 : vector<1x64xf32> to vector<128x64xf32>
    %add3A_19 = arith.addf %dot_general3A_15, %add3A : vector<128x64xf32>
    %max3A = arith.constant 0.000000e+00 : f32
    %max3A_20 = vector.broadcast %max3A : f32 to vector<128x64xf32>
    %max3A_21 = arith.maximumf %add3A_19, %max3A_20 : vector<128x64xf32>
    %convert_element_type3A_22 = arith.truncf %max3A_21 : vector<128x64xf32> to vector<128x64xbf16>
    %get3A_23 = arith.constant 0 : index
    %get3A_24 = arith.constant 0 : index
    %get3A_25 = vector.load %arg6[%get3A_23, %get3A_24] : memref<64x1xf32, #tpu.memory_space<vmem>>, vector<64x1xf32>
    %convert_element_type3A_26 = arith.truncf %get3A_25 : vector<64x1xf32> to vector<64x1xbf16>
    %dot_general3A_27 = arith.constant dense<0.000000e+00> : vector<128x1xf32>
    %dot_general3A_28 = tpu.matmul %convert_element_type3A_22, %convert_element_type3A_26, %dot_general3A_27 {dimension_numbers = #tpu.dot_dimension_numbers<[1], [0], [0], [1], [0, 0, 1, 1], [], []>, transpose_lhs_hint = false} : vector<128x64xbf16>, vector<64x1xbf16>, vector<128x1xf32> -> vector<128x1xf32>
    %get3A_29 = arith.constant 0 : index
    %get3A_30 = arith.constant 0 : index
    %get3A_31 = vector.load %arg7[%get3A_29, %get3A_30] : memref<1x1xf32, #tpu.memory_space<vmem>>, vector<1x1xf32>
    %add3A_32 = vector.broadcast %get3A_31 : vector<1x1xf32> to vector<128x1xf32>
    %add3A_33 = arith.addf %dot_general3A_28, %add3A_32 : vector<128x1xf32>
    %swap3A = arith.constant 0 : index
    %swap3A_34 = arith.constant 0 : index
    %swap3A_35 = vector.load %arg8[%swap3A, %swap3A_34] : memref<128x1xf32, #tpu.memory_space<vmem>>, vector<128x1xf32>
    tpu.vector_store %arg8[%swap3A, %swap3A_34], %add3A_33 {strides = array<i32>} : memref<128x1xf32, #tpu.memory_space<vmem>>, vector<128x1xf32>,
    return
  }
}

</mosaic_0001>

<sc_bundles>
// kernel: closed_call.12.cloned.1.call-start
scs
__scs_entry_jumppad:
0x0: {  	(pc) =	sbr.rel $0x88, $3  }
0x1: {  	(tag) =	ssettag $0x0;
	lr =	simm.s32 $0x1  }
0x2: {  	[smem:$0x3F82] =	sst lr;
	_ =	strace $0xD0000000  }
0x3: {  	_ = 	snop  }
0x4: {  	_ = 	snop  }
0x5: {  	_ = 	snop  }
0x6: {  	_ = 	snop  }
0x7: {  	_ = 	snop  }
__scs_overlays_trampoline_lowered:
0x8: {  	[smem:$0x3F91] =	sst s0  }
0x9: {  	[smem:$0x3F92] =	sst s1  }
0xa: {  	[smem:$0x3F93] =	sst s2  }
0xb: {  	[smem:$0x3F94] =	sst s3  }
0xc: {  	[smem:$0x3F95] =	sst s4  }
0xd: {  	[smem:$0x3F96] =	sst s5  }
0xe: {  	[smem:$0x3F97] =	sst s6  }
0xf: {  	[smem:$0x3F98] =	sst s7  }
0x10: {  	[smem:$0x3F99] =	sst s8  }
0x11: {  	[smem:$0x3F9A] =	sst s9;
	s0 =	simm.s32 @!p0 $0x0  }
0x12: {  	s1 =	sld [smem:$0x3F80];
	s0 =	simm.s32 @p0 $0x1  }
0x13: {  	[smem:$0x3F9B] =	sst s0;
	s0 =	simm.s32 @!p1 $0x0  }
0x14: {  	s2 =	sld [smem:$0x3F7F];
	s0 =	simm.s32 @p1 $0x1  }
0x15: {  	[smem:$0x3F9C] =	sst s0;
	s0 =	simm.s32 @!p2 $0x0  }
0x16: {  	s3 =	sld [smem:$0x3FDB];
	s0 =	simm.s32 @p2 $0x1  }
0x17: {  	s4 =	simm.s32 $0x1BF5;
	[smem:$0x3F9E] =	sst s0  }
0x18: {  	s0 =	sld [smem:$0x3F81];
	_ =	swait.ge [sflag:s4], $0x0  }
0x19: {  	s7 =	sld [smem:$0x3F82]  }
0x1a: {  	s8 =	sadd.s32 $0xFFFFE003, lr  }
0x1b: {  	s9 =	sadd.s32 $0xFFFFFEF7, lr;
	s5 =	simm.s32 $0xFFFFFFFF;
	p2 =	slt.u32 s8, $0xFFFFF086  }
0x1c: {  	p1 =	slt.u32 s9, $0xF7A;
	s5 =	simm.s32 @!p2 $0x0  }
0x1d: {  	s5 =	simm.s32 @p1 $0x1;
	p0 =	seq.s32 s7, s2  }
0x1e: {  	s7 =	smul.u32 @!p0 $0xF7A, s2;
	p2 =	seq.s32 @!p0 s5, $0x0  }
0x1f: {  	s9 =	smul.u32 $0xF7A, s1;
	s8 =	simm.s32 @!p0 $0x1BF5;
	p2 =	por !p2, p0  }
0x20: {  	[sflag:s8] =	ssyncset.s32 @!p0 $0xFFFFF086;
	s6 =	sadd.s32 @!p0 s3, s7;
	s7 =	simm.s32 @!p0 $0x108  }
0x21: {  	s3 =	sadd.s32 s3, s9;
	s6 =	sadd.s32 @!p0 $0x88, s6;
	s7 =	simm.s32 @p2 $0x1082  }
0x22: {  	[simem:s7], [sflag:s8] =	dma.local @!p0 [hbm:s6], $0xF7A  }
0x23: {  	s9 =	sor.u32 $0xD0000000, s2;
	s6 =	simm.s32 $0x108;
	_ =	swait.ge @!p0 [sflag:s8], $0x0  }
0x24: {  	s3 =	sadd.s32 $0x88, s3;
	s6 =	simm.s32 @!p1 $0x1082;
	[sflag:s4] =	ssyncset.s32 $0xFFFFF086  }
0x25: {  	[simem:s6], [sflag:s4] =	dma.local [hbm:s3], $0xF7A  }
0x26: {  	[smem:$0x3F82] =	sst s1;
	(tag) =	ssettag s2;
	_ =	strace s9  }
0x27: {  	s1 =	sld [smem:$0x3F92]  }
0x28: {  	s2 =	sld [smem:$0x3F93]  }
0x29: {  	s4 =	sld [smem:$0x3F95]  }
0x2a: {  	p0 =	seq.s32 s5, $0x0;
	s5 =	sld [smem:$0x3F96]  }
0x2b: {  	s6 =	sld [smem:$0x3F97]  }
0x2c: {  	s7 =	sld [smem:$0x3F98]  }
0x2d: {  	s3 =	simm.s32 $0x108;
	s8 =	sld [smem:$0x3F99]  }
0x2e: {  	s3 =	simm.s32 @!p0 $0x1082;
	s9 =	sld [smem:$0x3F9A]  }
0x2f: {  	lr =	sadd.s32 s0, s3;
	s0 =	sld [smem:$0x3F91]  }
0x30: {  	s3 =	sld [smem:$0x3F94]  }
0x31: {  	[smem:$0x3F9D] =	sst s10  }
0x32: {  	s10 =	sld [smem:$0x3F9B];
	_ =	sdelay $0x3  }
0x33: {  	p0 =	seq.s32 s10, $0x1;
	s10 =	sld [smem:$0x3F9D];
	_ =	sdelay $0x3  }
0x34: {  	[smem:$0x3F9D] =	sst s10  }
0x35: {  	s10 =	sld [smem:$0x3F9C];
	_ =	sdelay $0x3  }
0x36: {  	p1 =	seq.s32 s10, $0x1;
	s10 =	sld [smem:$0x3F9D];
	_ =	sdelay $0x3  }
0x37: {  	[smem:$0x3F9D] =	sst s10  }
0x38: {  	s10 =	sld [smem:$0x3F9E]  }
0x39: {  	_ = 	snop;
	(pc) =	sbr.ind lr, $3  }
0x3a: {  	_ = 	snop  }
0x3b: {  	_ = 	snop  }
0x3c: {  	p2 =	seq.s32 s10, $0x1;
	s10 =	sld [smem:$0x3F9D]  }
0x3d: {  	_ =	shalt  }
0x3e: {  	_ =	shalt  }
0x3f: {  	_ =	shalt  }
0x40: {  	_ =	shalt  }
0x41: {  	_ =	shalt  }
0x42: {  	_ =	shalt  }
0x43: {  	_ =	shalt  }
0x44: {  	_ =	shalt  }
0x45: {  	_ =	shalt  }
0x46: {  	_ =	shalt  }
0x47: {  	_ =	shalt  }
0x48: {  	_ =	shalt  }
0x49: {  	_ =	shalt  }
0x4a: {  	_ =	shalt  }
0x4b: {  	_ =	shalt  }
0x4c: {  	_ =	shalt  }
0x4d: {  	_ =	shalt  }
0x4e: {  	_ =	shalt  }
0x4f: {  	_ =	shalt  }
0x50: {  	_ =	shalt  }
0x51: {  	_ =	shalt  }
0x52: {  	_ =	shalt  }
0x53: {  	_ =	shalt  }
0x54: {  	_ =	shalt  }
0x55: {  	_ =	shalt  }
0x56: {  	_ =	shalt  }
0x57: {  	_ =	shalt  }
0x58: {  	_ =	shalt  }
0x59: {  	_ =	shalt  }
0x5a: {  	_ =	shalt  }
0x5b: {  	_ =	shalt  }
0x5c: {  	_ =	shalt  }
0x5d: {  	_ =	shalt  }
0x5e: {  	_ =	shalt  }
0x5f: {  	_ =	shalt  }
0x60: {  	_ =	shalt  }
0x61: {  	_ =	shalt  }
0x62: {  	_ =	shalt  }
0x63: {  	_ =	shalt  }
0x64: {  	_ =	shalt  }
0x65: {  	_ =	shalt  }
0x66: {  	_ =	shalt  }
0x67: {  	_ =	shalt  }
0x68: {  	_ =	shalt  }
0x69: {  	_ =	shalt  }
0x6a: {  	_ =	shalt  }
0x6b: {  	_ =	shalt  }
0x6c: {  	_ =	shalt  }
0x6d: {  	_ =	shalt  }
0x6e: {  	_ =	shalt  }
0x6f: {  	_ =	shalt  }
0x70: {  	_ =	shalt  }
0x71: {  	_ =	shalt  }
0x72: {  	_ =	shalt  }
0x73: {  	_ =	shalt  }
0x74: {  	_ =	shalt  }
0x75: {  	_ =	shalt  }
0x76: {  	_ =	shalt  }
0x77: {  	_ =	shalt  }
0x78: {  	_ =	shalt  }
0x79: {  	_ =	shalt  }
0x7a: {  	_ =	shalt  }
0x7b: {  	_ =	shalt  }
0x7c: {  	_ =	shalt  }
0x7d: {  	_ =	shalt  }
0x7e: {  	_ =	shalt  }
0x7f: {  	_ =	shalt  }
0x80: {  	_ =	shalt  }
0x81: {  	_ =	shalt  }
0x82: {  	_ =	shalt  }
0x83: {  	_ =	shalt  }
0x84: {  	_ =	shalt  }
0x85: {  	_ =	shalt  }
0x86: {  	_ =	shalt  }
0x87: {  	_ =	shalt  }
.Lfunc_end0:
.L_simem_size_0:
called_computation_lowered:
.L_overlay_start_0:
0x88: {  	s2 =	sld [smem:$0x3FD9]  }
0x89: {  	s3 =	sld [smem:$0x3FFE];
	_ =	sdelay $0x1  }
0x8a: {  	s1 =	srdreg.scid  }
0x8b: {  	s0 =	sand.u32 $0x1, s1  }
0x8c: {  	s16 =	sshll.u32 s0, $0xA;
	s2 =	sadd.s32 s3, s2  }
0x8d: {  	s2 =	sadd.s32 s2, s16  }
0x8e: {  	[smem:$0x3FA9] =	sst s2  }
0x8f: {  	_ = 	snop  }
0x90: {  	(tm) =	ssettm $0x1  }
0x91: {  	s17 =	sld [smem:$0x3FFB];
	_ =	sdelay $0x3  }
0x92: {  	_ =	strace s17  }
0x93: {  	s2 =	sld [smem:$0x3FFC];
	_ =	sdelay $0x3  }
0x94: {  	_ =	strace s2  }
0x95: {  	s2 =	sld [smem:$0x3FFD];
	_ =	sdelay $0x3  }
0x96: {  	_ =	strace s2  }
0x97: {  	_ =	strace $0x8FFFFFFF  }
0x98: {  	s18 =	sld [smem:$0x3FDB];
	_ =	sdelay $0x1  }
0x99: {  	s19 =	simm.s32 $_scs_section_size  }
0x9a: {  	s4 =	simm.s32 $_size__tile_overlayer_lowered;
	s5 =	simm.s32 $_tile_overlayer_lowered  }
0x9b: {  	s22 =	simm.s32 $0x1BFF;
	s21 =	sshll.u32 s5, $0x1;
	s2 =	sadd.s32 s19, s18  }
0x9c: {  	s6 =	simm.s32 $0x0;
	s20 =	sshll.u32 s4, $0x1;
	s4 =	sadd.s32 s21, s2  }
0x9d: {  	[timem:s6], [sflag:s22] =	dma.local [hbm:s4], s20  }
0x9e: {  	_ =	swait.ge [sflag:s22], s20  }
0x9f: {  	s3 =	ssub.s32 $0x0, s20;
	[sflag:s22] =	ssyncset.done $0x0  }
0xa0: {  	[sflag:s22] =	ssyncadd.s32 s3;
	_ =	sdelay $0x1  }
0xa1: {  	s23 =	simm.s32 $0x1B8B  }
0xa2: {  	_ =	swait.ge [sflag:s23], $0x1  }
0xa3: {  	[sflag:s23] =	ssyncset.done $0x0  }
0xa4: {  	s25 =	simm.s32 $0x1B8E;
	s24 =	sld [smem:$0x3FFE];
	[sflag:s23] =	ssyncadd.s32 $0xFFFFFFFF  }
0xa5: {  	s26 =	simm.s32 $execute0_lowered;
	[smem:$0x3FD2] =	sst s25  }
0xa6: {  	s4 =	sshll.u32 s26, $0x1;
	_ =	strace $0x80000049;
	[dreg:$0x1] =	wrdreg $0xFFFFFFFF  }
0xa7: {  	s28 =	simm.s32 $_size_execute0_lowered;
	s2 =	sadd.s32 s2, s4;
	[dreg:$0x0] =	wrdreg $0x0  }
0xa8: {  	s4 =	sshll.u32 s28, $0x1;
	[dreg:$0x2] =	wrdreg s2  }
0xa9: {  	[dreg:$0x3] =	wrdreg s4  }
0xaa: {  	[dreg:$0x4] =	wrdreg $0xC0  }
0xab: {  	_ =	task [dreg:s6], $0x5FFFF  }
0xac: {  	[dreg:$0x1] =	wrdreg $0xFFFFFFFF  }
0xad: {  	[dreg:$0x0] =	wrdreg $0x60  }
0xae: {  	[dreg:$0x2] =	wrdreg s24  }
0xaf: {  	[dreg:$0x3] =	wrdreg $0xE0000  }
0xb0: {  	[dreg:$0x4] =	wrdreg $0x9  }
0xb1: {  	_ =	task.clear_ibuf [dreg:s6], $0x5FFFF;
	_ =	strace $0x90000049  }
0xb2: {  	s29 =	simm.s32 $0x9;
	_ =	strace $0x8000004B  }
0xb3: {  	_ =	swait.ge [sflag:s29], $0x1  }
0xb4: {  	[sflag:s29] =	ssyncadd.s32 $0xFFFFFFFF  }
0xb5: {  	_ =	strace $0x9000004B  }
0xb6: {  	_ =	sfence  }
0xb7: {  	s30 =	sld [smem:$0x0];
	_ =	sdelay $0x2  }
0xb8: {  	s31 =	sshll.u32 s1, $0xD;
	s1 =	sshrl.u32 s1, $0x2  }
0xb9: {  	s3 =	sand.u32 $0x4000, s31;
	s1 =	sadd.s32 s1, s30  }
0xba: {  	s0 =	sor.u32 s3, s0;
	s1 =	sshll.u32 s1, $0x11  }
0xbb: {  	s0 =	sor.u32 s1, s0  }
0xbc: {  	s0 =	sadd.s32 $0x8F2B, s0  }
0xbd: {  	[sflag:s0] =	ssyncadd.remote.s32 $0x1  }
0xbe: {  	_ =	sfence.sel $0xFFFF  }
0xbf: {  	[dreg:$0x0] =	wrdreg $0xFFFFFFFF;
	(pc) =	sbr.abs _section_cstart, $3  }
0xc0: {  	[dreg:$0x1] =	wrdreg $0xFFFFFFFF  }
0xc1: {  	_ =	task.clear_ibuf [dreg:s6], $0x2FFFF;
	_ =	strace $0x9FFFFFFF  }
0xc2: {  	(tm) =	ssettm $0x7FFFFFFF  }
0xc3: {  	_ =	shalt  }
tec
execute0_lowered:
.L_overlay_start_1:
0x0: {  	(tag) =	ssettag $0x1  }
0x1: {  	s1 =	rddreg [dreg:$0x0]  }
0x2: {  	s0 =	srdreg.scid;
	s2 =	rddreg [dreg:$0x1]  }
0x3: {  	s9 =	stileid.u32;
	s3 =	simm.s32 $0x0;
	s18 =	simm.s32 $0x5  }
0x4: {  	s20 =	simm.s32 $0xD000;
	s21 =	simm.s32 $0x80;
	s22 =	simm.s32 $0x5000  }
0x5: {  	s24 =	simm.s32 $0x7000;
	s28 =	simm.s32 $0x9000;
	s30 =	simm.s32 $0xB000  }
0x6: {  	s31 =	simm.s32 $0x1;
	s0 =	sand.u32 $0x1, s0;
	[smem:$0x7FF] =	sst s3  }
0x7: {  	s7 =	smul.u32 $0x28000, s9;
	s4 =	sshll.u32 s0, $0x4;
	_ =	strace $0x8000004A  }
0x8: {  	s6 =	smul.u32 $0x14000, s0;
	s0 =	ssub.s32 $0x2, s0;
	s4 =	sor.u32 s9, s4  }
0x9: {  	s26 =	sshrl.u32 s0, $0x1;
	s7 =	sshrl.u32 s7, $0x2;
	s9 =	smul.u32 $0xA000, s9  }
0xa: {  	s5 =	smul.u32 $0x500, s4;
	s4 =	sadd.s32 $0x19E00, s1;
	s0 =	ssub.s32 s0, s26  }
0xb: {  	s7 =	sadd.s32 s7, s2;
	s19 =	sshrl.u32 s9, $0x3;
	s25 =	sadd.s32 s9, s2  }
0xc: {  	s9 =	sadd.s32 $0x1000, s7;
	s10 =	sadd.s32 $0x2000, s7;
	s11 =	sadd.s32 $0x3000, s7  }
0xd: {  	s12 =	sadd.s32 $0x4000, s7;
	s13 =	sadd.s32 $0x5000, s7;
	s14 =	sadd.s32 $0x6000, s7  }
0xe: {  	s15 =	sadd.s32 $0x7000, s7;
	s16 =	sadd.s32 $0x8000, s7;
	s17 =	sadd.s32 $0x9000, s7  }
0xf: {  	s8 =	sadd.s32 s5, s1;
	s1 =	sadd.s32 s6, s1;
	s25 =	sshrl.u32 s25, $0x3  }
0x10: {  	s29 =	sadd.s32 $0x5E00, s8;
	s6 =	sadd.s32 $0xFE00, s8;
	s1 =	sadd.s32 $0x2DE00, s1  }
0x11: {  	s8 =	smax.u32 s0, $0x1;
	s0 =	simm.s32 $0x2;
	[dreg:$0x3] =	wrdreg s29  }
0x12: {  	v0 =	vimm.f32 $0.0e+00;
	s23 =	sadd.s32 s19, s1;
	s1 =	simm.s32 $0x3;
	s19 =	simm.s32 $0x4  }
.LBB2_1:
0x13: {  	s29 =	simm.s32 $0x100;
	s26 =	simm.s32 $0x0  }
.LBB2_2:
0x14: {  	p0 =	sne.s32 s29, $0x3F00;
	[tilespmem:s26+$0xD030] =	vst v0;
	s5 =	smov.u32 s29;
	s29 =	sadd.s32 $0x100, s29  }
.Ltmp0:
0x15: {  	[tilespmem:s26+$0xD020] =	vst v0;
	(pc) =	sbr.rel @p0 .LBB2_2-.Ltmp0, $3  }
0x16: {  	[tilespmem:s26+$0xD000] =	vst v0  }
0x17: {  	[tilespmem:s26+$0xD010] =	vst v0;
	_ =	sdelay $0x1  }
0x18: {  	s26 =	sshra.s32 s5, $0x2  }
0x19: {  	[tilespmem:s26+$0xD030] =	vst v0  }
0x1a: {  	[tilespmem:s26+$0xD020] =	vst v0  }
0x1b: {  	[tilespmem:s26+$0xD000] =	vst v0  }
0x1c: {  	[tilespmem:s26+$0xD010] =	vst v0;
	s5 =	simm.s32 $0x0;
	s26 =	rddreg [dreg:$0x3]  }
0x1d: {  	[tilespmem:s5], [sflag:$0x5] =	stream.linear.gather [hbm4b:s26+s5], $0x2800, $0x38;
	[tilespmem:$0x18000] =	vst v63  }
0x1e: {  	_ =	swait.ge [sflag:s18], $0x2800  }
0x1f: {  	[sflag:s18] =	ssyncset.done $0x0  }
0x20: {  	s26 =	simm.s32 $0x2800;
	[sflag:s18] =	ssyncadd.s32 $0xFFFFD800  }
0x21: {  	[tilespmem:s26], [sflag:$0x5] =	stream.linear.gather [hbm4b:s6+s5], $0x2800, $0x38;
	[tilespmem:$0x18000] =	vst v63  }
0x22: {  	_ =	swait.ge [sflag:s18], $0x2800  }
0x23: {  	[sflag:s18] =	ssyncset.done $0x0  }
0x24: {  	[sflag:s18] =	ssyncadd.s32 $0xFFFFD800  }
0x25: {  	[spmem:s7] =	stream.linear.scatter [tilespmem:s20], [sflag:$0x5], $0x1000, $0x38;
	[tilespmem:$0x18000] =	vst v63  }
0x26: {  	_ =	swait.ge [sflag:s18], $0x1000  }
0x27: {  	[sflag:s18] =	ssyncset.done $0x0  }
0x28: {  	[sflag:s18] =	ssyncadd.s32 $0xFFFFF000  }
0x29: {  	[spmem:s9] =	stream.linear.scatter [tilespmem:s20], [sflag:$0x5], $0x1000, $0x38;
	[tilespmem:$0x18000] =	vst v63  }
0x2a: {  	_ =	swait.ge [sflag:s18], $0x1000  }
0x2b: {  	[sflag:s18] =	ssyncset.done $0x0  }
0x2c: {  	[sflag:s18] =	ssyncadd.s32 $0xFFFFF000  }
0x2d: {  	[spmem:s10] =	stream.linear.scatter [tilespmem:s20], [sflag:$0x5], $0x1000, $0x38;
	[tilespmem:$0x18000] =	vst v63  }
0x2e: {  	_ =	swait.ge [sflag:s18], $0x1000  }
0x2f: {  	[sflag:s18] =	ssyncset.done $0x0  }
0x30: {  	[sflag:s18] =	ssyncadd.s32 $0xFFFFF000  }
0x31: {  	[spmem:s11] =	stream.linear.scatter [tilespmem:s20], [sflag:$0x5], $0x1000, $0x38;
	[tilespmem:$0x18000] =	vst v63  }
0x32: {  	_ =	swait.ge [sflag:s18], $0x1000  }
0x33: {  	[sflag:s18] =	ssyncset.done $0x0  }
0x34: {  	[sflag:s18] =	ssyncadd.s32 $0xFFFFF000  }
0x35: {  	[spmem:s12] =	stream.linear.scatter [tilespmem:s20], [sflag:$0x5], $0x1000, $0x38;
	[tilespmem:$0x18000] =	vst v63  }
0x36: {  	_ =	swait.ge [sflag:s18], $0x1000  }
0x37: {  	[sflag:s18] =	ssyncset.done $0x0  }
0x38: {  	[sflag:s18] =	ssyncadd.s32 $0xFFFFF000  }
0x39: {  	[spmem:s13] =	stream.linear.scatter [tilespmem:s20], [sflag:$0x5], $0x1000, $0x38;
	[tilespmem:$0x18000] =	vst v63  }
0x3a: {  	_ =	swait.ge [sflag:s18], $0x1000  }
0x3b: {  	[sflag:s18] =	ssyncset.done $0x0  }
0x3c: {  	[sflag:s18] =	ssyncadd.s32 $0xFFFFF000  }
0x3d: {  	[spmem:s14] =	stream.linear.scatter [tilespmem:s20], [sflag:$0x5], $0x1000, $0x38;
	[tilespmem:$0x18000] =	vst v63  }
0x3e: {  	_ =	swait.ge [sflag:s18], $0x1000  }
0x3f: {  	[sflag:s18] =	ssyncset.done $0x0  }
0x40: {  	[sflag:s18] =	ssyncadd.s32 $0xFFFFF000  }
0x41: {  	[spmem:s15] =	stream.linear.scatter [tilespmem:s20], [sflag:$0x5], $0x1000, $0x38;
	[tilespmem:$0x18000] =	vst v63  }
0x42: {  	_ =	swait.ge [sflag:s18], $0x1000  }
0x43: {  	[sflag:s18] =	ssyncset.done $0x0  }
0x44: {  	[sflag:s18] =	ssyncadd.s32 $0xFFFFF000  }
0x45: {  	[spmem:s16] =	stream.linear.scatter [tilespmem:s20], [sflag:$0x5], $0x1000, $0x38;
	[tilespmem:$0x18000] =	vst v63  }
0x46: {  	_ =	swait.ge [sflag:s18], $0x1000  }
0x47: {  	[sflag:s18] =	ssyncset.done $0x0  }
0x48: {  	[sflag:s18] =	ssyncadd.s32 $0xFFFFF000  }
0x49: {  	[spmem:s17] =	stream.linear.scatter [tilespmem:s20], [sflag:$0x5], $0x1000, $0x38;
	[tilespmem:$0x18000] =	vst v63  }
0x4a: {  	_ =	swait.ge [sflag:s18], $0x1000  }
0x4b: {  	[sflag:s18] =	ssyncset.done $0x0  }
0x4c: {  	[sflag:s18] =	ssyncadd.s32 $0xFFFFF000  }
0x4d: {  	[bflag:$0x0] =	sbarrier.arrive $0xFFFF  }
0x4e: {  	[tilespmem:s22], [sflag:$0x1] =	stream.indirect.gather [hbm4b:s4+s21], $0x40, s5, s21, $0xb8;
	[tilespmem:$0x18000] =	vst v63  }
0x4f: {  	_ = 	snop  }
0x50: {  	[tilespmem:s24], [sflag:$0x2] =	stream.indirect.gather [hbm4b:s4+s21], $0x40, s21, s21, $0xb8;
	[tilespmem:$0x18000] =	vst v63  }
0x51: {  	s26 =	simm.s32 $0x100  }
0x52: {  	[tilespmem:s28], [sflag:$0x3] =	stream.indirect.gather [hbm4b:s4+s21], $0x40, s26, s21, $0xb8;
	[tilespmem:$0x18000] =	vst v63  }
0x53: {  	s26 =	simm.s32 $0x180  }
0x54: {  	[tilespmem:s30], [sflag:$0x4] =	stream.indirect.gather [hbm4b:s4+s21], $0x40, s26, s21, $0xb8;
	[tilespmem:$0x18000] =	vst v63  }
0x55: {  	_ =	swait.ge [sflag:s31], $0x2000  }
0x56: {  	[sflag:s31] =	ssyncset.done $0x0  }
0x57: {  	s26 =	simm.s32 $0x2800;
	[sflag:s31] =	ssyncadd.s32 $0xFFFFE000  }
0x58: {  	[spmem:s2] =	stream.indirect.scatter.add.f32 [tilespmem:s22], [sflag:$0x5], $0x40, s26, s21, $0xb8;
	[tilespmem:$0x18000] =	vst v63  }
0x59: {  	_ =	swait.ge [sflag:s18], $0x2000  }
0x5a: {  	[sflag:s18] =	ssyncset.done $0x0  }
0x5b: {  	s26 =	simm.s32 $0x200;
	[sflag:s18] =	ssyncadd.s32 $0xFFFFE000  }
0x5c: {  	[tilespmem:s22], [sflag:$0x1] =	stream.indirect.gather [hbm4b:s4+s21], $0x40, s26, s21, $0xb8;
	[tilespmem:$0x18000] =	vst v63  }
0x5d: {  	_ =	swait.ge [sflag:s0], $0x2000  }
0x5e: {  	[sflag:s0] =	ssyncset.done $0x0  }
0x5f: {  	s26 =	simm.s32 $0x2880;
	[sflag:s0] =	ssyncadd.s32 $0xFFFFE000  }
0x60: {  	[spmem:s2] =	stream.indirect.scatter.add.f32 [tilespmem:s24], [sflag:$0x5], $0x40, s26, s21, $0xb8;
	[tilespmem:$0x18000] =	vst v63  }
0x61: {  	_ =	swait.ge [sflag:s18], $0x2000  }
0x62: {  	[sflag:s18] =	ssyncset.done $0x0  }
0x63: {  	s26 =	simm.s32 $0x280;
	[sflag:s18] =	ssyncadd.s32 $0xFFFFE000  }
0x64: {  	[tilespmem:s24], [sflag:$0x2] =	stream.indirect.gather [hbm4b:s4+s21], $0x40, s26, s21, $0xb8;
	[tilespmem:$0x18000] =	vst v63  }
0x65: {  	_ =	swait.ge [sflag:s1], $0x2000  }
0x66: {  	[sflag:s1] =	ssyncset.done $0x0  }
0x67: {  	s26 =	simm.s32 $0x2900;
	[sflag:s1] =	ssyncadd.s32 $0xFFFFE000  }
0x68: {  	[spmem:s2] =	stream.indirect.scatter.add.f32 [tilespmem:s28], [sflag:$0x5], $0x40, s26, s21, $0xb8;
	[tilespmem:$0x18000] =	vst v63  }
0x69: {  	_ =	swait.ge [sflag:s18], $0x2000  }
0x6a: {  	[sflag:s18] =	ssyncset.done $0x0  }
0x6b: {  	s26 =	simm.s32 $0x300;
	[sflag:s18] =	ssyncadd.s32 $0xFFFFE000  }
0x6c: {  	[tilespmem:s28], [sflag:$0x3] =	stream.indirect.gather [hbm4b:s4+s21], $0x40, s26, s21, $0xb8;
	[tilespmem:$0x18000] =	vst v63  }
0x6d: {  	_ =	swait.ge [sflag:s19], $0x2000  }
0x6e: {  	[sflag:s19] =	ssyncset.done $0x0  }
0x6f: {  	s26 =	simm.s32 $0x2980;
	[sflag:s19] =	ssyncadd.s32 $0xFFFFE000  }
0x70: {  	[spmem:s2] =	stream.indirect.scatter.add.f32 [tilespmem:s30], [sflag:$0x5], $0x40, s26, s21, $0xb8;
	[tilespmem:$0x18000] =	vst v63  }
0x71: {  	_ =	swait.ge [sflag:s18], $0x2000  }
0x72: {  	[sflag:s18] =	ssyncset.done $0x0  }
0x73: {  	s29 =	simm.s32 $0x380;
	s26 =	simm.s32 $0x800;
	[sflag:s18] =	ssyncadd.s32 $0xFFFFE000  }
.LBB2_4:
0x74: {  	[tilespmem:s30], [sflag:$0x4] =	stream.indirect.gather [hbm4b:s4+s21], $0x40, s29, s21, $0xb8;
	[tilespmem:$0x18000] =	vst v63  }
0x75: {  	s5 =	smov.u32 s26  }
0x76: {  	p0 =	sne.s32 s26, $0x9000;
	s26 =	sadd.s32 $0x800, s26;
	_ =	swait.ge [sflag:s31], $0x2000  }
0x77: {  	s29 =	sshra.s32 s5, $0x2;
	[sflag:s31] =	ssyncset.done $0x0  }
0x78: {  	s5 =	sadd.s32 $0x2800, s29;
	[sflag:s31] =	ssyncadd.s32 $0xFFFFE000  }
0x79: {  	[spmem:s2] =	stream.indirect.scatter.add.f32 [tilespmem:s22], [sflag:$0x5], $0x40, s5, s21, $0xb8;
	[tilespmem:$0x18000] =	vst v63  }
0x7a: {  	_ =	swait.ge [sflag:s18], $0x2000  }
0x7b: {  	[sflag:s18] =	ssyncset.done $0x0  }
0x7c: {  	s5 =	sadd.s32 $0x200, s29;
	[sflag:s18] =	ssyncadd.s32 $0xFFFFE000  }
0x7d: {  	[tilespmem:s22], [sflag:$0x1] =	stream.indirect.gather [hbm4b:s4+s21], $0x40, s5, s21, $0xb8;
	[tilespmem:$0x18000] =	vst v63  }
0x7e: {  	_ =	swait.ge [sflag:s0], $0x2000  }
0x7f: {  	[sflag:s0] =	ssyncset.done $0x0  }
0x80: {  	s5 =	sadd.s32 $0x2880, s29;
	[sflag:s0] =	ssyncadd.s32 $0xFFFFE000  }
0x81: {  	[spmem:s2] =	stream.indirect.scatter.add.f32 [tilespmem:s24], [sflag:$0x5], $0x40, s5, s21, $0xb8;
	[tilespmem:$0x18000] =	vst v63  }
0x82: {  	_ =	swait.ge [sflag:s18], $0x2000  }
0x83: {  	[sflag:s18] =	ssyncset.done $0x0  }
0x84: {  	s5 =	sadd.s32 $0x280, s29;
	[sflag:s18] =	ssyncadd.s32 $0xFFFFE000  }
0x85: {  	[tilespmem:s24], [sflag:$0x2] =	stream.indirect.gather [hbm4b:s4+s21], $0x40, s5, s21, $0xb8;
	[tilespmem:$0x18000] =	vst v63  }
0x86: {  	_ =	swait.ge [sflag:s1], $0x2000  }
0x87: {  	[sflag:s1] =	ssyncset.done $0x0  }
0x88: {  	s5 =	sadd.s32 $0x2900, s29;
	[sflag:s1] =	ssyncadd.s32 $0xFFFFE000  }
0x89: {  	[spmem:s2] =	stream.indirect.scatter.add.f32 [tilespmem:s28], [sflag:$0x5], $0x40, s5, s21, $0xb8;
	[tilespmem:$0x18000] =	vst v63  }
0x8a: {  	_ =	swait.ge [sflag:s18], $0x2000  }
0x8b: {  	[sflag:s18] =	ssyncset.done $0x0  }
0x8c: {  	s5 =	sadd.s32 $0x300, s29;
	[sflag:s18] =	ssyncadd.s32 $0xFFFFE000  }
0x8d: {  	[tilespmem:s28], [sflag:$0x3] =	stream.indirect.gather [hbm4b:s4+s21], $0x40, s5, s21, $0xb8;
	[tilespmem:$0x18000] =	vst v63  }
0x8e: {  	_ =	swait.ge [sflag:s19], $0x2000  }
0x8f: {  	[sflag:s19] =	ssyncset.done $0x0  }
.Ltmp1:
0x90: {  	s5 =	sadd.s32 $0x2980, s29;
	[sflag:s19] =	ssyncadd.s32 $0xFFFFE000;
	(pc) =	sbr.rel @p0 .LBB2_4-.Ltmp1, $4  }
0x91: {  	[spmem:s2] =	stream.indirect.scatter.add.f32 [tilespmem:s30], [sflag:$0x5], $0x40, s5, s21, $0xb8;
	[tilespmem:$0x18000] =	vst v63  }
0x92: {  	_ =	swait.ge [sflag:s18], $0x2000  }
0x93: {  	[sflag:s18] =	ssyncset.done $0x0  }
0x94: {  	s29 =	sadd.s32 $0x380, s29;
	[sflag:s18] =	ssyncadd.s32 $0xFFFFE000  }
0x95: {  	[tilespmem:s30], [sflag:$0x4] =	stream.indirect.gather [hbm4b:s4+s21], $0x40, s29, s21, $0xb8;
	[tilespmem:$0x18000] =	vst v63  }
0x96: {  	_ =	swait.ge [sflag:s31], $0x2000  }
0x97: {  	[sflag:s31] =	ssyncset.done $0x0  }
0x98: {  	s5 =	simm.s32 $0x4E00;
	[sflag:s31] =	ssyncadd.s32 $0xFFFFE000  }
0x99: {  	[spmem:s2] =	stream.indirect.scatter.add.f32 [tilespmem:s22], [sflag:$0x5], $0x40, s5, s21, $0xb8;
	[tilespmem:$0x18000] =	vst v63  }
0x9a: {  	_ =	swait.ge [sflag:s18], $0x2000  }
0x9b: {  	[sflag:s18] =	ssyncset.done $0x0  }
0x9c: {  	[sflag:s18] =	ssyncadd.s32 $0xFFFFE000  }
0x9d: {  	_ =	swait.ge [sflag:s0], $0x2000  }
0x9e: {  	[sflag:s0] =	ssyncset.done $0x0  }
0x9f: {  	s26 =	simm.s32 $0x4E80;
	[sflag:s0] =	ssyncadd.s32 $0xFFFFE000  }
0xa0: {  	[spmem:s2] =	stream.indirect.scatter.add.f32 [tilespmem:s24], [sflag:$0x5], $0x40, s26, s21, $0xb8;
	[tilespmem:$0x18000] =	vst v63  }
0xa1: {  	_ =	swait.ge [sflag:s18], $0x2000  }
0xa2: {  	[sflag:s18] =	ssyncset.done $0x0  }
0xa3: {  	[sflag:s18] =	ssyncadd.s32 $0xFFFFE000  }
0xa4: {  	_ =	swait.ge [sflag:s1], $0x2000  }
0xa5: {  	[sflag:s1] =	ssyncset.done $0x0  }
0xa6: {  	s29 =	simm.s32 $0x4F00;
	[sflag:s1] =	ssyncadd.s32 $0xFFFFE000  }
0xa7: {  	[spmem:s2] =	stream.indirect.scatter.add.f32 [tilespmem:s28], [sflag:$0x5], $0x40, s29, s21, $0xb8;
	[tilespmem:$0x18000] =	vst v63  }
0xa8: {  	_ =	swait.ge [sflag:s18], $0x2000  }
0xa9: {  	[sflag:s18] =	ssyncset.done $0x0  }
0xaa: {  	[sflag:s18] =	ssyncadd.s32 $0xFFFFE000  }
0xab: {  	_ =	swait.ge [sflag:s19], $0x2000  }
0xac: {  	[sflag:s19] =	ssyncset.done $0x0  }
0xad: {  	s26 =	simm.s32 $0x4F80;
	[sflag:s19] =	ssyncadd.s32 $0xFFFFE000  }
0xae: {  	[spmem:s2] =	stream.indirect.scatter.add.f32 [tilespmem:s30], [sflag:$0x5], $0x40, s26, s21, $0xb8;
	[tilespmem:$0x18000] =	vst v63  }
0xaf: {  	_ =	swait.ge [sflag:s18], $0x2000  }
0xb0: {  	s3 =	sadd.s32 $0x1, s3;
	s29 =	stileid.u32;
	[sflag:s18] =	ssyncset.done $0x0  }
0xb1: {  	p0 =	sne.s32 s3, s8;
	s5 =	sshll.u32 s29, $0x6;
	[sflag:s18] =	ssyncadd.s32 $0xFFFFE000  }
.Ltmp2:
0xb2: {  	s5 =	sor.u32 $0x1C05, s5;
	[bflag:$0x0] =	sbarrier.arrive $0xFFFF;
	(pc) =	sbr.rel @p0 .LBB2_1-.Ltmp2, $4  }
0xb3: {  	[hbm:s23], [sflag:s5] =	dma.local [spmem:s25], $0x1400  }
0xb4: {  	_ =	swait.ge [sflag:s18], $0x1400  }
0xb5: {  	[sflag:s18] =	ssyncset.done $0x0  }
0xb6: {  	[sflag:s18] =	ssyncadd.s32 $0xFFFFEC00  }
0xb7: {  	_ =	sfence.sel $0x180000  }
0xb8: {  	[bflag:$0x0] =	sbarrier.arrive $0xFFFF  }
0xb9: {  	_ =	strace $0x9000004A  }
0xba: {  	s0 =	stileid.u32;
	[bflag:$0x2] =	sbarrier.arrive $0xFFFF  }
0xbb: {  	p0 =	sne.s32 s0, $0x0;
	s0 =	rddreg [dreg:$0x2]  }
0xbc: {  	s0 =	sadd.s32 @!p0 $0x100000, s0  }
0xbd: {  	[sflag:s0] =	ssyncadd.tile.s32 @!p0 $0x1;
	_ =	shalt  }
.Lfunc_end2:
_tile_overlayer_lowered:
.L_overlay_start_2:
0xbe: {  	(tag) =	ssettag $0x2  }
0xbf: {  	s0 =	rddreg [dreg:$0x0];
	s2 =	stileid.u32  }
0xc0: {  	s1 =	rddreg [dreg:$0x1];
	p0 =	sne.s32 s2, $0x0  }
0xc1: {  	s3 =	rddreg [dreg:$0x2];
	[bflag:$0x3] =	sbarrier.arrive $0xFFFF;
	s2 =	simm.s32 @!p0 $0x1C05  }
0xc2: {  	[timem:s3], [sflag:s2] =	dma.local @!p0 [hbm:s0], s1  }
0xc3: {  	s0 =	simm.s32 @!p0 $0x5  }
0xc4: {  	_ =	swait.ge @!p0 [sflag:s0], s1  }
0xc5: {  	s1 =	ssub.s32 @!p0 $0x0, s1;
	[sflag:s0] =	ssyncset.done @!p0 $0x0  }
0xc6: {  	[sflag:s0] =	ssyncadd.s32 @!p0 s1  }
0xc7: {  	[bflag:$0x3] =	sbarrier.arrive $0xFFFF  }
0xc8: {  	_ =	shalt  }

// kernel: kernel.6.cloned.1.call-start
scs
__scs_entry_jumppad:
0x0: {  	(pc) =	sbr.rel $0x88, $3  }
0x1: {  	(tag) =	ssettag $0x0;
	lr =	simm.s32 $0x1  }
0x2: {  	[smem:$0x3F82] =	sst lr;
	_ =	strace $0xD0000000  }
0x3: {  	_ = 	snop  }
0x4: {  	_ = 	snop  }
0x5: {  	_ = 	snop  }
0x6: {  	_ = 	snop  }
0x7: {  	_ = 	snop  }
__scs_overlays_trampoline_lowered:
0x8: {  	[smem:$0x3F91] =	sst s0  }
0x9: {  	[smem:$0x3F92] =	sst s1  }
0xa: {  	[smem:$0x3F93] =	sst s2  }
0xb: {  	[smem:$0x3F94] =	sst s3  }
0xc: {  	[smem:$0x3F95] =	sst s4  }
0xd: {  	[smem:$0x3F96] =	sst s5  }
0xe: {  	[smem:$0x3F97] =	sst s6  }
0xf: {  	[smem:$0x3F98] =	sst s7  }
0x10: {  	[smem:$0x3F99] =	sst s8  }
0x11: {  	[smem:$0x3F9A] =	sst s9;
	s0 =	simm.s32 @!p0 $0x0  }
0x12: {  	s1 =	sld [smem:$0x3F80];
	s0 =	simm.s32 @p0 $0x1  }
0x13: {  	[smem:$0x3F9B] =	sst s0;
	s0 =	simm.s32 @!p1 $0x0  }
0x14: {  	s2 =	sld [smem:$0x3F7F];
	s0 =	simm.s32 @p1 $0x1  }
0x15: {  	[smem:$0x3F9C] =	sst s0;
	s0 =	simm.s32 @!p2 $0x0  }
0x16: {  	s3 =	sld [smem:$0x3FDB];
	s0 =	simm.s32 @p2 $0x1  }
0x17: {  	s4 =	simm.s32 $0x1BF5;
	[smem:$0x3F9E] =	sst s0  }
0x18: {  	s0 =	sld [smem:$0x3F81];
	_ =	swait.ge [sflag:s4], $0x0  }
0x19: {  	s7 =	sld [smem:$0x3F82]  }
0x1a: {  	s8 =	sadd.s32 $0xFFFFE003, lr  }
0x1b: {  	s9 =	sadd.s32 $0xFFFFFEF7, lr;
	s5 =	simm.s32 $0xFFFFFFFF;
	p2 =	slt.u32 s8, $0xFFFFF086  }
0x1c: {  	p1 =	slt.u32 s9, $0xF7A;
	s5 =	simm.s32 @!p2 $0x0  }
0x1d: {  	s5 =	simm.s32 @p1 $0x1;
	p0 =	seq.s32 s7, s2  }
0x1e: {  	s7 =	smul.u32 @!p0 $0xF7A, s2;
	p2 =	seq.s32 @!p0 s5, $0x0  }
0x1f: {  	s9 =	smul.u32 $0xF7A, s1;
	s8 =	simm.s32 @!p0 $0x1BF5;
	p2 =	por !p2, p0  }
0x20: {  	[sflag:s8] =	ssyncset.s32 @!p0 $0xFFFFF086;
	s6 =	sadd.s32 @!p0 s3, s7;
	s7 =	simm.s32 @!p0 $0x108  }
0x21: {  	s3 =	sadd.s32 s3, s9;
	s6 =	sadd.s32 @!p0 $0x88, s6;
	s7 =	simm.s32 @p2 $0x1082  }
0x22: {  	[simem:s7], [sflag:s8] =	dma.local @!p0 [hbm:s6], $0xF7A  }
0x23: {  	s9 =	sor.u32 $0xD0000000, s2;
	s6 =	simm.s32 $0x108;
	_ =	swait.ge @!p0 [sflag:s8], $0x0  }
0x24: {  	s3 =	sadd.s32 $0x88, s3;
	s6 =	simm.s32 @!p1 $0x1082;
	[sflag:s4] =	ssyncset.s32 $0xFFFFF086  }
0x25: {  	[simem:s6], [sflag:s4] =	dma.local [hbm:s3], $0xF7A  }
0x26: {  	[smem:$0x3F82] =	sst s1;
	(tag) =	ssettag s2;
	_ =	strace s9  }
0x27: {  	s1 =	sld [smem:$0x3F92]  }
0x28: {  	s2 =	sld [smem:$0x3F93]  }
0x29: {  	s4 =	sld [smem:$0x3F95]  }
0x2a: {  	p0 =	seq.s32 s5, $0x0;
	s5 =	sld [smem:$0x3F96]  }
0x2b: {  	s6 =	sld [smem:$0x3F97]  }
0x2c: {  	s7 =	sld [smem:$0x3F98]  }
0x2d: {  	s3 =	simm.s32 $0x108;
	s8 =	sld [smem:$0x3F99]  }
0x2e: {  	s3 =	simm.s32 @!p0 $0x1082;
	s9 =	sld [smem:$0x3F9A]  }
0x2f: {  	lr =	sadd.s32 s0, s3;
	s0 =	sld [smem:$0x3F91]  }
0x30: {  	s3 =	sld [smem:$0x3F94]  }
0x31: {  	[smem:$0x3F9D] =	sst s10  }
0x32: {  	s10 =	sld [smem:$0x3F9B];
	_ =	sdelay $0x3  }
0x33: {  	p0 =	seq.s32 s10, $0x1;
	s10 =	sld [smem:$0x3F9D];
	_ =	sdelay $0x3  }
0x34: {  	[smem:$0x3F9D] =	sst s10  }
0x35: {  	s10 =	sld [smem:$0x3F9C];
	_ =	sdelay $0x3  }
0x36: {  	p1 =	seq.s32 s10, $0x1;
	s10 =	sld [smem:$0x3F9D];
	_ =	sdelay $0x3  }
0x37: {  	[smem:$0x3F9D] =	sst s10  }
0x38: {  	s10 =	sld [smem:$0x3F9E]  }
0x39: {  	_ = 	snop;
	(pc) =	sbr.ind lr, $3  }
0x3a: {  	_ = 	snop  }
0x3b: {  	_ = 	snop  }
0x3c: {  	p2 =	seq.s32 s10, $0x1;
	s10 =	sld [smem:$0x3F9D]  }
0x3d: {  	_ =	shalt  }
0x3e: {  	_ =	shalt  }
0x3f: {  	_ =	shalt  }
0x40: {  	_ =	shalt  }
0x41: {  	_ =	shalt  }
0x42: {  	_ =	shalt  }
0x43: {  	_ =	shalt  }
0x44: {  	_ =	shalt  }
0x45: {  	_ =	shalt  }
0x46: {  	_ =	shalt  }
0x47: {  	_ =	shalt  }
0x48: {  	_ =	shalt  }
0x49: {  	_ =	shalt  }
0x4a: {  	_ =	shalt  }
0x4b: {  	_ =	shalt  }
0x4c: {  	_ =	shalt  }
0x4d: {  	_ =	shalt  }
0x4e: {  	_ =	shalt  }
0x4f: {  	_ =	shalt  }
0x50: {  	_ =	shalt  }
0x51: {  	_ =	shalt  }
0x52: {  	_ =	shalt  }
0x53: {  	_ =	shalt  }
0x54: {  	_ =	shalt  }
0x55: {  	_ =	shalt  }
0x56: {  	_ =	shalt  }
0x57: {  	_ =	shalt  }
0x58: {  	_ =	shalt  }
0x59: {  	_ =	shalt  }
0x5a: {  	_ =	shalt  }
0x5b: {  	_ =	shalt  }
0x5c: {  	_ =	shalt  }
0x5d: {  	_ =	shalt  }
0x5e: {  	_ =	shalt  }
0x5f: {  	_ =	shalt  }
0x60: {  	_ =	shalt  }
0x61: {  	_ =	shalt  }
0x62: {  	_ =	shalt  }
0x63: {  	_ =	shalt  }
0x64: {  	_ =	shalt  }
0x65: {  	_ =	shalt  }
0x66: {  	_ =	shalt  }
0x67: {  	_ =	shalt  }
0x68: {  	_ =	shalt  }
0x69: {  	_ =	shalt  }
0x6a: {  	_ =	shalt  }
0x6b: {  	_ =	shalt  }
0x6c: {  	_ =	shalt  }
0x6d: {  	_ =	shalt  }
0x6e: {  	_ =	shalt  }
0x6f: {  	_ =	shalt  }
0x70: {  	_ =	shalt  }
0x71: {  	_ =	shalt  }
0x72: {  	_ =	shalt  }
0x73: {  	_ =	shalt  }
0x74: {  	_ =	shalt  }
0x75: {  	_ =	shalt  }
0x76: {  	_ =	shalt  }
0x77: {  	_ =	shalt  }
0x78: {  	_ =	shalt  }
0x79: {  	_ =	shalt  }
0x7a: {  	_ =	shalt  }
0x7b: {  	_ =	shalt  }
0x7c: {  	_ =	shalt  }
0x7d: {  	_ =	shalt  }
0x7e: {  	_ =	shalt  }
0x7f: {  	_ =	shalt  }
0x80: {  	_ =	shalt  }
0x81: {  	_ =	shalt  }
0x82: {  	_ =	shalt  }
0x83: {  	_ =	shalt  }
0x84: {  	_ =	shalt  }
0x85: {  	_ =	shalt  }
0x86: {  	_ =	shalt  }
0x87: {  	_ =	shalt  }
.Lfunc_end0:
.L_simem_size_0:
called_computation.1_lowered:
.L_overlay_start_0:
0x88: {  	s2 =	sld [smem:$0x3FD9]  }
0x89: {  	s3 =	sld [smem:$0x3FFE];
	_ =	sdelay $0x1  }
0x8a: {  	s1 =	srdreg.scid  }
0x8b: {  	s0 =	sand.u32 $0x1, s1  }
0x8c: {  	s16 =	sshll.u32 s0, $0xA;
	s2 =	sadd.s32 s3, s2  }
0x8d: {  	s2 =	sadd.s32 s2, s16  }
0x8e: {  	[smem:$0x3FA9] =	sst s2  }
0x8f: {  	_ = 	snop  }
0x90: {  	(tm) =	ssettm $0x1  }
0x91: {  	s17 =	sld [smem:$0x3FFB];
	_ =	sdelay $0x3  }
0x92: {  	_ =	strace s17  }
0x93: {  	s2 =	sld [smem:$0x3FFC];
	_ =	sdelay $0x3  }
0x94: {  	_ =	strace s2  }
0x95: {  	s2 =	sld [smem:$0x3FFD];
	_ =	sdelay $0x3  }
0x96: {  	_ =	strace s2  }
0x97: {  	_ =	strace $0x8FFFFFFF  }
0x98: {  	s18 =	sld [smem:$0x3FDB];
	_ =	sdelay $0x1  }
0x99: {  	s19 =	simm.s32 $_scs_section_size  }
0x9a: {  	s4 =	simm.s32 $_size__tile_overlayer_lowered;
	s5 =	simm.s32 $_tile_overlayer_lowered  }
0x9b: {  	s22 =	simm.s32 $0x1BFF;
	s21 =	sshll.u32 s5, $0x1;
	s2 =	sadd.s32 s19, s18  }
0x9c: {  	s6 =	simm.s32 $0x0;
	s20 =	sshll.u32 s4, $0x1;
	s4 =	sadd.s32 s21, s2  }
0x9d: {  	[timem:s6], [sflag:s22] =	dma.local [hbm:s4], s20  }
0x9e: {  	_ =	swait.ge [sflag:s22], s20  }
0x9f: {  	s3 =	ssub.s32 $0x0, s20;
	[sflag:s22] =	ssyncset.done $0x0  }
0xa0: {  	[sflag:s22] =	ssyncadd.s32 s3;
	_ =	sdelay $0x1  }
0xa1: {  	s23 =	simm.s32 $0x1B8B  }
0xa2: {  	_ =	swait.ge [sflag:s23], $0x1  }
0xa3: {  	[sflag:s23] =	ssyncset.done $0x0  }
0xa4: {  	s25 =	simm.s32 $0x1B8E;
	s24 =	sld [smem:$0x3FFE];
	[sflag:s23] =	ssyncadd.s32 $0xFFFFFFFF  }
0xa5: {  	s26 =	simm.s32 $execute0_lowered;
	[smem:$0x3FD2] =	sst s25  }
0xa6: {  	s4 =	sshll.u32 s26, $0x1;
	_ =	strace $0x80000046;
	[dreg:$0x1] =	wrdreg $0xFFFFFFFF  }
0xa7: {  	s28 =	simm.s32 $_size_execute0_lowered;
	s2 =	sadd.s32 s2, s4;
	[dreg:$0x0] =	wrdreg $0x0  }
0xa8: {  	s4 =	sshll.u32 s28, $0x1;
	[dreg:$0x2] =	wrdreg s2  }
0xa9: {  	[dreg:$0x3] =	wrdreg s4  }
0xaa: {  	[dreg:$0x4] =	wrdreg $0xC0  }
0xab: {  	_ =	task [dreg:s6], $0x5FFFF  }
0xac: {  	[dreg:$0x1] =	wrdreg $0xFFFFFFFF  }
0xad: {  	[dreg:$0x0] =	wrdreg $0x60  }
0xae: {  	[dreg:$0x2] =	wrdreg s24  }
0xaf: {  	[dreg:$0x3] =	wrdreg $0xE0000  }
0xb0: {  	[dreg:$0x4] =	wrdreg $0x9  }
0xb1: {  	_ =	task.clear_ibuf [dreg:s6], $0x5FFFF;
	_ =	strace $0x90000046  }
0xb2: {  	s29 =	simm.s32 $0x9;
	_ =	strace $0x80000048  }
0xb3: {  	_ =	swait.ge [sflag:s29], $0x1  }
0xb4: {  	[sflag:s29] =	ssyncadd.s32 $0xFFFFFFFF  }
0xb5: {  	_ =	strace $0x90000048  }
0xb6: {  	_ =	sfence  }
0xb7: {  	s30 =	sld [smem:$0x0];
	_ =	sdelay $0x2  }
0xb8: {  	s31 =	sshll.u32 s1, $0xD;
	s1 =	sshrl.u32 s1, $0x2  }
0xb9: {  	s3 =	sand.u32 $0x4000, s31;
	s1 =	sadd.s32 s1, s30  }
0xba: {  	s0 =	sor.u32 s3, s0;
	s1 =	sshll.u32 s1, $0x11  }
0xbb: {  	s0 =	sor.u32 s1, s0  }
0xbc: {  	s0 =	sadd.s32 $0x8F2B, s0  }
0xbd: {  	[sflag:s0] =	ssyncadd.remote.s32 $0x1  }
0xbe: {  	_ =	sfence.sel $0xFFFF  }
0xbf: {  	[dreg:$0x0] =	wrdreg $0xFFFFFFFF;
	(pc) =	sbr.abs _section_cstart, $3  }
0xc0: {  	[dreg:$0x1] =	wrdreg $0xFFFFFFFF  }
0xc1: {  	_ =	task.clear_ibuf [dreg:s6], $0x2FFFF;
	_ =	strace $0x9FFFFFFF  }
0xc2: {  	(tm) =	ssettm $0x7FFFFFFF  }
0xc3: {  	_ =	shalt  }
tec
execute0_lowered:
.L_overlay_start_1:
0x0: {  	(tag) =	ssettag $0x1  }
0x1: {  	s0 =	rddreg [dreg:$0x0]  }
0x2: {  	s1 =	rddreg [dreg:$0x1];
	s2 =	srdreg.scid  }
0x3: {  	s3 =	simm.s32 $0x0;
	s11 =	stileid.u32;
	s20 =	simm.s32 $0x5  }
0x4: {  	s28 =	simm.s32 $0x7000;
	s29 =	simm.s32 $0x100;
	s30 =	simm.s32 $0x9000  }
0x5: {  	s31 =	simm.s32 $0x4F80;
	s2 =	sand.u32 $0x1, s2;
	s7 =	smul.u32 $0x28000, s11  }
0x6: {  	[smem:$0x7FF] =	sst s3;
	s10 =	sadd.s32 $0x41E00, s0;
	s22 =	smul.u32 $0xA000, s11  }
0x7: {  	s4 =	sshll.u32 s2, $0x4;
	_ =	strace $0x80000047;
	s9 =	smul.u32 $0x14000, s2  }
0x8: {  	s6 =	ssub.s32 $0x2, s2;
	s2 =	smul.u32 $0xA0000, s2;
	s4 =	sor.u32 s11, s4  }
0x9: {  	s8 =	sshrl.u32 s6, $0x1;
	s7 =	sshrl.u32 s7, $0x2;
	s5 =	smul.u32 $0x500, s4  }
0xa: {  	s4 =	sadd.s32 $0x19E00, s0;
	s6 =	ssub.s32 s6, s8;
	s7 =	sadd.s32 s7, s1  }
0xb: {  	s2 =	sshrl.u32 s2, $0x3;
	s23 =	sadd.s32 s10, s9;
	s8 =	sadd.s32 s22, s1  }
0xc: {  	s9 =	sadd.s32 $0x2DE00, s0;
	s2 =	sadd.s32 s10, s2;
	[dreg:$0x5] =	wrdreg s8  }
0xd: {  	s25 =	smax.u32 s6, $0x1;
	s11 =	sadd.s32 $0x1000, s7;
	s12 =	sadd.s32 $0x2000, s7  }
0xe: {  	s13 =	sadd.s32 $0x3000, s7;
	s14 =	sadd.s32 $0x4000, s7;
	s15 =	sadd.s32 $0x5000, s7  }
0xf: {  	s16 =	sadd.s32 $0x6000, s7;
	s17 =	sadd.s32 $0x7000, s7;
	s18 =	sadd.s32 $0x8000, s7  }
0x10: {  	s19 =	sadd.s32 $0x9000, s7;
	s6 =	simm.s32 $0x4;
	s5 =	sadd.s32 s5, s0  }
0x11: {  	s24 =	sadd.s32 $0x28000, s2;
	[dreg:$0x6] =	wrdreg s25;
	s21 =	sadd.s32 $0xFE00, s5  }
0x12: {  	s25 =	simm.s32 $0x80;
	s5 =	sadd.s32 $0x5E00, s5;
	[dreg:$0x3] =	wrdreg s21  }
0x13: {  	s2 =	simm.s32 $0x2;
	[dreg:$0x4] =	wrdreg s5;
	s21 =	sshrl.u32 s22, $0x3  }
0x14: {  	s22 =	simm.s32 $0xD000;
	s5 =	simm.s32 $0x3;
	s26 =	sadd.s32 s21, s23  }
0x15: {  	s0 =	sadd.s32 s21, s24;
	s21 =	simm.s32 $0x1;
	[dreg:$0x7] =	wrdreg s26  }
0x16: {  	v0 =	vimm.f32 $0.0e+00;
	[dreg:$0x8] =	wrdreg s0;
	s26 =	simm.s32 $0x5000;
	s0 =	simm.s32 $0xB000  }
.LBB2_1:
0x17: {  	s10 =	simm.s32 $0x100;
	s8 =	simm.s32 $0x0  }
.LBB2_2:
0x18: {  	p0 =	sne.s32 s10, $0x3F00;
	[tilespmem:s8+$0xD030] =	vst v0;
	s23 =	smov.u32 s10;
	s10 =	sadd.s32 $0x100, s10  }
.Ltmp0:
0x19: {  	[tilespmem:s8+$0xD020] =	vst v0;
	(pc) =	sbr.rel @p0 .LBB2_2-.Ltmp0, $3  }
0x1a: {  	[tilespmem:s8+$0xD000] =	vst v0  }
0x1b: {  	[tilespmem:s8+$0xD010] =	vst v0;
	_ =	sdelay $0x1  }
0x1c: {  	s8 =	sshra.s32 s23, $0x2  }
0x1d: {  	[tilespmem:s8+$0xD030] =	vst v0  }
0x1e: {  	[tilespmem:s8+$0xD020] =	vst v0  }
0x1f: {  	[tilespmem:s8+$0xD000] =	vst v0  }
0x20: {  	[tilespmem:s8+$0xD010] =	vst v0;
	s8 =	simm.s32 $0x0;
	s10 =	rddreg [dreg:$0x3]  }
0x21: {  	[tilespmem:s8], [sflag:$0x5] =	stream.linear.gather [hbm4b:s10+s8], $0x2800, $0x38;
	[tilespmem:$0x18000] =	vst v63  }
0x22: {  	_ =	swait.ge [sflag:s20], $0x2800  }
0x23: {  	[sflag:s20] =	ssyncset.done $0x0  }
0x24: {  	s23 =	simm.s32 $0x2800;
	s24 =	rddreg [dreg:$0x4];
	[sflag:s20] =	ssyncadd.s32 $0xFFFFD800  }
0x25: {  	[tilespmem:s23], [sflag:$0x5] =	stream.linear.gather [hbm4b:s24+s8], $0x2800, $0x38;
	[tilespmem:$0x18000] =	vst v63  }
0x26: {  	_ =	swait.ge [sflag:s20], $0x2800  }
0x27: {  	[sflag:s20] =	ssyncset.done $0x0  }
0x28: {  	[sflag:s20] =	ssyncadd.s32 $0xFFFFD800  }
0x29: {  	[spmem:s7] =	stream.linear.scatter [tilespmem:s22], [sflag:$0x5], $0x1000, $0x38;
	[tilespmem:$0x18000] =	vst v63  }
0x2a: {  	_ =	swait.ge [sflag:s20], $0x1000  }
0x2b: {  	[sflag:s20] =	ssyncset.done $0x0  }
0x2c: {  	[sflag:s20] =	ssyncadd.s32 $0xFFFFF000  }
0x2d: {  	[spmem:s11] =	stream.linear.scatter [tilespmem:s22], [sflag:$0x5], $0x1000, $0x38;
	[tilespmem:$0x18000] =	vst v63  }
0x2e: {  	_ =	swait.ge [sflag:s20], $0x1000  }
0x2f: {  	[sflag:s20] =	ssyncset.done $0x0  }
0x30: {  	[sflag:s20] =	ssyncadd.s32 $0xFFFFF000  }
0x31: {  	[spmem:s12] =	stream.linear.scatter [tilespmem:s22], [sflag:$0x5], $0x1000, $0x38;
	[tilespmem:$0x18000] =	vst v63  }
0x32: {  	_ =	swait.ge [sflag:s20], $0x1000  }
0x33: {  	[sflag:s20] =	ssyncset.done $0x0  }
0x34: {  	[sflag:s20] =	ssyncadd.s32 $0xFFFFF000  }
0x35: {  	[spmem:s13] =	stream.linear.scatter [tilespmem:s22], [sflag:$0x5], $0x1000, $0x38;
	[tilespmem:$0x18000] =	vst v63  }
0x36: {  	_ =	swait.ge [sflag:s20], $0x1000  }
0x37: {  	[sflag:s20] =	ssyncset.done $0x0  }
0x38: {  	[sflag:s20] =	ssyncadd.s32 $0xFFFFF000  }
0x39: {  	[spmem:s14] =	stream.linear.scatter [tilespmem:s22], [sflag:$0x5], $0x1000, $0x38;
	[tilespmem:$0x18000] =	vst v63  }
0x3a: {  	_ =	swait.ge [sflag:s20], $0x1000  }
0x3b: {  	[sflag:s20] =	ssyncset.done $0x0  }
0x3c: {  	[sflag:s20] =	ssyncadd.s32 $0xFFFFF000  }
0x3d: {  	[spmem:s15] =	stream.linear.scatter [tilespmem:s22], [sflag:$0x5], $0x1000, $0x38;
	[tilespmem:$0x18000] =	vst v63  }
0x3e: {  	_ =	swait.ge [sflag:s20], $0x1000  }
0x3f: {  	[sflag:s20] =	ssyncset.done $0x0  }
0x40: {  	[sflag:s20] =	ssyncadd.s32 $0xFFFFF000  }
0x41: {  	[spmem:s16] =	stream.linear.scatter [tilespmem:s22], [sflag:$0x5], $0x1000, $0x38;
	[tilespmem:$0x18000] =	vst v63  }
0x42: {  	_ =	swait.ge [sflag:s20], $0x1000  }
0x43: {  	[sflag:s20] =	ssyncset.done $0x0  }
0x44: {  	[sflag:s20] =	ssyncadd.s32 $0xFFFFF000  }
0x45: {  	[spmem:s17] =	stream.linear.scatter [tilespmem:s22], [sflag:$0x5], $0x1000, $0x38;
	[tilespmem:$0x18000] =	vst v63  }
0x46: {  	_ =	swait.ge [sflag:s20], $0x1000  }
0x47: {  	[sflag:s20] =	ssyncset.done $0x0  }
0x48: {  	[sflag:s20] =	ssyncadd.s32 $0xFFFFF000  }
0x49: {  	[spmem:s18] =	stream.linear.scatter [tilespmem:s22], [sflag:$0x5], $0x1000, $0x38;
	[tilespmem:$0x18000] =	vst v63  }
0x4a: {  	_ =	swait.ge [sflag:s20], $0x1000  }
0x4b: {  	[sflag:s20] =	ssyncset.done $0x0  }
0x4c: {  	[sflag:s20] =	ssyncadd.s32 $0xFFFFF000  }
0x4d: {  	[spmem:s19] =	stream.linear.scatter [tilespmem:s22], [sflag:$0x5], $0x1000, $0x38;
	[tilespmem:$0x18000] =	vst v63  }
0x4e: {  	_ =	swait.ge [sflag:s20], $0x1000  }
0x4f: {  	[sflag:s20] =	ssyncset.done $0x0  }
0x50: {  	[sflag:s20] =	ssyncadd.s32 $0xFFFFF000  }
0x51: {  	[bflag:$0x0] =	sbarrier.arrive $0xFFFF  }
0x52: {  	[tilespmem:s26], [sflag:$0x1] =	stream.indirect.gather [hbm4b:s4+s25], $0x40, s8, s25, $0xb8;
	[tilespmem:$0x18000] =	vst v63  }
0x53: {  	_ = 	snop  }
0x54: {  	[tilespmem:s28], [sflag:$0x2] =	stream.indirect.gather [hbm4b:s4+s25], $0x40, s25, s25, $0xb8;
	[tilespmem:$0x18000] =	vst v63  }
0x55: {  	_ = 	snop  }
0x56: {  	[tilespmem:s30], [sflag:$0x3] =	stream.indirect.gather [hbm4b:s4+s25], $0x40, s29, s25, $0xb8;
	[tilespmem:$0x18000] =	vst v63  }
0x57: {  	s23 =	simm.s32 $0x180  }
0x58: {  	[tilespmem:s0], [sflag:$0x4] =	stream.indirect.gather [hbm4b:s4+s25], $0x40, s23, s25, $0xb8;
	[tilespmem:$0x18000] =	vst v63  }
0x59: {  	_ =	swait.ge [sflag:s21], $0x2000  }
0x5a: {  	[sflag:s21] =	ssyncset.done $0x0  }
0x5b: {  	s24 =	simm.s32 $0x2800;
	[sflag:s21] =	ssyncadd.s32 $0xFFFFE000  }
0x5c: {  	[spmem:s1] =	stream.indirect.scatter.add.f32 [tilespmem:s26], [sflag:$0x5], $0x40, s24, s25, $0xb8;
	[tilespmem:$0x18000] =	vst v63  }
0x5d: {  	_ =	swait.ge [sflag:s20], $0x2000  }
0x5e: {  	[sflag:s20] =	ssyncset.done $0x0  }
0x5f: {  	s10 =	simm.s32 $0x200;
	[sflag:s20] =	ssyncadd.s32 $0xFFFFE000  }
0x60: {  	[tilespmem:s26], [sflag:$0x1] =	stream.indirect.gather [hbm4b:s4+s25], $0x40, s10, s25, $0xb8;
	[tilespmem:$0x18000] =	vst v63  }
0x61: {  	_ =	swait.ge [sflag:s2], $0x2000  }
0x62: {  	[sflag:s2] =	ssyncset.done $0x0  }
0x63: {  	s23 =	simm.s32 $0x2880;
	[sflag:s2] =	ssyncadd.s32 $0xFFFFE000  }
0x64: {  	[spmem:s1] =	stream.indirect.scatter.add.f32 [tilespmem:s28], [sflag:$0x5], $0x40, s23, s25, $0xb8;
	[tilespmem:$0x18000] =	vst v63  }
0x65: {  	_ =	swait.ge [sflag:s20], $0x2000  }
0x66: {  	[sflag:s20] =	ssyncset.done $0x0  }
0x67: {  	s24 =	simm.s32 $0x280;
	[sflag:s20] =	ssyncadd.s32 $0xFFFFE000  }
0x68: {  	[tilespmem:s28], [sflag:$0x2] =	stream.indirect.gather [hbm4b:s4+s25], $0x40, s24, s25, $0xb8;
	[tilespmem:$0x18000] =	vst v63  }
0x69: {  	_ =	swait.ge [sflag:s5], $0x2000  }
0x6a: {  	[sflag:s5] =	ssyncset.done $0x0  }
0x6b: {  	s10 =	simm.s32 $0x2900;
	[sflag:s5] =	ssyncadd.s32 $0xFFFFE000  }
0x6c: {  	[spmem:s1] =	stream.indirect.scatter.add.f32 [tilespmem:s30], [sflag:$0x5], $0x40, s10, s25, $0xb8;
	[tilespmem:$0x18000] =	vst v63  }
0x6d: {  	_ =	swait.ge [sflag:s20], $0x2000  }
0x6e: {  	[sflag:s20] =	ssyncset.done $0x0  }
0x6f: {  	s23 =	simm.s32 $0x300;
	[sflag:s20] =	ssyncadd.s32 $0xFFFFE000  }
0x70: {  	[tilespmem:s30], [sflag:$0x3] =	stream.indirect.gather [hbm4b:s4+s25], $0x40, s23, s25, $0xb8;
	[tilespmem:$0x18000] =	vst v63  }
0x71: {  	_ =	swait.ge [sflag:s6], $0x2000  }
0x72: {  	[sflag:s6] =	ssyncset.done $0x0  }
0x73: {  	s24 =	simm.s32 $0x2980;
	[sflag:s6] =	ssyncadd.s32 $0xFFFFE000  }
0x74: {  	[spmem:s1] =	stream.indirect.scatter.add.f32 [tilespmem:s0], [sflag:$0x5], $0x40, s24, s25, $0xb8;
	[tilespmem:$0x18000] =	vst v63  }
0x75: {  	_ =	swait.ge [sflag:s20], $0x2000  }
0x76: {  	[sflag:s20] =	ssyncset.done $0x0  }
0x77: {  	s8 =	simm.s32 $0x380;
	s23 =	simm.s32 $0x800;
	[sflag:s20] =	ssyncadd.s32 $0xFFFFE000  }
.LBB2_4:
0x78: {  	[tilespmem:s0], [sflag:$0x4] =	stream.indirect.gather [hbm4b:s4+s25], $0x40, s8, s25, $0xb8;
	[tilespmem:$0x18000] =	vst v63  }
0x79: {  	s8 =	smov.u32 s23  }
0x7a: {  	p0 =	sne.s32 s23, $0x9000;
	s23 =	sadd.s32 $0x800, s23;
	_ =	swait.ge [sflag:s21], $0x2000  }
0x7b: {  	s8 =	sshra.s32 s8, $0x2;
	[sflag:s21] =	ssyncset.done $0x0  }
0x7c: {  	s10 =	sadd.s32 $0x2800, s8;
	[sflag:s21] =	ssyncadd.s32 $0xFFFFE000  }
0x7d: {  	[spmem:s1] =	stream.indirect.scatter.add.f32 [tilespmem:s26], [sflag:$0x5], $0x40, s10, s25, $0xb8;
	[tilespmem:$0x18000] =	vst v63  }
0x7e: {  	_ =	swait.ge [sflag:s20], $0x2000  }
0x7f: {  	[sflag:s20] =	ssyncset.done $0x0  }
0x80: {  	s10 =	sadd.s32 $0x200, s8;
	[sflag:s20] =	ssyncadd.s32 $0xFFFFE000  }
0x81: {  	[tilespmem:s26], [sflag:$0x1] =	stream.indirect.gather [hbm4b:s4+s25], $0x40, s10, s25, $0xb8;
	[tilespmem:$0x18000] =	vst v63  }
0x82: {  	_ =	swait.ge [sflag:s2], $0x2000  }
0x83: {  	[sflag:s2] =	ssyncset.done $0x0  }
0x84: {  	s10 =	sadd.s32 $0x2880, s8;
	[sflag:s2] =	ssyncadd.s32 $0xFFFFE000  }
0x85: {  	[spmem:s1] =	stream.indirect.scatter.add.f32 [tilespmem:s28], [sflag:$0x5], $0x40, s10, s25, $0xb8;
	[tilespmem:$0x18000] =	vst v63  }
0x86: {  	_ =	swait.ge [sflag:s20], $0x2000  }
0x87: {  	[sflag:s20] =	ssyncset.done $0x0  }
0x88: {  	s10 =	sadd.s32 $0x280, s8;
	[sflag:s20] =	ssyncadd.s32 $0xFFFFE000  }
0x89: {  	[tilespmem:s28], [sflag:$0x2] =	stream.indirect.gather [hbm4b:s4+s25], $0x40, s10, s25, $0xb8;
	[tilespmem:$0x18000] =	vst v63  }
0x8a: {  	_ =	swait.ge [sflag:s5], $0x2000  }
0x8b: {  	[sflag:s5] =	ssyncset.done $0x0  }
0x8c: {  	s10 =	sadd.s32 $0x2900, s8;
	[sflag:s5] =	ssyncadd.s32 $0xFFFFE000  }
0x8d: {  	[spmem:s1] =	stream.indirect.scatter.add.f32 [tilespmem:s30], [sflag:$0x5], $0x40, s10, s25, $0xb8;
	[tilespmem:$0x18000] =	vst v63  }
0x8e: {  	_ =	swait.ge [sflag:s20], $0x2000  }
0x8f: {  	[sflag:s20] =	ssyncset.done $0x0  }
0x90: {  	s10 =	sadd.s32 $0x300, s8;
	[sflag:s20] =	ssyncadd.s32 $0xFFFFE000  }
0x91: {  	[tilespmem:s30], [sflag:$0x3] =	stream.indirect.gather [hbm4b:s4+s25], $0x40, s10, s25, $0xb8;
	[tilespmem:$0x18000] =	vst v63  }
0x92: {  	_ =	swait.ge [sflag:s6], $0x2000  }
0x93: {  	[sflag:s6] =	ssyncset.done $0x0  }
.Ltmp1:
0x94: {  	s10 =	sadd.s32 $0x2980, s8;
	[sflag:s6] =	ssyncadd.s32 $0xFFFFE000;
	(pc) =	sbr.rel @p0 .LBB2_4-.Ltmp1, $4  }
0x95: {  	[spmem:s1] =	stream.indirect.scatter.add.f32 [tilespmem:s0], [sflag:$0x5], $0x40, s10, s25, $0xb8;
	[tilespmem:$0x18000] =	vst v63  }
0x96: {  	_ =	swait.ge [sflag:s20], $0x2000  }
0x97: {  	[sflag:s20] =	ssyncset.done $0x0  }
0x98: {  	s8 =	sadd.s32 $0x380, s8;
	[sflag:s20] =	ssyncadd.s32 $0xFFFFE000  }
0x99: {  	[tilespmem:s0], [sflag:$0x4] =	stream.indirect.gather [hbm4b:s4+s25], $0x40, s8, s25, $0xb8;
	[tilespmem:$0x18000] =	vst v63  }
0x9a: {  	_ =	swait.ge [sflag:s21], $0x2000  }
0x9b: {  	[sflag:s21] =	ssyncset.done $0x0  }
0x9c: {  	s23 =	simm.s32 $0x4E00;
	[sflag:s21] =	ssyncadd.s32 $0xFFFFE000  }
0x9d: {  	[spmem:s1] =	stream.indirect.scatter.add.f32 [tilespmem:s26], [sflag:$0x5], $0x40, s23, s25, $0xb8;
	[tilespmem:$0x18000] =	vst v63  }
0x9e: {  	_ =	swait.ge [sflag:s20], $0x2000  }
0x9f: {  	[sflag:s20] =	ssyncset.done $0x0  }
0xa0: {  	[sflag:s20] =	ssyncadd.s32 $0xFFFFE000  }
0xa1: {  	_ =	swait.ge [sflag:s2], $0x2000  }
0xa2: {  	[sflag:s2] =	ssyncset.done $0x0  }
0xa3: {  	s24 =	simm.s32 $0x4E80;
	[sflag:s2] =	ssyncadd.s32 $0xFFFFE000  }
0xa4: {  	[spmem:s1] =	stream.indirect.scatter.add.f32 [tilespmem:s28], [sflag:$0x5], $0x40, s24, s25, $0xb8;
	[tilespmem:$0x18000] =	vst v63  }
0xa5: {  	_ =	swait.ge [sflag:s20], $0x2000  }
0xa6: {  	[sflag:s20] =	ssyncset.done $0x0  }
0xa7: {  	[sflag:s20] =	ssyncadd.s32 $0xFFFFE000  }
0xa8: {  	_ =	swait.ge [sflag:s5], $0x2000  }
0xa9: {  	[sflag:s5] =	ssyncset.done $0x0  }
0xaa: {  	s10 =	simm.s32 $0x4F00;
	[sflag:s5] =	ssyncadd.s32 $0xFFFFE000  }
0xab: {  	[spmem:s1] =	stream.indirect.scatter.add.f32 [tilespmem:s30], [sflag:$0x5], $0x40, s10, s25, $0xb8;
	[tilespmem:$0x18000] =	vst v63  }
0xac: {  	_ =	swait.ge [sflag:s20], $0x2000  }
0xad: {  	[sflag:s20] =	ssyncset.done $0x0  }
0xae: {  	[sflag:s20] =	ssyncadd.s32 $0xFFFFE000  }
0xaf: {  	_ =	swait.ge [sflag:s6], $0x2000  }
0xb0: {  	[sflag:s6] =	ssyncset.done $0x0  }
0xb1: {  	[sflag:s6] =	ssyncadd.s32 $0xFFFFE000  }
0xb2: {  	[spmem:s1] =	stream.indirect.scatter.add.f32 [tilespmem:s0], [sflag:$0x5], $0x40, s31, s25, $0xb8;
	[tilespmem:$0x18000] =	vst v63  }
0xb3: {  	_ =	swait.ge [sflag:s20], $0x2000  }
0xb4: {  	[sflag:s20] =	ssyncset.done $0x0  }
0xb5: {  	[sflag:s20] =	ssyncadd.s32 $0xFFFFE000  }
0xb6: {  	s23 =	stileid.u32;
	[bflag:$0x0] =	sbarrier.arrive $0xFFFF  }
0xb7: {  	s8 =	sshll.u32 s23, $0x6;
	s24 =	rddreg [dreg:$0x5]  }
0xb8: {  	s23 =	sor.u32 $0x1C05, s8;
	s10 =	rddreg [dreg:$0x7];
	s24 =	sshrl.u32 s24, $0x3  }
0xb9: {  	[hbm:s10], [sflag:s23] =	dma.local [spmem:s24], $0x1400  }
0xba: {  	_ =	swait.ge [sflag:s20], $0x1400  }
0xbb: {  	[sflag:s20] =	ssyncset.done $0x0  }
0xbc: {  	[sflag:s20] =	ssyncadd.s32 $0xFFFFEC00  }
0xbd: {  	[spmem:s7] =	stream.linear.scatter [tilespmem:s22], [sflag:$0x5], $0x1000, $0x38;
	[tilespmem:$0x18000] =	vst v63  }
0xbe: {  	_ =	swait.ge [sflag:s20], $0x1000  }
0xbf: {  	[sflag:s20] =	ssyncset.done $0x0  }
0xc0: {  	[sflag:s20] =	ssyncadd.s32 $0xFFFFF000  }
0xc1: {  	[spmem:s11] =	stream.linear.scatter [tilespmem:s22], [sflag:$0x5], $0x1000, $0x38;
	[tilespmem:$0x18000] =	vst v63  }
0xc2: {  	_ =	swait.ge [sflag:s20], $0x1000  }
0xc3: {  	[sflag:s20] =	ssyncset.done $0x0  }
0xc4: {  	[sflag:s20] =	ssyncadd.s32 $0xFFFFF000  }
0xc5: {  	[spmem:s12] =	stream.linear.scatter [tilespmem:s22], [sflag:$0x5], $0x1000, $0x38;
	[tilespmem:$0x18000] =	vst v63  }
0xc6: {  	_ =	swait.ge [sflag:s20], $0x1000  }
0xc7: {  	[sflag:s20] =	ssyncset.done $0x0  }
0xc8: {  	[sflag:s20] =	ssyncadd.s32 $0xFFFFF000  }
0xc9: {  	[spmem:s13] =	stream.linear.scatter [tilespmem:s22], [sflag:$0x5], $0x1000, $0x38;
	[tilespmem:$0x18000] =	vst v63  }
0xca: {  	_ =	swait.ge [sflag:s20], $0x1000  }
0xcb: {  	[sflag:s20] =	ssyncset.done $0x0  }
0xcc: {  	[sflag:s20] =	ssyncadd.s32 $0xFFFFF000  }
0xcd: {  	[spmem:s14] =	stream.linear.scatter [tilespmem:s22], [sflag:$0x5], $0x1000, $0x38;
	[tilespmem:$0x18000] =	vst v63  }
0xce: {  	_ =	swait.ge [sflag:s20], $0x1000  }
0xcf: {  	[sflag:s20] =	ssyncset.done $0x0  }
0xd0: {  	[sflag:s20] =	ssyncadd.s32 $0xFFFFF000  }
0xd1: {  	[spmem:s15] =	stream.linear.scatter [tilespmem:s22], [sflag:$0x5], $0x1000, $0x38;
	[tilespmem:$0x18000] =	vst v63  }
0xd2: {  	_ =	swait.ge [sflag:s20], $0x1000  }
0xd3: {  	[sflag:s20] =	ssyncset.done $0x0  }
0xd4: {  	[sflag:s20] =	ssyncadd.s32 $0xFFFFF000  }
0xd5: {  	[spmem:s16] =	stream.linear.scatter [tilespmem:s22], [sflag:$0x5], $0x1000, $0x38;
	[tilespmem:$0x18000] =	vst v63  }
0xd6: {  	_ =	swait.ge [sflag:s20], $0x1000  }
0xd7: {  	[sflag:s20] =	ssyncset.done $0x0  }
0xd8: {  	[sflag:s20] =	ssyncadd.s32 $0xFFFFF000  }
0xd9: {  	[spmem:s17] =	stream.linear.scatter [tilespmem:s22], [sflag:$0x5], $0x1000, $0x38;
	[tilespmem:$0x18000] =	vst v63  }
0xda: {  	_ =	swait.ge [sflag:s20], $0x1000  }
0xdb: {  	[sflag:s20] =	ssyncset.done $0x0  }
0xdc: {  	[sflag:s20] =	ssyncadd.s32 $0xFFFFF000  }
0xdd: {  	[spmem:s18] =	stream.linear.scatter [tilespmem:s22], [sflag:$0x5], $0x1000, $0x38;
	[tilespmem:$0x18000] =	vst v63  }
0xde: {  	_ =	swait.ge [sflag:s20], $0x1000  }
0xdf: {  	[sflag:s20] =	ssyncset.done $0x0  }
0xe0: {  	[sflag:s20] =	ssyncadd.s32 $0xFFFFF000  }
0xe1: {  	[spmem:s19] =	stream.linear.scatter [tilespmem:s22], [sflag:$0x5], $0x1000, $0x38;
	[tilespmem:$0x18000] =	vst v63  }
0xe2: {  	_ =	swait.ge [sflag:s20], $0x1000  }
0xe3: {  	[sflag:s20] =	ssyncset.done $0x0  }
0xe4: {  	[sflag:s20] =	ssyncadd.s32 $0xFFFFF000  }
0xe5: {  	s10 =	simm.s32 $0x0;
	[bflag:$0x0] =	sbarrier.arrive $0xFFFF  }
0xe6: {  	[tilespmem:s26], [sflag:$0x1] =	stream.indirect.gather [hbm4b:s9+s25], $0x40, s10, s25, $0xb8;
	[tilespmem:$0x18000] =	vst v63  }
0xe7: {  	_ = 	snop  }
0xe8: {  	[tilespmem:s28], [sflag:$0x2] =	stream.indirect.gather [hbm4b:s9+s25], $0x40, s25, s25, $0xb8;
	[tilespmem:$0x18000] =	vst v63  }
0xe9: {  	_ = 	snop  }
0xea: {  	[tilespmem:s30], [sflag:$0x3] =	stream.indirect.gather [hbm4b:s9+s25], $0x40, s29, s25, $0xb8;
	[tilespmem:$0x18000] =	vst v63  }
0xeb: {  	s10 =	simm.s32 $0x180  }
0xec: {  	[tilespmem:s0], [sflag:$0x4] =	stream.indirect.gather [hbm4b:s9+s25], $0x40, s10, s25, $0xb8;
	[tilespmem:$0x18000] =	vst v63  }
0xed: {  	_ =	swait.ge [sflag:s21], $0x2000  }
0xee: {  	[sflag:s21] =	ssyncset.done $0x0  }
0xef: {  	s29 =	simm.s32 $0x2800;
	[sflag:s21] =	ssyncadd.s32 $0xFFFFE000  }
0xf0: {  	[spmem:s1] =	stream.indirect.scatter.add.f32 [tilespmem:s26], [sflag:$0x5], $0x40, s29, s25, $0xb8;
	[tilespmem:$0x18000] =	vst v63  }
0xf1: {  	_ =	swait.ge [sflag:s20], $0x2000  }
0xf2: {  	[sflag:s20] =	ssyncset.done $0x0  }
0xf3: {  	s10 =	simm.s32 $0x200;
	[sflag:s20] =	ssyncadd.s32 $0xFFFFE000  }
0xf4: {  	[tilespmem:s26], [sflag:$0x1] =	stream.indirect.gather [hbm4b:s9+s25], $0x40, s10, s25, $0xb8;
	[tilespmem:$0x18000] =	vst v63  }
0xf5: {  	_ =	swait.ge [sflag:s2], $0x2000  }
0xf6: {  	[sflag:s2] =	ssyncset.done $0x0  }
0xf7: {  	s29 =	simm.s32 $0x2880;
	[sflag:s2] =	ssyncadd.s32 $0xFFFFE000  }
0xf8: {  	[spmem:s1] =	stream.indirect.scatter.add.f32 [tilespmem:s28], [sflag:$0x5], $0x40, s29, s25, $0xb8;
	[tilespmem:$0x18000] =	vst v63  }
0xf9: {  	_ =	swait.ge [sflag:s20], $0x2000  }
0xfa: {  	[sflag:s20] =	ssyncset.done $0x0  }
0xfb: {  	s10 =	simm.s32 $0x280;
	[sflag:s20] =	ssyncadd.s32 $0xFFFFE000  }
0xfc: {  	[tilespmem:s28], [sflag:$0x2] =	stream.indirect.gather [hbm4b:s9+s25], $0x40, s10, s25, $0xb8;
	[tilespmem:$0x18000] =	vst v63  }
0xfd: {  	_ =	swait.ge [sflag:s5], $0x2000  }
0xfe: {  	[sflag:s5] =	ssyncset.done $0x0  }
0xff: {  	s29 =	simm.s32 $0x2900;
	[sflag:s5] =	ssyncadd.s32 $0xFFFFE000  }
0x100: {  	[spmem:s1] =	stream.indirect.scatter.add.f32 [tilespmem:s30], [sflag:$0x5], $0x40, s29, s25, $0xb8;
	[tilespmem:$0x18000] =	vst v63  }
0x101: {  	_ =	swait.ge [sflag:s20], $0x2000  }
0x102: {  	[sflag:s20] =	ssyncset.done $0x0  }
0x103: {  	s10 =	simm.s32 $0x300;
	[sflag:s20] =	ssyncadd.s32 $0xFFFFE000  }
0x104: {  	[tilespmem:s30], [sflag:$0x3] =	stream.indirect.gather [hbm4b:s9+s25], $0x40, s10, s25, $0xb8;
	[tilespmem:$0x18000] =	vst v63  }
0x105: {  	_ =	swait.ge [sflag:s6], $0x2000  }
0x106: {  	[sflag:s6] =	ssyncset.done $0x0  }
0x107: {  	s29 =	simm.s32 $0x2980;
	[sflag:s6] =	ssyncadd.s32 $0xFFFFE000  }
0x108: {  	[spmem:s1] =	stream.indirect.scatter.add.f32 [tilespmem:s0], [sflag:$0x5], $0x40, s29, s25, $0xb8;
	[tilespmem:$0x18000] =	vst v63  }
0x109: {  	_ =	swait.ge [sflag:s20], $0x2000  }
0x10a: {  	[sflag:s20] =	ssyncset.done $0x0  }
0x10b: {  	s8 =	simm.s32 $0x800;
	s10 =	simm.s32 $0x380;
	[sflag:s20] =	ssyncadd.s32 $0xFFFFE000  }
.LBB2_6:
0x10c: {  	[tilespmem:s0], [sflag:$0x4] =	stream.indirect.gather [hbm4b:s9+s25], $0x40, s10, s25, $0xb8;
	[tilespmem:$0x18000] =	vst v63  }
0x10d: {  	s10 =	smov.u32 s8  }
0x10e: {  	p0 =	sne.s32 s8, $0x9000;
	s8 =	sadd.s32 $0x800, s8;
	_ =	swait.ge [sflag:s21], $0x2000  }
0x10f: {  	s10 =	sshra.s32 s10, $0x2;
	[sflag:s21] =	ssyncset.done $0x0  }
0x110: {  	s29 =	sadd.s32 $0x2800, s10;
	[sflag:s21] =	ssyncadd.s32 $0xFFFFE000  }
0x111: {  	[spmem:s1] =	stream.indirect.scatter.add.f32 [tilespmem:s26], [sflag:$0x5], $0x40, s29, s25, $0xb8;
	[tilespmem:$0x18000] =	vst v63  }
0x112: {  	_ =	swait.ge [sflag:s20], $0x2000  }
0x113: {  	[sflag:s20] =	ssyncset.done $0x0  }
0x114: {  	s29 =	sadd.s32 $0x200, s10;
	[sflag:s20] =	ssyncadd.s32 $0xFFFFE000  }
0x115: {  	[tilespmem:s26], [sflag:$0x1] =	stream.indirect.gather [hbm4b:s9+s25], $0x40, s29, s25, $0xb8;
	[tilespmem:$0x18000] =	vst v63  }
0x116: {  	_ =	swait.ge [sflag:s2], $0x2000  }
0x117: {  	[sflag:s2] =	ssyncset.done $0x0  }
0x118: {  	s29 =	sadd.s32 $0x2880, s10;
	[sflag:s2] =	ssyncadd.s32 $0xFFFFE000  }
0x119: {  	[spmem:s1] =	stream.indirect.scatter.add.f32 [tilespmem:s28], [sflag:$0x5], $0x40, s29, s25, $0xb8;
	[tilespmem:$0x18000] =	vst v63  }
0x11a: {  	_ =	swait.ge [sflag:s20], $0x2000  }
0x11b: {  	[sflag:s20] =	ssyncset.done $0x0  }
0x11c: {  	s29 =	sadd.s32 $0x280, s10;
	[sflag:s20] =	ssyncadd.s32 $0xFFFFE000  }
0x11d: {  	[tilespmem:s28], [sflag:$0x2] =	stream.indirect.gather [hbm4b:s9+s25], $0x40, s29, s25, $0xb8;
	[tilespmem:$0x18000] =	vst v63  }
0x11e: {  	_ =	swait.ge [sflag:s5], $0x2000  }
0x11f: {  	[sflag:s5] =	ssyncset.done $0x0  }
0x120: {  	s29 =	sadd.s32 $0x2900, s10;
	[sflag:s5] =	ssyncadd.s32 $0xFFFFE000  }
0x121: {  	[spmem:s1] =	stream.indirect.scatter.add.f32 [tilespmem:s30], [sflag:$0x5], $0x40, s29, s25, $0xb8;
	[tilespmem:$0x18000] =	vst v63  }
0x122: {  	_ =	swait.ge [sflag:s20], $0x2000  }
0x123: {  	[sflag:s20] =	ssyncset.done $0x0  }
0x124: {  	s29 =	sadd.s32 $0x300, s10;
	[sflag:s20] =	ssyncadd.s32 $0xFFFFE000  }
0x125: {  	[tilespmem:s30], [sflag:$0x3] =	stream.indirect.gather [hbm4b:s9+s25], $0x40, s29, s25, $0xb8;
	[tilespmem:$0x18000] =	vst v63  }
0x126: {  	_ =	swait.ge [sflag:s6], $0x2000  }
0x127: {  	[sflag:s6] =	ssyncset.done $0x0  }
.Ltmp2:
0x128: {  	s29 =	sadd.s32 $0x2980, s10;
	[sflag:s6] =	ssyncadd.s32 $0xFFFFE000;
	(pc) =	sbr.rel @p0 .LBB2_6-.Ltmp2, $4  }
0x129: {  	[spmem:s1] =	stream.indirect.scatter.add.f32 [tilespmem:s0], [sflag:$0x5], $0x40, s29, s25, $0xb8;
	[tilespmem:$0x18000] =	vst v63  }
0x12a: {  	_ =	swait.ge [sflag:s20], $0x2000  }
0x12b: {  	[sflag:s20] =	ssyncset.done $0x0  }
0x12c: {  	s10 =	sadd.s32 $0x380, s10;
	[sflag:s20] =	ssyncadd.s32 $0xFFFFE000  }
0x12d: {  	[tilespmem:s0], [sflag:$0x4] =	stream.indirect.gather [hbm4b:s9+s25], $0x40, s10, s25, $0xb8;
	[tilespmem:$0x18000] =	vst v63  }
0x12e: {  	_ =	swait.ge [sflag:s21], $0x2000  }
0x12f: {  	[sflag:s21] =	ssyncset.done $0x0  }
0x130: {  	s8 =	simm.s32 $0x4E00;
	[sflag:s21] =	ssyncadd.s32 $0xFFFFE000  }
0x131: {  	[spmem:s1] =	stream.indirect.scatter.add.f32 [tilespmem:s26], [sflag:$0x5], $0x40, s8, s25, $0xb8;
	[tilespmem:$0x18000] =	vst v63  }
0x132: {  	_ =	swait.ge [sflag:s20], $0x2000  }
0x133: {  	[sflag:s20] =	ssyncset.done $0x0  }
0x134: {  	[sflag:s20] =	ssyncadd.s32 $0xFFFFE000  }
0x135: {  	_ =	swait.ge [sflag:s2], $0x2000  }
0x136: {  	[sflag:s2] =	ssyncset.done $0x0  }
0x137: {  	s10 =	simm.s32 $0x4E80;
	[sflag:s2] =	ssyncadd.s32 $0xFFFFE000  }
0x138: {  	[spmem:s1] =	stream.indirect.scatter.add.f32 [tilespmem:s28], [sflag:$0x5], $0x40, s10, s25, $0xb8;
	[tilespmem:$0x18000] =	vst v63  }
0x139: {  	_ =	swait.ge [sflag:s20], $0x2000  }
0x13a: {  	[sflag:s20] =	ssyncset.done $0x0  }
0x13b: {  	[sflag:s20] =	ssyncadd.s32 $0xFFFFE000  }
0x13c: {  	_ =	swait.ge [sflag:s5], $0x2000  }
0x13d: {  	[sflag:s5] =	ssyncset.done $0x0  }
0x13e: {  	s10 =	simm.s32 $0x4F00;
	[sflag:s5] =	ssyncadd.s32 $0xFFFFE000  }
0x13f: {  	[spmem:s1] =	stream.indirect.scatter.add.f32 [tilespmem:s30], [sflag:$0x5], $0x40, s10, s25, $0xb8;
	[tilespmem:$0x18000] =	vst v63  }
0x140: {  	_ =	swait.ge [sflag:s20], $0x2000  }
0x141: {  	[sflag:s20] =	ssyncset.done $0x0  }
0x142: {  	[sflag:s20] =	ssyncadd.s32 $0xFFFFE000  }
0x143: {  	_ =	swait.ge [sflag:s6], $0x2000  }
0x144: {  	[sflag:s6] =	ssyncset.done $0x0  }
0x145: {  	[sflag:s6] =	ssyncadd.s32 $0xFFFFE000  }
0x146: {  	[spmem:s1] =	stream.indirect.scatter.add.f32 [tilespmem:s0], [sflag:$0x5], $0x40, s31, s25, $0xb8;
	[tilespmem:$0x18000] =	vst v63  }
0x147: {  	_ =	swait.ge [sflag:s20], $0x2000  }
0x148: {  	[sflag:s20] =	ssyncset.done $0x0  }
0x149: {  	[sflag:s20] =	ssyncadd.s32 $0xFFFFE000  }
0x14a: {  	[bflag:$0x0] =	sbarrier.arrive $0xFFFF  }
0x14b: {  	s10 =	rddreg [dreg:$0x8]  }
0x14c: {  	[hbm:s10], [sflag:s23] =	dma.local [spmem:s24], $0x1400  }
0x14d: {  	_ =	swait.ge [sflag:s20], $0x1400  }
0x14e: {  	s3 =	sadd.s32 $0x1, s3;
	s24 =	rddreg [dreg:$0x6]  }
0x14f: {  	p0 =	sne.s32 s3, s24  }
.Ltmp3:
0x150: {  	_ = 	snop;
	(pc) =	sbr.rel @p0 .LBB2_1-.Ltmp3, $3  }
0x151: {  	_ =	sdelay $0x1  }
0x152: {  	[sflag:s20] =	ssyncset.done $0x0  }
0x153: {  	s29 =	simm.s32 $0x100;
	[sflag:s20] =	ssyncadd.s32 $0xFFFFEC00  }
0x154: {  	_ =	sfence.sel $0x180000  }
0x155: {  	[bflag:$0x0] =	sbarrier.arrive $0xFFFF  }
0x156: {  	_ =	strace $0x90000047  }
0x157: {  	s0 =	stileid.u32;
	[bflag:$0x2] =	sbarrier.arrive $0xFFFF  }
0x158: {  	p0 =	sne.s32 s0, $0x0;
	s0 =	rddreg [dreg:$0x2]  }
0x159: {  	s0 =	sadd.s32 @!p0 $0x100000, s0  }
0x15a: {  	[sflag:s0] =	ssyncadd.tile.s32 @!p0 $0x1;
	_ =	shalt  }
.Lfunc_end2:
_tile_overlayer_lowered:
.L_overlay_start_2:
0x15b: {  	(tag) =	ssettag $0x2  }
0x15c: {  	s0 =	rddreg [dreg:$0x0];
	s2 =	stileid.u32  }
0x15d: {  	s1 =	rddreg [dreg:$0x1];
	p0 =	sne.s32 s2, $0x0  }
0x15e: {  	s3 =	rddreg [dreg:$0x2];
	[bflag:$0x3] =	sbarrier.arrive $0xFFFF;
	s2 =	simm.s32 @!p0 $0x1C05  }
0x15f: {  	[timem:s3], [sflag:s2] =	dma.local @!p0 [hbm:s0], s1  }
0x160: {  	s0 =	simm.s32 @!p0 $0x5  }
0x161: {  	_ =	swait.ge @!p0 [sflag:s0], s1  }
0x162: {  	s1 =	ssub.s32 @!p0 $0x0, s1;
	[sflag:s0] =	ssyncset.done @!p0 $0x0  }
0x163: {  	[sflag:s0] =	ssyncadd.s32 @!p0 s1  }
0x164: {  	[bflag:$0x3] =	sbarrier.arrive $0xFFFF  }
0x165: {  	_ =	shalt  }

</sc_bundles>
